<compile_context>
chip_gen: v7x
topology: tpu7x:2x2x1
jax: 0.10.2.dev20260603
libtpu: 0.0.44.dev20260713+nightly
codegen_flags: <defaults>
</compile_context>

<pallas_src>
import functools

import jax
import jax.numpy as jnp
from jax import lax
from jax.experimental import pallas as pl
from jax.experimental.pallas import tpu as pltpu
from jax.experimental.pallas import tpu_sc as plsc

NC = 2
NS = 16
BATCH = 256
CB = 8
DEG_SCALE = 16.0
U_MAX = 1.0


def _round_up(x, m):
    return (x + m - 1) // m * m


def _make_sc_segsum(width, n_pad, e_pad):
    nph = n_pad // 2
    acc_rows = _round_up(nph + 8, NS * BATCH)
    ept = e_pad // NS
    nb = ept // BATCH
    cb = CB
    nch = nb // cb
    RING = 6
    LAG = 3

    mesh = plsc.VectorSubcoreMesh(core_axis_name="c", subcore_axis_name="s")

    @functools.partial(
        pl.kernel,
        out_type=jax.ShapeDtypeStruct((n_pad, width), jnp.float32),
        mesh=mesh,
        scratch_types=[
            pltpu.VMEM((cb, BATCH), jnp.int32),
            pltpu.VMEM((cb, BATCH), jnp.int32),
            [pltpu.VMEM((BATCH, width), jnp.float32) for _ in range(RING)],
            pltpu.VMEM_SHARED((acc_rows, width), jnp.float32),
            [pltpu.SemaphoreType.DMA for _ in range(RING)],
            [pltpu.SemaphoreType.DMA for _ in range(RING)],
        ],
        compiler_params=pltpu.CompilerParams(use_tc_tiling_on_sc=False),
    )
    def segsum(table, src3, dstl4, zeros, out, src_v, dst_v, rows, acc,
               gsem, ssem):
        c = lax.axis_index("c")
        s = lax.axis_index("s")

        zrows = acc_rows // NS
        zbase = s * zrows

        def zero_body(j, carry):
            pltpu.sync_copy(zeros, acc.at[pl.ds(zbase + j * BATCH, BATCH)])
            return carry

        lax.fori_loop(0, zrows // BATCH, zero_body, 0)
        plsc.subcore_barrier()

        def chunk_body(ch, carry):
            pltpu.sync_copy(src3.at[s, pl.ds(ch * cb, cb)], src_v)
            pltpu.sync_copy(dstl4.at[c, s, pl.ds(ch * cb, cb)], dst_v)
            gd = {}
            sd = {}
            for b in range(cb + LAG):
                if b < cb:
                    if b >= RING:
                        sd[b - RING].wait()
                    gd[b] = pltpu.async_copy(
                        table.at[src_v.at[b]], rows[b % RING], gsem[b % RING])
                t = b - LAG
                if t >= 0 and t < cb:
                    gd[t].wait()
                    sd[t] = pltpu.async_copy(
                        rows[t % RING], acc.at[dst_v.at[t]], ssem[t % RING],
                        add=True)
            for t in range(max(0, cb - RING), cb):
                sd[t].wait()
            return carry

        lax.fori_loop(0, nch, chunk_body, 0)
        plsc.subcore_barrier()

        dr = nph // NS
        pltpu.sync_copy(acc.at[pl.ds(s * dr, dr)],
                        out.at[pl.ds(c * nph + s * dr, dr)])

    return segsum


def _bf(x):
    return x.astype(jnp.bfloat16).astype(jnp.float32)


def _dot(a, b):
    return jnp.dot(a, b, preferred_element_type=jnp.float32)


def _hdot(a, b):
    return jnp.dot(a, b, preferred_element_type=jnp.float32,
                   precision=jax.lax.Precision.HIGHEST)


def _tc_layer0(x0p, ssc0, Ab, Bb, bm, Wub, bu, blk):
    n_pad = x0p.shape[0]
    H = Wub.shape[1]
    Hh = H // 2

    def body(x_ref, s_ref, a_ref, bw_ref, bm_ref, u_ref, bu_ref, oa_ref,
             ob_ref):
        x = x_ref[...]
        sc = s_ref[...]
        t1 = _dot(x, a_ref[...]) + bm_ref[...]
        t2 = _hdot(sc, bw_ref[...])
        cnt = sc[:, 5:6]
        aggr = _bf(cnt * t1 + t2)
        cat = jnp.concatenate([x, aggr], axis=1)
        z = jnp.maximum(_dot(cat, u_ref[...]) + bu_ref[...], 0.0)
        zb = _bf(z)
        oa_ref[...] = zb[:, :Hh]
        ob_ref[...] = zb[:, Hh:]

    return pl.pallas_call(
        body,
        grid=(n_pad // blk,),
        in_specs=[
            pl.BlockSpec((blk, 8), lambda i: (i, 0)),
            pl.BlockSpec((blk, 8), lambda i: (i, 0)),
            pl.BlockSpec((8, H), lambda i: (0, 0)),
            pl.BlockSpec((8, H), lambda i: (0, 0)),
            pl.BlockSpec((1, H), lambda i: (0, 0)),
            pl.BlockSpec((8 + H, H), lambda i: (0, 0)),
            pl.BlockSpec((1, H), lambda i: (0, 0)),
        ],
        out_specs=[pl.BlockSpec((blk, Hh), lambda i: (i, 0)),
                   pl.BlockSpec((blk, Hh), lambda i: (i, 0))],
        out_shape=[jax.ShapeDtypeStruct((n_pad, Hh), jnp.float32),
                   jax.ShapeDtypeStruct((n_pad, Hh), jnp.float32)],
    )(x0p, ssc0, Ab, Bb, bm, Wub, bu)


def _tc_layer1(xa, xb, sa, sb, cnt2, Ab, Bb, bm, Wub, bu, wrob, bro, blk):
    n_pad = xa.shape[0]
    H = Ab.shape[0]
    Hh = H // 2

    def body(xa_ref, xb_ref, sa_ref, sb_ref, c_ref, a_ref, bw_ref, bm_ref,
             u_ref, bu_ref, w_ref, br_ref, o_ref):
        x = jnp.concatenate([xa_ref[...], xb_ref[...]], axis=1)
        s = jnp.concatenate([sa_ref[...], sb_ref[...]], axis=1)
        t1 = _dot(x, a_ref[...]) + bm_ref[...]
        t2 = _hdot(s, bw_ref[...])
        aggr = _bf(c_ref[...] * t1 + t2)
        cat = jnp.concatenate([x, aggr], axis=1)
        z = jnp.maximum(_dot(cat, u_ref[...]) + bu_ref[...], 0.0)
        r = _dot(_bf(z), w_ref[...])
        o_ref[...] = U_MAX * jnp.tanh(r + br_ref[...])

    return pl.pallas_call(
        body,
        grid=(n_pad // blk,),
        in_specs=[
            pl.BlockSpec((blk, Hh), lambda i: (i, 0)),
            pl.BlockSpec((blk, Hh), lambda i: (i, 0)),
            pl.BlockSpec((blk, Hh), lambda i: (i, 0)),
            pl.BlockSpec((blk, Hh), lambda i: (i, 0)),
            pl.BlockSpec((blk, 1), lambda i: (i, 0)),
            pl.BlockSpec((H, H), lambda i: (0, 0)),
            pl.BlockSpec((H, H), lambda i: (0, 0)),
            pl.BlockSpec((1, H), lambda i: (0, 0)),
            pl.BlockSpec((2 * H, H), lambda i: (0, 0)),
            pl.BlockSpec((1, H), lambda i: (0, 0)),
            pl.BlockSpec((H, 1), lambda i: (0, 0)),
            pl.BlockSpec((1, 1), lambda i: (0, 0)),
        ],
        out_specs=pl.BlockSpec((blk, 1), lambda i: (i, 0)),
        out_shape=jax.ShapeDtypeStruct((n_pad, 1), jnp.float32),
    )(xa, xb, sa, sb, cnt2, Ab, Bb, bm, Wub, bu, wrob, bro)


def kernel(node_feat, edge_index, deg, W_msg0, b_msg0, W_upd0, b_upd0,
           W_msg1, b_msg1, W_upd1, b_upd1, W_ro, b_ro):
    N = node_feat.shape[0]
    E = edge_index.shape[1]
    IN = node_feat.shape[1]
    H = W_msg0.shape[1]

    n_pad = _round_up(N, NC * NS * BATCH // 2)
    nph = n_pad // 2
    dummy = nph
    e_pad = _round_up(E, NS * BATCH * CB)

    src = edge_index[0].astype(jnp.int32)
    dst = edge_index[1].astype(jnp.int32)
    pad_e = e_pad - E
    src_p = jnp.pad(src, (0, pad_e))
    dmy = dummy + (jnp.arange(e_pad, dtype=jnp.int32) & 1023)
    d0 = jnp.where(dst < nph, dst, dmy[:E])
    d1 = jnp.where(dst >= nph, dst - nph, dmy[:E])
    dstl = jnp.stack([jnp.concatenate([d0, dmy[E:]]),
                      jnp.concatenate([d1, dmy[E:]])])
    nb = e_pad // NS // BATCH
    src3 = src_p.reshape(NS, nb, BATCH)
    dstl4 = dstl.reshape(NC, NS, nb, BATCH)

    x0 = jnp.concatenate([node_feat[:, :4], (deg / DEG_SCALE)[:, None]],
                         axis=1)
    x0p = jnp.zeros((n_pad, 8), jnp.float32)
    x0p = x0p.at[:N, :IN].set(_bf(x0))
    x0p = x0p.at[:N, 5].set(1.0)

    Ab0 = jnp.zeros((8, H), jnp.float32).at[:IN].set(_bf(W_msg0[:IN]))
    Bb0 = jnp.zeros((8, H), jnp.float32).at[:IN].set(_bf(W_msg0[IN:]))
    bm0 = b_msg0[None, :]
    Wu0p = jnp.zeros((8 + H, H), jnp.float32)
    Wu0p = Wu0p.at[:IN].set(_bf(W_upd0[:IN])).at[8:].set(_bf(W_upd0[IN:]))
    bu0 = b_upd0[None, :]

    Ab1 = _bf(W_msg1[:H])
    Bb1 = _bf(W_msg1[H:])
    bm1 = b_msg1[None, :]
    Wu1b = _bf(W_upd1)
    bu1 = b_upd1[None, :]
    wrob = _bf(W_ro)
    bro = b_ro[None, :]

    Hh = H // 2
    zeros8 = jnp.zeros((BATCH, 8), jnp.float32)
    zerosh = jnp.zeros((BATCH, Hh), jnp.float32)

    ssc0 = _make_sc_segsum(8, n_pad, e_pad)(x0p, src3, dstl4, zeros8)
    cnt2 = ssc0[:, 5:6]

    blk = 2048
    xa, xb = _tc_layer0(x0p, ssc0, Ab0, Bb0, bm0, Wu0p, bu0, blk)

    segh = _make_sc_segsum(Hh, n_pad, e_pad)
    sa = segh(xa, src3, dstl4, zerosh)
    sb = segh(xb, src3, dstl4, zerosh)

    out = _tc_layer1(xa, xb, sa, sb, cnt2, Ab1, Bb1, bm1, Wu1b, bu1,
                     wrob, bro, blk)
    return out[:N, 0]

# --- scband reference (transcript-rebuilt; emitter-appended) ---
"""Pipeline reference for scband-gnnaugmentor-25529285607737 (READ-ONLY COPY).

The authoritative reference and input builder live on the scoring server;
editing this copy changes nothing except your own understanding.
"""

import jax, jax.numpy as jnp
import numpy as np

N, E, H = 50000, 800000, 64
IN = 5
U_MAX = 1.0
DEG_SCALE = 16.0

def setup_inputs(seed: int = 0) -> dict:
    key = jax.random.key(seed)
    ks = jax.random.split(key, 14)
    node_feat = jax.random.normal(ks[0], (N, IN), dtype=jnp.float32)
    edge_index = jax.random.randint(ks[1], (2, E), 0, N)
    deg = jax.random.uniform(ks[2], (N,), dtype=jnp.float32)
    s = 0.1
    W_msg0 = jax.random.normal(ks[3], (2 * IN, H), dtype=jnp.float32) * s
    b_msg0 = jnp.zeros((H,), dtype=jnp.float32)
    W_upd0 = jax.random.normal(ks[4], (IN + H, H), dtype=jnp.float32) * s
    b_upd0 = jnp.zeros((H,), dtype=jnp.float32)
    W_msg1 = jax.random.normal(ks[5], (2 * H, H), dtype=jnp.float32) * s
    b_msg1 = jnp.zeros((H,), dtype=jnp.float32)
    W_upd1 = jax.random.normal(ks[6], (2 * H, H), dtype=jnp.float32) * s
    b_upd1 = jnp.zeros((H,), dtype=jnp.float32)
    W_ro = jax.random.normal(ks[7], (H, 1), dtype=jnp.float32) * s
    b_ro = jnp.zeros((1,), dtype=jnp.float32)
    return {"node_feat": node_feat, "edge_index": edge_index, "deg": deg,
            "W_msg0": W_msg0, "b_msg0": b_msg0, "W_upd0": W_upd0, "b_upd0": b_upd0,
            "W_msg1": W_msg1, "b_msg1": b_msg1, "W_upd1": W_upd1, "b_upd1": b_upd1,
            "W_ro": W_ro, "b_ro": b_ro}

def _mpnn_layer(x, src, dst, Wm, bm, Wu, bu):
    # PyG MessagePassing (flow source_to_target): x_j = x[src], x_i = x[dst]
    x_i = x[dst]
    x_j = x[src]
    msg = jnp.concatenate([x_i, x_j], axis=-1) @ Wm + bm
    aggr = jax.ops.segment_sum(msg, dst, num_segments=x.shape[0])
    out = jnp.concatenate([x, aggr], axis=-1) @ Wu + bu
    return out

def reference(node_feat, edge_index, deg, W_msg0, b_msg0, W_upd0, b_upd0,
              W_msg1, b_msg1, W_upd1, b_upd1, W_ro, b_ro):
    e_n = node_feat[:, 0] / 1.0
    v_n = node_feat[:, 1] / 1.0
    I_n = node_feat[:, 2] / 1.0
    u_pid_n = node_feat[:, 3] / 1.0
    deg_n = deg / DEG_SCALE
    x = jnp.stack([e_n, v_n, I_n, u_pid_n, deg_n], axis=1)
    src = edge_index[0]
    dst = edge_index[1]
    x = jax.nn.relu(_mpnn_layer(x, src, dst, W_msg0, b_msg0, W_upd0, b_upd0))
    x = jax.nn.relu(_mpnn_layer(x, src, dst, W_msg1, b_msg1, W_upd1, b_upd1))
    raw = (x @ W_ro + b_ro).squeeze(-1)
    u_gnn = U_MAX * jnp.tanh(raw)
    return u_gnn

if __name__ == "__main__":
    import jax
    _d = setup_inputs()
    print(jax.jit(kernel)(*tuple(_d.values())))

</pallas_src>

<mosaic_0001>
#map = affine_map<(d0, d1) -> (0, 0)>
#map1 = affine_map<(d0, d1) -> (0, 0, 0)>
#map2 = affine_map<(d0, d1) -> (0, 0, 0, 0)>
module attributes {stable_mosaic.version = 14 : i64} {
  func.func @segsum(%arg0: i32, %arg1: i32, %arg2: memref<53248x32xf32, #tpu.memory_space<hbm>>, %arg3: memref<16x200x256xi32, #tpu.memory_space<hbm>>, %arg4: memref<2x16x200x256xi32, #tpu.memory_space<hbm>>, %arg5: memref<256x32xf32, #tpu.memory_space<hbm>>, %arg6: memref<53248x32xf32, #tpu.memory_space<hbm>>, %arg7: memref<8x256xi32, #tpu.memory_space<vmem>>, %arg8: memref<8x256xi32, #tpu.memory_space<vmem>>, %arg9: memref<256x32xf32, #tpu.memory_space<vmem>>, %arg10: memref<256x32xf32, #tpu.memory_space<vmem>>, %arg11: memref<256x32xf32, #tpu.memory_space<vmem>>, %arg12: memref<256x32xf32, #tpu.memory_space<vmem>>, %arg13: memref<256x32xf32, #tpu.memory_space<vmem>>, %arg14: memref<256x32xf32, #tpu.memory_space<vmem>>, %arg15: memref<28672x32xf32, #tpu.memory_space<vmem_shared>>, %arg16: memref<!tpu.dma_semaphore, #tpu.memory_space<semaphore_mem>>, %arg17: memref<!tpu.dma_semaphore, #tpu.memory_space<semaphore_mem>>, %arg18: memref<!tpu.dma_semaphore, #tpu.memory_space<semaphore_mem>>, %arg19: memref<!tpu.dma_semaphore, #tpu.memory_space<semaphore_mem>>, %arg20: memref<!tpu.dma_semaphore, #tpu.memory_space<semaphore_mem>>, %arg21: memref<!tpu.dma_semaphore, #tpu.memory_space<semaphore_mem>>, %arg22: memref<!tpu.dma_semaphore, #tpu.memory_space<semaphore_mem>>, %arg23: memref<!tpu.dma_semaphore, #tpu.memory_space<semaphore_mem>>, %arg24: memref<!tpu.dma_semaphore, #tpu.memory_space<semaphore_mem>>, %arg25: memref<!tpu.dma_semaphore, #tpu.memory_space<semaphore_mem>>, %arg26: memref<!tpu.dma_semaphore, #tpu.memory_space<semaphore_mem>>, %arg27: memref<!tpu.dma_semaphore, #tpu.memory_space<semaphore_mem>>) attributes {dimension_semantics = [#tpu.dimension_semantics<core_parallel>, #tpu.dimension_semantics<subcore_parallel>], iteration_bounds = array<i64: 2, 16>, scalar_prefetch = 0 : i64, scratch_operands = 21 : i64, tpu.core_type = #tpu.core_type<sc_vector_subcore>, window_params = [{transform_indices = #map}, {transform_indices = #map1}, {transform_indices = #map2}, {transform_indices = #map}, {transform_indices = #map}]} {
    %mul3A = arith.constant 1792 : i32
    %mul3A_0 = arith.muli %arg1, %mul3A : i32
    %scan3A = arith.constant 0 : i32
    %scan3A_1 = arith.constant 0 : i32
    %scan3A_2 = arith.constant 7 : i32
    %scan3A_3 = arith.addi %scan3A_1, %scan3A_2 : i32
    %scan3A_4 = arith.constant 1 : i32
    scf.for %scan3A_19 = %scan3A_1 to %scan3A_3 step %scan3A_4  : i32 {
      %mul3A_20 = arith.constant 256 : i32
      %mul3A_21 = arith.muli %scan3A_19, %mul3A_20 : i32
      %add3A_22 = arith.addi %mul3A_0, %mul3A_21 : i32
      "tpu.region"() ({
        %run_scoped3A = tpu.sem_alloc : memref<!tpu.dma_semaphore, #tpu.memory_space<semaphore_mem>>
        %dma_start3A = arith.constant 0 : i32
        %dma_start3A_23 = tpu.memref_slice %arg15[%add3A_22, %dma_start3A] : memref<28672x32xf32, #tpu.memory_space<vmem_shared>> -> memref<256x32xf32, #tpu.memory_space<vmem_shared>>
        tpu.enqueue_dma source(%arg5 : memref<256x32xf32, #tpu.memory_space<hbm>>) target(%dma_start3A_23 : memref<256x32xf32, #tpu.memory_space<vmem_shared>>) target_semaphore(%run_scoped3A : memref<!tpu.dma_semaphore, #tpu.memory_space<semaphore_mem>>)
        %dma_wait3A = arith.constant 0 : i32
        %dma_wait3A_24 = tpu.memref_slice %arg15[%add3A_22, %dma_wait3A] : memref<28672x32xf32, #tpu.memory_space<vmem_shared>> -> memref<256x32xf32, #tpu.memory_space<vmem_shared>>
        tpu.wait_dma2 semaphore(%run_scoped3A : memref<!tpu.dma_semaphore, #tpu.memory_space<semaphore_mem>>) src(%arg5 : memref<256x32xf32, #tpu.memory_space<hbm>>) dst(%dma_wait3A_24 : memref<256x32xf32, #tpu.memory_space<vmem_shared>>)
        tpu.yield
      }) : () -> ()
    }
    %scan3A_5 = arith.constant 7 : i32
    %barrier3A = arith.constant 0 : index
    tpu.barrier barrier_id(%barrier3A)
    %scan3A_6 = arith.constant 0 : i32
    %scan3A_7 = arith.constant 0 : i32
    %scan3A_8 = arith.constant 25 : i32
    %scan3A_9 = arith.addi %scan3A_7, %scan3A_8 : i32
    %scan3A_10 = arith.constant 1 : i32
    scf.for %scan3A_19 = %scan3A_7 to %scan3A_9 step %scan3A_10  : i32 {
      %mul3A_20 = arith.constant 8 : i32
      %mul3A_21 = arith.muli %scan3A_19, %mul3A_20 : i32
      "tpu.region"() ({
        %run_scoped3A = tpu.sem_alloc : memref<!tpu.dma_semaphore, #tpu.memory_space<semaphore_mem>>
        %dma_start3A_246 = arith.constant 0 : i32
        %dma_start3A_247 = tpu.memref_slice %arg3[%arg1, %mul3A_21, %dma_start3A_246] : memref<16x200x256xi32, #tpu.memory_space<hbm>> -> memref<1x8x256xi32, #tpu.memory_space<hbm>>
        %dma_start3A_248 = tpu.memref_squeeze %dma_start3A_247 : memref<1x8x256xi32, #tpu.memory_space<hbm>> -> memref<8x256xi32, #tpu.memory_space<hbm>>
        %dma_start3A_249 = arith.constant 0 : i32
        %dma_start3A_250 = tpu.memref_slice %arg3[%arg1, %mul3A_21, %dma_start3A_249] : memref<16x200x256xi32, #tpu.memory_space<hbm>> -> memref<1x8x256xi32, #tpu.memory_space<hbm>>
        %dma_start3A_251 = tpu.memref_squeeze %dma_start3A_250 : memref<1x8x256xi32, #tpu.memory_space<hbm>> -> memref<8x256xi32, #tpu.memory_space<hbm>>
        tpu.enqueue_dma source(%dma_start3A_251 : memref<8x256xi32, #tpu.memory_space<hbm>>) target(%arg7 : memref<8x256xi32, #tpu.memory_space<vmem>>) target_semaphore(%run_scoped3A : memref<!tpu.dma_semaphore, #tpu.memory_space<semaphore_mem>>)
        %dma_wait3A_252 = arith.constant 0 : i32
        %dma_wait3A_253 = tpu.memref_slice %arg3[%arg1, %mul3A_21, %dma_wait3A_252] : memref<16x200x256xi32, #tpu.memory_space<hbm>> -> memref<1x8x256xi32, #tpu.memory_space<hbm>>
        %dma_wait3A_254 = tpu.memref_squeeze %dma_wait3A_253 : memref<1x8x256xi32, #tpu.memory_space<hbm>> -> memref<8x256xi32, #tpu.memory_space<hbm>>
        %dma_wait3A_255 = arith.constant 0 : i32
        %dma_wait3A_256 = tpu.memref_slice %arg3[%arg1, %mul3A_21, %dma_wait3A_255] : memref<16x200x256xi32, #tpu.memory_space<hbm>> -> memref<1x8x256xi32, #tpu.memory_space<hbm>>
        %dma_wait3A_257 = tpu.memref_squeeze %dma_wait3A_256 : memref<1x8x256xi32, #tpu.memory_space<hbm>> -> memref<8x256xi32, #tpu.memory_space<hbm>>
        tpu.wait_dma2 semaphore(%run_scoped3A : memref<!tpu.dma_semaphore, #tpu.memory_space<semaphore_mem>>) src(%dma_wait3A_257 : memref<8x256xi32, #tpu.memory_space<hbm>>) dst(%arg7 : memref<8x256xi32, #tpu.memory_space<vmem>>)
        tpu.yield
      }) : () -> ()
      %mul3A_22 = arith.constant 8 : i32
      %mul3A_23 = arith.muli %scan3A_19, %mul3A_22 : i32
      "tpu.region"() ({
        %run_scoped3A = tpu.sem_alloc : memref<!tpu.dma_semaphore, #tpu.memory_space<semaphore_mem>>
        %dma_start3A_246 = arith.constant 0 : i32
        %dma_start3A_247 = tpu.memref_slice %arg4[%arg0, %arg1, %mul3A_23, %dma_start3A_246] : memref<2x16x200x256xi32, #tpu.memory_space<hbm>> -> memref<1x1x8x256xi32, #tpu.memory_space<hbm>>
        %dma_start3A_248 = tpu.memref_squeeze %dma_start3A_247 : memref<1x1x8x256xi32, #tpu.memory_space<hbm>> -> memref<8x256xi32, #tpu.memory_space<hbm>>
        %dma_start3A_249 = arith.constant 0 : i32
        %dma_start3A_250 = tpu.memref_slice %arg4[%arg0, %arg1, %mul3A_23, %dma_start3A_249] : memref<2x16x200x256xi32, #tpu.memory_space<hbm>> -> memref<1x1x8x256xi32, #tpu.memory_space<hbm>>
        %dma_start3A_251 = tpu.memref_squeeze %dma_start3A_250 : memref<1x1x8x256xi32, #tpu.memory_space<hbm>> -> memref<8x256xi32, #tpu.memory_space<hbm>>
        tpu.enqueue_dma source(%dma_start3A_251 : memref<8x256xi32, #tpu.memory_space<hbm>>) target(%arg8 : memref<8x256xi32, #tpu.memory_space<vmem>>) target_semaphore(%run_scoped3A : memref<!tpu.dma_semaphore, #tpu.memory_space<semaphore_mem>>)
        %dma_wait3A_252 = arith.constant 0 : i32
        %dma_wait3A_253 = tpu.memref_slice %arg4[%arg0, %arg1, %mul3A_23, %dma_wait3A_252] : memref<2x16x200x256xi32, #tpu.memory_space<hbm>> -> memref<1x1x8x256xi32, #tpu.memory_space<hbm>>
        %dma_wait3A_254 = tpu.memref_squeeze %dma_wait3A_253 : memref<1x1x8x256xi32, #tpu.memory_space<hbm>> -> memref<8x256xi32, #tpu.memory_space<hbm>>
        %dma_wait3A_255 = arith.constant 0 : i32
        %dma_wait3A_256 = tpu.memref_slice %arg4[%arg0, %arg1, %mul3A_23, %dma_wait3A_255] : memref<2x16x200x256xi32, #tpu.memory_space<hbm>> -> memref<1x1x8x256xi32, #tpu.memory_space<hbm>>
        %dma_wait3A_257 = tpu.memref_squeeze %dma_wait3A_256 : memref<1x1x8x256xi32, #tpu.memory_space<hbm>> -> memref<8x256xi32, #tpu.memory_space<hbm>>
        tpu.wait_dma2 semaphore(%run_scoped3A : memref<!tpu.dma_semaphore, #tpu.memory_space<semaphore_mem>>) src(%dma_wait3A_257 : memref<8x256xi32, #tpu.memory_space<hbm>>) dst(%arg8 : memref<8x256xi32, #tpu.memory_space<vmem>>)
        tpu.yield
      }) : () -> ()
      %dma_start3A = arith.constant 0 : i32
      %dma_start3A_24 = arith.constant 0 : i32
      %dma_start3A_25 = tpu.memref_slice %arg7[%dma_start3A, %dma_start3A_24] : memref<8x256xi32, #tpu.memory_space<vmem>> -> memref<1x256xi32, #tpu.memory_space<vmem>>
      %dma_start3A_26 = tpu.memref_squeeze %dma_start3A_25 : memref<1x256xi32, #tpu.memory_space<vmem>> -> memref<256xi32, #tpu.memory_space<vmem>>
      %dma_start3A_27 = arith.constant 0 : i32
      %dma_start3A_28 = arith.constant 0 : i32
      %dma_start3A_29 = tpu.memref_slice %arg2[%dma_start3A_27, %dma_start3A_28] : memref<53248x32xf32, #tpu.memory_space<hbm>> -> memref<53248x32xf32, #tpu.memory_space<hbm>>
      tpu.enqueue_indirect_dma source(%dma_start3A_29 : memref<53248x32xf32, #tpu.memory_space<hbm>>) target(%arg9 : memref<256x32xf32, #tpu.memory_space<vmem>>) offsets(%dma_start3A_26 : memref<256xi32, #tpu.memory_space<vmem>>) semaphore(%arg16 : memref<!tpu.dma_semaphore, #tpu.memory_space<semaphore_mem>>)
      %dma_start3A_30 = arith.constant 1 : i32
      %dma_start3A_31 = arith.constant 0 : i32
      %dma_start3A_32 = tpu.memref_slice %arg7[%dma_start3A_30, %dma_start3A_31] : memref<8x256xi32, #tpu.memory_space<vmem>> -> memref<1x256xi32, #tpu.memory_space<vmem>>
      %dma_start3A_33 = tpu.memref_squeeze %dma_start3A_32 : memref<1x256xi32, #tpu.memory_space<vmem>> -> memref<256xi32, #tpu.memory_space<vmem>>
      %dma_start3A_34 = arith.constant 0 : i32
      %dma_start3A_35 = arith.constant 0 : i32
      %dma_start3A_36 = tpu.memref_slice %arg2[%dma_start3A_34, %dma_start3A_35] : memref<53248x32xf32, #tpu.memory_space<hbm>> -> memref<53248x32xf32, #tpu.memory_space<hbm>>
      tpu.enqueue_indirect_dma source(%dma_start3A_36 : memref<53248x32xf32, #tpu.memory_space<hbm>>) target(%arg10 : memref<256x32xf32, #tpu.memory_space<vmem>>) offsets(%dma_start3A_33 : memref<256xi32, #tpu.memory_space<vmem>>) semaphore(%arg17 : memref<!tpu.dma_semaphore, #tpu.memory_space<semaphore_mem>>)
      %dma_start3A_37 = arith.constant 2 : i32
      %dma_start3A_38 = arith.constant 0 : i32
      %dma_start3A_39 = tpu.memref_slice %arg7[%dma_start3A_37, %dma_start3A_38] : memref<8x256xi32, #tpu.memory_space<vmem>> -> memref<1x256xi32, #tpu.memory_space<vmem>>
      %dma_start3A_40 = tpu.memref_squeeze %dma_start3A_39 : memref<1x256xi32, #tpu.memory_space<vmem>> -> memref<256xi32, #tpu.memory_space<vmem>>
      %dma_start3A_41 = arith.constant 0 : i32
      %dma_start3A_42 = arith.constant 0 : i32
      %dma_start3A_43 = tpu.memref_slice %arg2[%dma_start3A_41, %dma_start3A_42] : memref<53248x32xf32, #tpu.memory_space<hbm>> -> memref<53248x32xf32, #tpu.memory_space<hbm>>
      tpu.enqueue_indirect_dma source(%dma_start3A_43 : memref<53248x32xf32, #tpu.memory_space<hbm>>) target(%arg11 : memref<256x32xf32, #tpu.memory_space<vmem>>) offsets(%dma_start3A_40 : memref<256xi32, #tpu.memory_space<vmem>>) semaphore(%arg18 : memref<!tpu.dma_semaphore, #tpu.memory_space<semaphore_mem>>)
      %dma_start3A_44 = arith.constant 3 : i32
      %dma_start3A_45 = arith.constant 0 : i32
      %dma_start3A_46 = tpu.memref_slice %arg7[%dma_start3A_44, %dma_start3A_45] : memref<8x256xi32, #tpu.memory_space<vmem>> -> memref<1x256xi32, #tpu.memory_space<vmem>>
      %dma_start3A_47 = tpu.memref_squeeze %dma_start3A_46 : memref<1x256xi32, #tpu.memory_space<vmem>> -> memref<256xi32, #tpu.memory_space<vmem>>
      %dma_start3A_48 = arith.constant 0 : i32
      %dma_start3A_49 = arith.constant 0 : i32
      %dma_start3A_50 = tpu.memref_slice %arg2[%dma_start3A_48, %dma_start3A_49] : memref<53248x32xf32, #tpu.memory_space<hbm>> -> memref<53248x32xf32, #tpu.memory_space<hbm>>
      tpu.enqueue_indirect_dma source(%dma_start3A_50 : memref<53248x32xf32, #tpu.memory_space<hbm>>) target(%arg12 : memref<256x32xf32, #tpu.memory_space<vmem>>) offsets(%dma_start3A_47 : memref<256xi32, #tpu.memory_space<vmem>>) semaphore(%arg19 : memref<!tpu.dma_semaphore, #tpu.memory_space<semaphore_mem>>)
      %dma_wait3A = arith.constant 0 : i32
      %dma_wait3A_51 = arith.constant 0 : i32
      %dma_wait3A_52 = tpu.memref_slice %arg7[%dma_wait3A, %dma_wait3A_51] : memref<8x256xi32, #tpu.memory_space<vmem>> -> memref<1x256xi32, #tpu.memory_space<vmem>>
      %dma_wait3A_53 = tpu.memref_squeeze %dma_wait3A_52 : memref<1x256xi32, #tpu.memory_space<vmem>> -> memref<256xi32, #tpu.memory_space<vmem>>
      %dma_wait3A_54 = arith.constant 0 : i32
      %dma_wait3A_55 = arith.constant 0 : i32
      %dma_wait3A_56 = tpu.memref_slice %arg2[%dma_wait3A_54, %dma_wait3A_55] : memref<53248x32xf32, #tpu.memory_space<hbm>> -> memref<53248x32xf32, #tpu.memory_space<hbm>>
      tpu.wait_indirect_dma semaphore(%arg16 : memref<!tpu.dma_semaphore, #tpu.memory_space<semaphore_mem>>) src(%dma_wait3A_56 : memref<53248x32xf32, #tpu.memory_space<hbm>>) dst(%arg9 : memref<256x32xf32, #tpu.memory_space<vmem>>)
      %dma_start3A_57 = arith.constant 0 : i32
      %dma_start3A_58 = arith.constant 0 : i32
      %dma_start3A_59 = tpu.memref_slice %arg8[%dma_start3A_57, %dma_start3A_58] : memref<8x256xi32, #tpu.memory_space<vmem>> -> memref<1x256xi32, #tpu.memory_space<vmem>>
      %dma_start3A_60 = tpu.memref_squeeze %dma_start3A_59 : memref<1x256xi32, #tpu.memory_space<vmem>> -> memref<256xi32, #tpu.memory_space<vmem>>
      %dma_start3A_61 = arith.constant 0 : i32
      %dma_start3A_62 = arith.constant 0 : i32
      %dma_start3A_63 = tpu.memref_slice %arg15[%dma_start3A_61, %dma_start3A_62] : memref<28672x32xf32, #tpu.memory_space<vmem_shared>> -> memref<28672x32xf32, #tpu.memory_space<vmem_shared>>
      tpu.enqueue_indirect_dma source(%arg9 : memref<256x32xf32, #tpu.memory_space<vmem>>) target(%dma_start3A_63 : memref<28672x32xf32, #tpu.memory_space<vmem_shared>>) offsets(%dma_start3A_60 : memref<256xi32, #tpu.memory_space<vmem>>) semaphore(%arg22 : memref<!tpu.dma_semaphore, #tpu.memory_space<semaphore_mem>>) {add = true}
      %dma_start3A_64 = arith.constant 4 : i32
      %dma_start3A_65 = arith.constant 0 : i32
      %dma_start3A_66 = tpu.memref_slice %arg7[%dma_start3A_64, %dma_start3A_65] : memref<8x256xi32, #tpu.memory_space<vmem>> -> memref<1x256xi32, #tpu.memory_space<vmem>>
      %dma_start3A_67 = tpu.memref_squeeze %dma_start3A_66 : memref<1x256xi32, #tpu.memory_space<vmem>> -> memref<256xi32, #tpu.memory_space<vmem>>
      %dma_start3A_68 = arith.constant 0 : i32
      %dma_start3A_69 = arith.constant 0 : i32
      %dma_start3A_70 = tpu.memref_slice %arg2[%dma_start3A_68, %dma_start3A_69] : memref<53248x32xf32, #tpu.memory_space<hbm>> -> memref<53248x32xf32, #tpu.memory_space<hbm>>
      tpu.enqueue_indirect_dma source(%dma_start3A_70 : memref<53248x32xf32, #tpu.memory_space<hbm>>) target(%arg13 : memref<256x32xf32, #tpu.memory_space<vmem>>) offsets(%dma_start3A_67 : memref<256xi32, #tpu.memory_space<vmem>>) semaphore(%arg20 : memref<!tpu.dma_semaphore, #tpu.memory_space<semaphore_mem>>)
      %dma_wait3A_71 = arith.constant 1 : i32
      %dma_wait3A_72 = arith.constant 0 : i32
      %dma_wait3A_73 = tpu.memref_slice %arg7[%dma_wait3A_71, %dma_wait3A_72] : memref<8x256xi32, #tpu.memory_space<vmem>> -> memref<1x256xi32, #tpu.memory_space<vmem>>
      %dma_wait3A_74 = tpu.memref_squeeze %dma_wait3A_73 : memref<1x256xi32, #tpu.memory_space<vmem>> -> memref<256xi32, #tpu.memory_space<vmem>>
      %dma_wait3A_75 = arith.constant 0 : i32
      %dma_wait3A_76 = arith.constant 0 : i32
      %dma_wait3A_77 = tpu.memref_slice %arg2[%dma_wait3A_75, %dma_wait3A_76] : memref<53248x32xf32, #tpu.memory_space<hbm>> -> memref<53248x32xf32, #tpu.memory_space<hbm>>
      tpu.wait_indirect_dma semaphore(%arg17 : memref<!tpu.dma_semaphore, #tpu.memory_space<semaphore_mem>>) src(%dma_wait3A_77 : memref<53248x32xf32, #tpu.memory_space<hbm>>) dst(%arg10 : memref<256x32xf32, #tpu.memory_space<vmem>>)
      %dma_start3A_78 = arith.constant 1 : i32
      %dma_start3A_79 = arith.constant 0 : i32
      %dma_start3A_80 = tpu.memref_slice %arg8[%dma_start3A_78, %dma_start3A_79] : memref<8x256xi32, #tpu.memory_space<vmem>> -> memref<1x256xi32, #tpu.memory_space<vmem>>
      %dma_start3A_81 = tpu.memref_squeeze %dma_start3A_80 : memref<1x256xi32, #tpu.memory_space<vmem>> -> memref<256xi32, #tpu.memory_space<vmem>>
      %dma_start3A_82 = arith.constant 0 : i32
      %dma_start3A_83 = arith.constant 0 : i32
      %dma_start3A_84 = tpu.memref_slice %arg15[%dma_start3A_82, %dma_start3A_83] : memref<28672x32xf32, #tpu.memory_space<vmem_shared>> -> memref<28672x32xf32, #tpu.memory_space<vmem_shared>>
      tpu.enqueue_indirect_dma source(%arg10 : memref<256x32xf32, #tpu.memory_space<vmem>>) target(%dma_start3A_84 : memref<28672x32xf32, #tpu.memory_space<vmem_shared>>) offsets(%dma_start3A_81 : memref<256xi32, #tpu.memory_space<vmem>>) semaphore(%arg23 : memref<!tpu.dma_semaphore, #tpu.memory_space<semaphore_mem>>) {add = true}
      %dma_start3A_85 = arith.constant 5 : i32
      %dma_start3A_86 = arith.constant 0 : i32
      %dma_start3A_87 = tpu.memref_slice %arg7[%dma_start3A_85, %dma_start3A_86] : memref<8x256xi32, #tpu.memory_space<vmem>> -> memref<1x256xi32, #tpu.memory_space<vmem>>
      %dma_start3A_88 = tpu.memref_squeeze %dma_start3A_87 : memref<1x256xi32, #tpu.memory_space<vmem>> -> memref<256xi32, #tpu.memory_space<vmem>>
      %dma_start3A_89 = arith.constant 0 : i32
      %dma_start3A_90 = arith.constant 0 : i32
      %dma_start3A_91 = tpu.memref_slice %arg2[%dma_start3A_89, %dma_start3A_90] : memref<53248x32xf32, #tpu.memory_space<hbm>> -> memref<53248x32xf32, #tpu.memory_space<hbm>>
      tpu.enqueue_indirect_dma source(%dma_start3A_91 : memref<53248x32xf32, #tpu.memory_space<hbm>>) target(%arg14 : memref<256x32xf32, #tpu.memory_space<vmem>>) offsets(%dma_start3A_88 : memref<256xi32, #tpu.memory_space<vmem>>) semaphore(%arg21 : memref<!tpu.dma_semaphore, #tpu.memory_space<semaphore_mem>>)
      %dma_wait3A_92 = arith.constant 2 : i32
      %dma_wait3A_93 = arith.constant 0 : i32
      %dma_wait3A_94 = tpu.memref_slice %arg7[%dma_wait3A_92, %dma_wait3A_93] : memref<8x256xi32, #tpu.memory_space<vmem>> -> memref<1x256xi32, #tpu.memory_space<vmem>>
      %dma_wait3A_95 = tpu.memref_squeeze %dma_wait3A_94 : memref<1x256xi32, #tpu.memory_space<vmem>> -> memref<256xi32, #tpu.memory_space<vmem>>
      %dma_wait3A_96 = arith.constant 0 : i32
      %dma_wait3A_97 = arith.constant 0 : i32
      %dma_wait3A_98 = tpu.memref_slice %arg2[%dma_wait3A_96, %dma_wait3A_97] : memref<53248x32xf32, #tpu.memory_space<hbm>> -> memref<53248x32xf32, #tpu.memory_space<hbm>>
      tpu.wait_indirect_dma semaphore(%arg18 : memref<!tpu.dma_semaphore, #tpu.memory_space<semaphore_mem>>) src(%dma_wait3A_98 : memref<53248x32xf32, #tpu.memory_space<hbm>>) dst(%arg11 : memref<256x32xf32, #tpu.memory_space<vmem>>)
      %dma_start3A_99 = arith.constant 2 : i32
      %dma_start3A_100 = arith.constant 0 : i32
      %dma_start3A_101 = tpu.memref_slice %arg8[%dma_start3A_99, %dma_start3A_100] : memref<8x256xi32, #tpu.memory_space<vmem>> -> memref<1x256xi32, #tpu.memory_space<vmem>>
      %dma_start3A_102 = tpu.memref_squeeze %dma_start3A_101 : memref<1x256xi32, #tpu.memory_space<vmem>> -> memref<256xi32, #tpu.memory_space<vmem>>
      %dma_start3A_103 = arith.constant 0 : i32
      %dma_start3A_104 = arith.constant 0 : i32
      %dma_start3A_105 = tpu.memref_slice %arg15[%dma_start3A_103, %dma_start3A_104] : memref<28672x32xf32, #tpu.memory_space<vmem_shared>> -> memref<28672x32xf32, #tpu.memory_space<vmem_shared>>
      tpu.enqueue_indirect_dma source(%arg11 : memref<256x32xf32, #tpu.memory_space<vmem>>) target(%dma_start3A_105 : memref<28672x32xf32, #tpu.memory_space<vmem_shared>>) offsets(%dma_start3A_102 : memref<256xi32, #tpu.memory_space<vmem>>) semaphore(%arg24 : memref<!tpu.dma_semaphore, #tpu.memory_space<semaphore_mem>>) {add = true}
      %dma_wait3A_106 = arith.constant 0 : i32
      %dma_wait3A_107 = arith.constant 0 : i32
      %dma_wait3A_108 = tpu.memref_slice %arg8[%dma_wait3A_106, %dma_wait3A_107] : memref<8x256xi32, #tpu.memory_space<vmem>> -> memref<1x256xi32, #tpu.memory_space<vmem>>
      %dma_wait3A_109 = tpu.memref_squeeze %dma_wait3A_108 : memref<1x256xi32, #tpu.memory_space<vmem>> -> memref<256xi32, #tpu.memory_space<vmem>>
      %dma_wait3A_110 = arith.constant 0 : i32
      %dma_wait3A_111 = arith.constant 0 : i32
      %dma_wait3A_112 = tpu.memref_slice %arg15[%dma_wait3A_110, %dma_wait3A_111] : memref<28672x32xf32, #tpu.memory_space<vmem_shared>> -> memref<28672x32xf32, #tpu.memory_space<vmem_shared>>
      tpu.wait_indirect_dma semaphore(%arg22 : memref<!tpu.dma_semaphore, #tpu.memory_space<semaphore_mem>>) src(%arg9 : memref<256x32xf32, #tpu.memory_space<vmem>>) dst(%dma_wait3A_112 : memref<28672x32xf32, #tpu.memory_space<vmem_shared>>)
      %dma_start3A_113 = arith.constant 6 : i32
      %dma_start3A_114 = arith.constant 0 : i32
      %dma_start3A_115 = tpu.memref_slice %arg7[%dma_start3A_113, %dma_start3A_114] : memref<8x256xi32, #tpu.memory_space<vmem>> -> memref<1x256xi32, #tpu.memory_space<vmem>>
      %dma_start3A_116 = tpu.memref_squeeze %dma_start3A_115 : memref<1x256xi32, #tpu.memory_space<vmem>> -> memref<256xi32, #tpu.memory_space<vmem>>
      %dma_start3A_117 = arith.constant 0 : i32
      %dma_start3A_118 = arith.constant 0 : i32
      %dma_start3A_119 = tpu.memref_slice %arg2[%dma_start3A_117, %dma_start3A_118] : memref<53248x32xf32, #tpu.memory_space<hbm>> -> memref<53248x32xf32, #tpu.memory_space<hbm>>
      tpu.enqueue_indirect_dma source(%dma_start3A_119 : memref<53248x32xf32, #tpu.memory_space<hbm>>) target(%arg9 : memref<256x32xf32, #tpu.memory_space<vmem>>) offsets(%dma_start3A_116 : memref<256xi32, #tpu.memory_space<vmem>>) semaphore(%arg16 : memref<!tpu.dma_semaphore, #tpu.memory_space<semaphore_mem>>)
      %dma_wait3A_120 = arith.constant 3 : i32
      %dma_wait3A_121 = arith.constant 0 : i32
      %dma_wait3A_122 = tpu.memref_slice %arg7[%dma_wait3A_120, %dma_wait3A_121] : memref<8x256xi32, #tpu.memory_space<vmem>> -> memref<1x256xi32, #tpu.memory_space<vmem>>
      %dma_wait3A_123 = tpu.memref_squeeze %dma_wait3A_122 : memref<1x256xi32, #tpu.memory_space<vmem>> -> memref<256xi32, #tpu.memory_space<vmem>>
      %dma_wait3A_124 = arith.constant 0 : i32
      %dma_wait3A_125 = arith.constant 0 : i32
      %dma_wait3A_126 = tpu.memref_slice %arg2[%dma_wait3A_124, %dma_wait3A_125] : memref<53248x32xf32, #tpu.memory_space<hbm>> -> memref<53248x32xf32, #tpu.memory_space<hbm>>
      tpu.wait_indirect_dma semaphore(%arg19 : memref<!tpu.dma_semaphore, #tpu.memory_space<semaphore_mem>>) src(%dma_wait3A_126 : memref<53248x32xf32, #tpu.memory_space<hbm>>) dst(%arg12 : memref<256x32xf32, #tpu.memory_space<vmem>>)
      %dma_start3A_127 = arith.constant 3 : i32
      %dma_start3A_128 = arith.constant 0 : i32
      %dma_start3A_129 = tpu.memref_slice %arg8[%dma_start3A_127, %dma_start3A_128] : memref<8x256xi32, #tpu.memory_space<vmem>> -> memref<1x256xi32, #tpu.memory_space<vmem>>
      %dma_start3A_130 = tpu.memref_squeeze %dma_start3A_129 : memref<1x256xi32, #tpu.memory_space<vmem>> -> memref<256xi32, #tpu.memory_space<vmem>>
      %dma_start3A_131 = arith.constant 0 : i32
      %dma_start3A_132 = arith.constant 0 : i32
      %dma_start3A_133 = tpu.memref_slice %arg15[%dma_start3A_131, %dma_start3A_132] : memref<28672x32xf32, #tpu.memory_space<vmem_shared>> -> memref<28672x32xf32, #tpu.memory_space<vmem_shared>>
      tpu.enqueue_indirect_dma source(%arg12 : memref<256x32xf32, #tpu.memory_space<vmem>>) target(%dma_start3A_133 : memref<28672x32xf32, #tpu.memory_space<vmem_shared>>) offsets(%dma_start3A_130 : memref<256xi32, #tpu.memory_space<vmem>>) semaphore(%arg25 : memref<!tpu.dma_semaphore, #tpu.memory_space<semaphore_mem>>) {add = true}
      %dma_wait3A_134 = arith.constant 1 : i32
      %dma_wait3A_135 = arith.constant 0 : i32
      %dma_wait3A_136 = tpu.memref_slice %arg8[%dma_wait3A_134, %dma_wait3A_135] : memref<8x256xi32, #tpu.memory_space<vmem>> -> memref<1x256xi32, #tpu.memory_space<vmem>>
      %dma_wait3A_137 = tpu.memref_squeeze %dma_wait3A_136 : memref<1x256xi32, #tpu.memory_space<vmem>> -> memref<256xi32, #tpu.memory_space<vmem>>
      %dma_wait3A_138 = arith.constant 0 : i32
      %dma_wait3A_139 = arith.constant 0 : i32
      %dma_wait3A_140 = tpu.memref_slice %arg15[%dma_wait3A_138, %dma_wait3A_139] : memref<28672x32xf32, #tpu.memory_space<vmem_shared>> -> memref<28672x32xf32, #tpu.memory_space<vmem_shared>>
      tpu.wait_indirect_dma semaphore(%arg23 : memref<!tpu.dma_semaphore, #tpu.memory_space<semaphore_mem>>) src(%arg10 : memref<256x32xf32, #tpu.memory_space<vmem>>) dst(%dma_wait3A_140 : memref<28672x32xf32, #tpu.memory_space<vmem_shared>>)
      %dma_start3A_141 = arith.constant 7 : i32
      %dma_start3A_142 = arith.constant 0 : i32
      %dma_start3A_143 = tpu.memref_slice %arg7[%dma_start3A_141, %dma_start3A_142] : memref<8x256xi32, #tpu.memory_space<vmem>> -> memref<1x256xi32, #tpu.memory_space<vmem>>
      %dma_start3A_144 = tpu.memref_squeeze %dma_start3A_143 : memref<1x256xi32, #tpu.memory_space<vmem>> -> memref<256xi32, #tpu.memory_space<vmem>>
      %dma_start3A_145 = arith.constant 0 : i32
      %dma_start3A_146 = arith.constant 0 : i32
      %dma_start3A_147 = tpu.memref_slice %arg2[%dma_start3A_145, %dma_start3A_146] : memref<53248x32xf32, #tpu.memory_space<hbm>> -> memref<53248x32xf32, #tpu.memory_space<hbm>>
      tpu.enqueue_indirect_dma source(%dma_start3A_147 : memref<53248x32xf32, #tpu.memory_space<hbm>>) target(%arg10 : memref<256x32xf32, #tpu.memory_space<vmem>>) offsets(%dma_start3A_144 : memref<256xi32, #tpu.memory_space<vmem>>) semaphore(%arg17 : memref<!tpu.dma_semaphore, #tpu.memory_space<semaphore_mem>>)
      %dma_wait3A_148 = arith.constant 4 : i32
      %dma_wait3A_149 = arith.constant 0 : i32
      %dma_wait3A_150 = tpu.memref_slice %arg7[%dma_wait3A_148, %dma_wait3A_149] : memref<8x256xi32, #tpu.memory_space<vmem>> -> memref<1x256xi32, #tpu.memory_space<vmem>>
      %dma_wait3A_151 = tpu.memref_squeeze %dma_wait3A_150 : memref<1x256xi32, #tpu.memory_space<vmem>> -> memref<256xi32, #tpu.memory_space<vmem>>
      %dma_wait3A_152 = arith.constant 0 : i32
      %dma_wait3A_153 = arith.constant 0 : i32
      %dma_wait3A_154 = tpu.memref_slice %arg2[%dma_wait3A_152, %dma_wait3A_153] : memref<53248x32xf32, #tpu.memory_space<hbm>> -> memref<53248x32xf32, #tpu.memory_space<hbm>>
      tpu.wait_indirect_dma semaphore(%arg20 : memref<!tpu.dma_semaphore, #tpu.memory_space<semaphore_mem>>) src(%dma_wait3A_154 : memref<53248x32xf32, #tpu.memory_space<hbm>>) dst(%arg13 : memref<256x32xf32, #tpu.memory_space<vmem>>)
      %dma_start3A_155 = arith.constant 4 : i32
      %dma_start3A_156 = arith.constant 0 : i32
      %dma_start3A_157 = tpu.memref_slice %arg8[%dma_start3A_155, %dma_start3A_156] : memref<8x256xi32, #tpu.memory_space<vmem>> -> memref<1x256xi32, #tpu.memory_space<vmem>>
      %dma_start3A_158 = tpu.memref_squeeze %dma_start3A_157 : memref<1x256xi32, #tpu.memory_space<vmem>> -> memref<256xi32, #tpu.memory_space<vmem>>
      %dma_start3A_159 = arith.constant 0 : i32
      %dma_start3A_160 = arith.constant 0 : i32
      %dma_start3A_161 = tpu.memref_slice %arg15[%dma_start3A_159, %dma_start3A_160] : memref<28672x32xf32, #tpu.memory_space<vmem_shared>> -> memref<28672x32xf32, #tpu.memory_space<vmem_shared>>
      tpu.enqueue_indirect_dma source(%arg13 : memref<256x32xf32, #tpu.memory_space<vmem>>) target(%dma_start3A_161 : memref<28672x32xf32, #tpu.memory_space<vmem_shared>>) offsets(%dma_start3A_158 : memref<256xi32, #tpu.memory_space<vmem>>) semaphore(%arg26 : memref<!tpu.dma_semaphore, #tpu.memory_space<semaphore_mem>>) {add = true}
      %dma_wait3A_162 = arith.constant 5 : i32
      %dma_wait3A_163 = arith.constant 0 : i32
      %dma_wait3A_164 = tpu.memref_slice %arg7[%dma_wait3A_162, %dma_wait3A_163] : memref<8x256xi32, #tpu.memory_space<vmem>> -> memref<1x256xi32, #tpu.memory_space<vmem>>
      %dma_wait3A_165 = tpu.memref_squeeze %dma_wait3A_164 : memref<1x256xi32, #tpu.memory_space<vmem>> -> memref<256xi32, #tpu.memory_space<vmem>>
      %dma_wait3A_166 = arith.constant 0 : i32
      %dma_wait3A_167 = arith.constant 0 : i32
      %dma_wait3A_168 = tpu.memref_slice %arg2[%dma_wait3A_166, %dma_wait3A_167] : memref<53248x32xf32, #tpu.memory_space<hbm>> -> memref<53248x32xf32, #tpu.memory_space<hbm>>
      tpu.wait_indirect_dma semaphore(%arg21 : memref<!tpu.dma_semaphore, #tpu.memory_space<semaphore_mem>>) src(%dma_wait3A_168 : memref<53248x32xf32, #tpu.memory_space<hbm>>) dst(%arg14 : memref<256x32xf32, #tpu.memory_space<vmem>>)
      %dma_start3A_169 = arith.constant 5 : i32
      %dma_start3A_170 = arith.constant 0 : i32
      %dma_start3A_171 = tpu.memref_slice %arg8[%dma_start3A_169, %dma_start3A_170] : memref<8x256xi32, #tpu.memory_space<vmem>> -> memref<1x256xi32, #tpu.memory_space<vmem>>
      %dma_start3A_172 = tpu.memref_squeeze %dma_start3A_171 : memref<1x256xi32, #tpu.memory_space<vmem>> -> memref<256xi32, #tpu.memory_space<vmem>>
      %dma_start3A_173 = arith.constant 0 : i32
      %dma_start3A_174 = arith.constant 0 : i32
      %dma_start3A_175 = tpu.memref_slice %arg15[%dma_start3A_173, %dma_start3A_174] : memref<28672x32xf32, #tpu.memory_space<vmem_shared>> -> memref<28672x32xf32, #tpu.memory_space<vmem_shared>>
      tpu.enqueue_indirect_dma source(%arg14 : memref<256x32xf32, #tpu.memory_space<vmem>>) target(%dma_start3A_175 : memref<28672x32xf32, #tpu.memory_space<vmem_shared>>) offsets(%dma_start3A_172 : memref<256xi32, #tpu.memory_space<vmem>>) semaphore(%arg27 : memref<!tpu.dma_semaphore, #tpu.memory_space<semaphore_mem>>) {add = true}
      %dma_wait3A_176 = arith.constant 6 : i32
      %dma_wait3A_177 = arith.constant 0 : i32
      %dma_wait3A_178 = tpu.memref_slice %arg7[%dma_wait3A_176, %dma_wait3A_177] : memref<8x256xi32, #tpu.memory_space<vmem>> -> memref<1x256xi32, #tpu.memory_space<vmem>>
      %dma_wait3A_179 = tpu.memref_squeeze %dma_wait3A_178 : memref<1x256xi32, #tpu.memory_space<vmem>> -> memref<256xi32, #tpu.memory_space<vmem>>
      %dma_wait3A_180 = arith.constant 0 : i32
      %dma_wait3A_181 = arith.constant 0 : i32
      %dma_wait3A_182 = tpu.memref_slice %arg2[%dma_wait3A_180, %dma_wait3A_181] : memref<53248x32xf32, #tpu.memory_space<hbm>> -> memref<53248x32xf32, #tpu.memory_space<hbm>>
      tpu.wait_indirect_dma semaphore(%arg16 : memref<!tpu.dma_semaphore, #tpu.memory_space<semaphore_mem>>) src(%dma_wait3A_182 : memref<53248x32xf32, #tpu.memory_space<hbm>>) dst(%arg9 : memref<256x32xf32, #tpu.memory_space<vmem>>)
      %dma_start3A_183 = arith.constant 6 : i32
      %dma_start3A_184 = arith.constant 0 : i32
      %dma_start3A_185 = tpu.memref_slice %arg8[%dma_start3A_183, %dma_start3A_184] : memref<8x256xi32, #tpu.memory_space<vmem>> -> memref<1x256xi32, #tpu.memory_space<vmem>>
      %dma_start3A_186 = tpu.memref_squeeze %dma_start3A_185 : memref<1x256xi32, #tpu.memory_space<vmem>> -> memref<256xi32, #tpu.memory_space<vmem>>
      %dma_start3A_187 = arith.constant 0 : i32
      %dma_start3A_188 = arith.constant 0 : i32
      %dma_start3A_189 = tpu.memref_slice %arg15[%dma_start3A_187, %dma_start3A_188] : memref<28672x32xf32, #tpu.memory_space<vmem_shared>> -> memref<28672x32xf32, #tpu.memory_space<vmem_shared>>
      tpu.enqueue_indirect_dma source(%arg9 : memref<256x32xf32, #tpu.memory_space<vmem>>) target(%dma_start3A_189 : memref<28672x32xf32, #tpu.memory_space<vmem_shared>>) offsets(%dma_start3A_186 : memref<256xi32, #tpu.memory_space<vmem>>) semaphore(%arg22 : memref<!tpu.dma_semaphore, #tpu.memory_space<semaphore_mem>>) {add = true}
      %dma_wait3A_190 = arith.constant 7 : i32
      %dma_wait3A_191 = arith.constant 0 : i32
      %dma_wait3A_192 = tpu.memref_slice %arg7[%dma_wait3A_190, %dma_wait3A_191] : memref<8x256xi32, #tpu.memory_space<vmem>> -> memref<1x256xi32, #tpu.memory_space<vmem>>
      %dma_wait3A_193 = tpu.memref_squeeze %dma_wait3A_192 : memref<1x256xi32, #tpu.memory_space<vmem>> -> memref<256xi32, #tpu.memory_space<vmem>>
      %dma_wait3A_194 = arith.constant 0 : i32
      %dma_wait3A_195 = arith.constant 0 : i32
      %dma_wait3A_196 = tpu.memref_slice %arg2[%dma_wait3A_194, %dma_wait3A_195] : memref<53248x32xf32, #tpu.memory_space<hbm>> -> memref<53248x32xf32, #tpu.memory_space<hbm>>
      tpu.wait_indirect_dma semaphore(%arg17 : memref<!tpu.dma_semaphore, #tpu.memory_space<semaphore_mem>>) src(%dma_wait3A_196 : memref<53248x32xf32, #tpu.memory_space<hbm>>) dst(%arg10 : memref<256x32xf32, #tpu.memory_space<vmem>>)
      %dma_start3A_197 = arith.constant 7 : i32
      %dma_start3A_198 = arith.constant 0 : i32
      %dma_start3A_199 = tpu.memref_slice %arg8[%dma_start3A_197, %dma_start3A_198] : memref<8x256xi32, #tpu.memory_space<vmem>> -> memref<1x256xi32, #tpu.memory_space<vmem>>
      %dma_start3A_200 = tpu.memref_squeeze %dma_start3A_199 : memref<1x256xi32, #tpu.memory_space<vmem>> -> memref<256xi32, #tpu.memory_space<vmem>>
      %dma_start3A_201 = arith.constant 0 : i32
      %dma_start3A_202 = arith.constant 0 : i32
      %dma_start3A_203 = tpu.memref_slice %arg15[%dma_start3A_201, %dma_start3A_202] : memref<28672x32xf32, #tpu.memory_space<vmem_shared>> -> memref<28672x32xf32, #tpu.memory_space<vmem_shared>>
      tpu.enqueue_indirect_dma source(%arg10 : memref<256x32xf32, #tpu.memory_space<vmem>>) target(%dma_start3A_203 : memref<28672x32xf32, #tpu.memory_space<vmem_shared>>) offsets(%dma_start3A_200 : memref<256xi32, #tpu.memory_space<vmem>>) semaphore(%arg23 : memref<!tpu.dma_semaphore, #tpu.memory_space<semaphore_mem>>) {add = true}
      %dma_wait3A_204 = arith.constant 2 : i32
      %dma_wait3A_205 = arith.constant 0 : i32
      %dma_wait3A_206 = tpu.memref_slice %arg8[%dma_wait3A_204, %dma_wait3A_205] : memref<8x256xi32, #tpu.memory_space<vmem>> -> memref<1x256xi32, #tpu.memory_space<vmem>>
      %dma_wait3A_207 = tpu.memref_squeeze %dma_wait3A_206 : memref<1x256xi32, #tpu.memory_space<vmem>> -> memref<256xi32, #tpu.memory_space<vmem>>
      %dma_wait3A_208 = arith.constant 0 : i32
      %dma_wait3A_209 = arith.constant 0 : i32
      %dma_wait3A_210 = tpu.memref_slice %arg15[%dma_wait3A_208, %dma_wait3A_209] : memref<28672x32xf32, #tpu.memory_space<vmem_shared>> -> memref<28672x32xf32, #tpu.memory_space<vmem_shared>>
      tpu.wait_indirect_dma semaphore(%arg24 : memref<!tpu.dma_semaphore, #tpu.memory_space<semaphore_mem>>) src(%arg11 : memref<256x32xf32, #tpu.memory_space<vmem>>) dst(%dma_wait3A_210 : memref<28672x32xf32, #tpu.memory_space<vmem_shared>>)
      %dma_wait3A_211 = arith.constant 3 : i32
      %dma_wait3A_212 = arith.constant 0 : i32
      %dma_wait3A_213 = tpu.memref_slice %arg8[%dma_wait3A_211, %dma_wait3A_212] : memref<8x256xi32, #tpu.memory_space<vmem>> -> memref<1x256xi32, #tpu.memory_space<vmem>>
      %dma_wait3A_214 = tpu.memref_squeeze %dma_wait3A_213 : memref<1x256xi32, #tpu.memory_space<vmem>> -> memref<256xi32, #tpu.memory_space<vmem>>
      %dma_wait3A_215 = arith.constant 0 : i32
      %dma_wait3A_216 = arith.constant 0 : i32
      %dma_wait3A_217 = tpu.memref_slice %arg15[%dma_wait3A_215, %dma_wait3A_216] : memref<28672x32xf32, #tpu.memory_space<vmem_shared>> -> memref<28672x32xf32, #tpu.memory_space<vmem_shared>>
      tpu.wait_indirect_dma semaphore(%arg25 : memref<!tpu.dma_semaphore, #tpu.memory_space<semaphore_mem>>) src(%arg12 : memref<256x32xf32, #tpu.memory_space<vmem>>) dst(%dma_wait3A_217 : memref<28672x32xf32, #tpu.memory_space<vmem_shared>>)
      %dma_wait3A_218 = arith.constant 4 : i32
      %dma_wait3A_219 = arith.constant 0 : i32
      %dma_wait3A_220 = tpu.memref_slice %arg8[%dma_wait3A_218, %dma_wait3A_219] : memref<8x256xi32, #tpu.memory_space<vmem>> -> memref<1x256xi32, #tpu.memory_space<vmem>>
      %dma_wait3A_221 = tpu.memref_squeeze %dma_wait3A_220 : memref<1x256xi32, #tpu.memory_space<vmem>> -> memref<256xi32, #tpu.memory_space<vmem>>
      %dma_wait3A_222 = arith.constant 0 : i32
      %dma_wait3A_223 = arith.constant 0 : i32
      %dma_wait3A_224 = tpu.memref_slice %arg15[%dma_wait3A_222, %dma_wait3A_223] : memref<28672x32xf32, #tpu.memory_space<vmem_shared>> -> memref<28672x32xf32, #tpu.memory_space<vmem_shared>>
      tpu.wait_indirect_dma semaphore(%arg26 : memref<!tpu.dma_semaphore, #tpu.memory_space<semaphore_mem>>) src(%arg13 : memref<256x32xf32, #tpu.memory_space<vmem>>) dst(%dma_wait3A_224 : memref<28672x32xf32, #tpu.memory_space<vmem_shared>>)
      %dma_wait3A_225 = arith.constant 5 : i32
      %dma_wait3A_226 = arith.constant 0 : i32
      %dma_wait3A_227 = tpu.memref_slice %arg8[%dma_wait3A_225, %dma_wait3A_226] : memref<8x256xi32, #tpu.memory_space<vmem>> -> memref<1x256xi32, #tpu.memory_space<vmem>>
      %dma_wait3A_228 = tpu.memref_squeeze %dma_wait3A_227 : memref<1x256xi32, #tpu.memory_space<vmem>> -> memref<256xi32, #tpu.memory_space<vmem>>
      %dma_wait3A_229 = arith.constant 0 : i32
      %dma_wait3A_230 = arith.constant 0 : i32
      %dma_wait3A_231 = tpu.memref_slice %arg15[%dma_wait3A_229, %dma_wait3A_230] : memref<28672x32xf32, #tpu.memory_space<vmem_shared>> -> memref<28672x32xf32, #tpu.memory_space<vmem_shared>>
      tpu.wait_indirect_dma semaphore(%arg27 : memref<!tpu.dma_semaphore, #tpu.memory_space<semaphore_mem>>) src(%arg14 : memref<256x32xf32, #tpu.memory_space<vmem>>) dst(%dma_wait3A_231 : memref<28672x32xf32, #tpu.memory_space<vmem_shared>>)
      %dma_wait3A_232 = arith.constant 6 : i32
      %dma_wait3A_233 = arith.constant 0 : i32
      %dma_wait3A_234 = tpu.memref_slice %arg8[%dma_wait3A_232, %dma_wait3A_233] : memref<8x256xi32, #tpu.memory_space<vmem>> -> memref<1x256xi32, #tpu.memory_space<vmem>>
      %dma_wait3A_235 = tpu.memref_squeeze %dma_wait3A_234 : memref<1x256xi32, #tpu.memory_space<vmem>> -> memref<256xi32, #tpu.memory_space<vmem>>
      %dma_wait3A_236 = arith.constant 0 : i32
      %dma_wait3A_237 = arith.constant 0 : i32
      %dma_wait3A_238 = tpu.memref_slice %arg15[%dma_wait3A_236, %dma_wait3A_237] : memref<28672x32xf32, #tpu.memory_space<vmem_shared>> -> memref<28672x32xf32, #tpu.memory_space<vmem_shared>>
      tpu.wait_indirect_dma semaphore(%arg22 : memref<!tpu.dma_semaphore, #tpu.memory_space<semaphore_mem>>) src(%arg9 : memref<256x32xf32, #tpu.memory_space<vmem>>) dst(%dma_wait3A_238 : memref<28672x32xf32, #tpu.memory_space<vmem_shared>>)
      %dma_wait3A_239 = arith.constant 7 : i32
      %dma_wait3A_240 = arith.constant 0 : i32
      %dma_wait3A_241 = tpu.memref_slice %arg8[%dma_wait3A_239, %dma_wait3A_240] : memref<8x256xi32, #tpu.memory_space<vmem>> -> memref<1x256xi32, #tpu.memory_space<vmem>>
      %dma_wait3A_242 = tpu.memref_squeeze %dma_wait3A_241 : memref<1x256xi32, #tpu.memory_space<vmem>> -> memref<256xi32, #tpu.memory_space<vmem>>
      %dma_wait3A_243 = arith.constant 0 : i32
      %dma_wait3A_244 = arith.constant 0 : i32
      %dma_wait3A_245 = tpu.memref_slice %arg15[%dma_wait3A_243, %dma_wait3A_244] : memref<28672x32xf32, #tpu.memory_space<vmem_shared>> -> memref<28672x32xf32, #tpu.memory_space<vmem_shared>>
      tpu.wait_indirect_dma semaphore(%arg23 : memref<!tpu.dma_semaphore, #tpu.memory_space<semaphore_mem>>) src(%arg10 : memref<256x32xf32, #tpu.memory_space<vmem>>) dst(%dma_wait3A_245 : memref<28672x32xf32, #tpu.memory_space<vmem_shared>>)
    }
    %scan3A_11 = arith.constant 25 : i32
    %barrier3A_12 = arith.constant 0 : index
    tpu.barrier barrier_id(%barrier3A_12)
    %mul3A_13 = arith.constant 1664 : i32
    %mul3A_14 = arith.muli %arg1, %mul3A_13 : i32
    %mul3A_15 = arith.constant 26624 : i32
    %mul3A_16 = arith.muli %arg0, %mul3A_15 : i32
    %mul3A_17 = arith.constant 1664 : i32
    %mul3A_18 = arith.muli %arg1, %mul3A_17 : i32
    %add3A = arith.addi %mul3A_16, %mul3A_18 : i32
    "tpu.region"() ({
      %run_scoped3A = tpu.sem_alloc : memref<!tpu.dma_semaphore, #tpu.memory_space<semaphore_mem>>
      %dma_start3A = arith.constant 0 : i32
      %dma_start3A_19 = tpu.memref_slice %arg6[%add3A, %dma_start3A] : memref<53248x32xf32, #tpu.memory_space<hbm>> -> memref<1664x32xf32, #tpu.memory_space<hbm>>
      %dma_start3A_20 = arith.constant 0 : i32
      %dma_start3A_21 = tpu.memref_slice %arg15[%mul3A_14, %dma_start3A_20] : memref<28672x32xf32, #tpu.memory_space<vmem_shared>> -> memref<1664x32xf32, #tpu.memory_space<vmem_shared>>
      tpu.enqueue_dma source(%dma_start3A_21 : memref<1664x32xf32, #tpu.memory_space<vmem_shared>>) target(%dma_start3A_19 : memref<1664x32xf32, #tpu.memory_space<hbm>>) target_semaphore(%run_scoped3A : memref<!tpu.dma_semaphore, #tpu.memory_space<semaphore_mem>>)
      %dma_wait3A = arith.constant 0 : i32
      %dma_wait3A_22 = tpu.memref_slice %arg6[%add3A, %dma_wait3A] : memref<53248x32xf32, #tpu.memory_space<hbm>> -> memref<1664x32xf32, #tpu.memory_space<hbm>>
      %dma_wait3A_23 = arith.constant 0 : i32
      %dma_wait3A_24 = tpu.memref_slice %arg15[%mul3A_14, %dma_wait3A_23] : memref<28672x32xf32, #tpu.memory_space<vmem_shared>> -> memref<1664x32xf32, #tpu.memory_space<vmem_shared>>
      tpu.wait_dma2 semaphore(%run_scoped3A : memref<!tpu.dma_semaphore, #tpu.memory_space<semaphore_mem>>) src(%dma_wait3A_24 : memref<1664x32xf32, #tpu.memory_space<vmem_shared>>) dst(%dma_wait3A_22 : memref<1664x32xf32, #tpu.memory_space<hbm>>)
      tpu.yield
    }) : () -> ()
    return
  }
}

#map = affine_map<(d0, d1) -> (0, 0)>
#map1 = affine_map<(d0, d1) -> (0, 0, 0)>
#map2 = affine_map<(d0, d1) -> (0, 0, 0, 0)>
module attributes {stable_mosaic.version = 14 : i64} {
  func.func @segsum(%arg0: i32, %arg1: i32, %arg2: memref<53248x8xf32, #tpu.memory_space<hbm>>, %arg3: memref<16x200x256xi32, #tpu.memory_space<hbm>>, %arg4: memref<2x16x200x256xi32, #tpu.memory_space<hbm>>, %arg5: memref<256x8xf32, #tpu.memory_space<hbm>>, %arg6: memref<53248x8xf32, #tpu.memory_space<hbm>>, %arg7: memref<8x256xi32, #tpu.memory_space<vmem>>, %arg8: memref<8x256xi32, #tpu.memory_space<vmem>>, %arg9: memref<256x8xf32, #tpu.memory_space<vmem>>, %arg10: memref<256x8xf32, #tpu.memory_space<vmem>>, %arg11: memref<256x8xf32, #tpu.memory_space<vmem>>, %arg12: memref<256x8xf32, #tpu.memory_space<vmem>>, %arg13: memref<256x8xf32, #tpu.memory_space<vmem>>, %arg14: memref<256x8xf32, #tpu.memory_space<vmem>>, %arg15: memref<28672x8xf32, #tpu.memory_space<vmem_shared>>, %arg16: memref<!tpu.dma_semaphore, #tpu.memory_space<semaphore_mem>>, %arg17: memref<!tpu.dma_semaphore, #tpu.memory_space<semaphore_mem>>, %arg18: memref<!tpu.dma_semaphore, #tpu.memory_space<semaphore_mem>>, %arg19: memref<!tpu.dma_semaphore, #tpu.memory_space<semaphore_mem>>, %arg20: memref<!tpu.dma_semaphore, #tpu.memory_space<semaphore_mem>>, %arg21: memref<!tpu.dma_semaphore, #tpu.memory_space<semaphore_mem>>, %arg22: memref<!tpu.dma_semaphore, #tpu.memory_space<semaphore_mem>>, %arg23: memref<!tpu.dma_semaphore, #tpu.memory_space<semaphore_mem>>, %arg24: memref<!tpu.dma_semaphore, #tpu.memory_space<semaphore_mem>>, %arg25: memref<!tpu.dma_semaphore, #tpu.memory_space<semaphore_mem>>, %arg26: memref<!tpu.dma_semaphore, #tpu.memory_space<semaphore_mem>>, %arg27: memref<!tpu.dma_semaphore, #tpu.memory_space<semaphore_mem>>) attributes {dimension_semantics = [#tpu.dimension_semantics<core_parallel>, #tpu.dimension_semantics<subcore_parallel>], iteration_bounds = array<i64: 2, 16>, scalar_prefetch = 0 : i64, scratch_operands = 21 : i64, tpu.core_type = #tpu.core_type<sc_vector_subcore>, window_params = [{transform_indices = #map}, {transform_indices = #map1}, {transform_indices = #map2}, {transform_indices = #map}, {transform_indices = #map}]} {
    %mul3A = arith.constant 1792 : i32
    %mul3A_0 = arith.muli %arg1, %mul3A : i32
    %scan3A = arith.constant 0 : i32
    %scan3A_1 = arith.constant 0 : i32
    %scan3A_2 = arith.constant 7 : i32
    %scan3A_3 = arith.addi %scan3A_1, %scan3A_2 : i32
    %scan3A_4 = arith.constant 1 : i32
    scf.for %scan3A_19 = %scan3A_1 to %scan3A_3 step %scan3A_4  : i32 {
      %mul3A_20 = arith.constant 256 : i32
      %mul3A_21 = arith.muli %scan3A_19, %mul3A_20 : i32
      %add3A_22 = arith.addi %mul3A_0, %mul3A_21 : i32
      "tpu.region"() ({
        %run_scoped3A = tpu.sem_alloc : memref<!tpu.dma_semaphore, #tpu.memory_space<semaphore_mem>>
        %dma_start3A = arith.constant 0 : i32
        %dma_start3A_23 = tpu.memref_slice %arg15[%add3A_22, %dma_start3A] : memref<28672x8xf32, #tpu.memory_space<vmem_shared>> -> memref<256x8xf32, #tpu.memory_space<vmem_shared>>
        tpu.enqueue_dma source(%arg5 : memref<256x8xf32, #tpu.memory_space<hbm>>) target(%dma_start3A_23 : memref<256x8xf32, #tpu.memory_space<vmem_shared>>) target_semaphore(%run_scoped3A : memref<!tpu.dma_semaphore, #tpu.memory_space<semaphore_mem>>)
        %dma_wait3A = arith.constant 0 : i32
        %dma_wait3A_24 = tpu.memref_slice %arg15[%add3A_22, %dma_wait3A] : memref<28672x8xf32, #tpu.memory_space<vmem_shared>> -> memref<256x8xf32, #tpu.memory_space<vmem_shared>>
        tpu.wait_dma2 semaphore(%run_scoped3A : memref<!tpu.dma_semaphore, #tpu.memory_space<semaphore_mem>>) src(%arg5 : memref<256x8xf32, #tpu.memory_space<hbm>>) dst(%dma_wait3A_24 : memref<256x8xf32, #tpu.memory_space<vmem_shared>>)
        tpu.yield
      }) : () -> ()
    }
    %scan3A_5 = arith.constant 7 : i32
    %barrier3A = arith.constant 0 : index
    tpu.barrier barrier_id(%barrier3A)
    %scan3A_6 = arith.constant 0 : i32
    %scan3A_7 = arith.constant 0 : i32
    %scan3A_8 = arith.constant 25 : i32
    %scan3A_9 = arith.addi %scan3A_7, %scan3A_8 : i32
    %scan3A_10 = arith.constant 1 : i32
    scf.for %scan3A_19 = %scan3A_7 to %scan3A_9 step %scan3A_10  : i32 {
      %mul3A_20 = arith.constant 8 : i32
      %mul3A_21 = arith.muli %scan3A_19, %mul3A_20 : i32
      "tpu.region"() ({
        %run_scoped3A = tpu.sem_alloc : memref<!tpu.dma_semaphore, #tpu.memory_space<semaphore_mem>>
        %dma_start3A_246 = arith.constant 0 : i32
        %dma_start3A_247 = tpu.memref_slice %arg3[%arg1, %mul3A_21, %dma_start3A_246] : memref<16x200x256xi32, #tpu.memory_space<hbm>> -> memref<1x8x256xi32, #tpu.memory_space<hbm>>
        %dma_start3A_248 = tpu.memref_squeeze %dma_start3A_247 : memref<1x8x256xi32, #tpu.memory_space<hbm>> -> memref<8x256xi32, #tpu.memory_space<hbm>>
        %dma_start3A_249 = arith.constant 0 : i32
        %dma_start3A_250 = tpu.memref_slice %arg3[%arg1, %mul3A_21, %dma_start3A_249] : memref<16x200x256xi32, #tpu.memory_space<hbm>> -> memref<1x8x256xi32, #tpu.memory_space<hbm>>
        %dma_start3A_251 = tpu.memref_squeeze %dma_start3A_250 : memref<1x8x256xi32, #tpu.memory_space<hbm>> -> memref<8x256xi32, #tpu.memory_space<hbm>>
        tpu.enqueue_dma source(%dma_start3A_251 : memref<8x256xi32, #tpu.memory_space<hbm>>) target(%arg7 : memref<8x256xi32, #tpu.memory_space<vmem>>) target_semaphore(%run_scoped3A : memref<!tpu.dma_semaphore, #tpu.memory_space<semaphore_mem>>)
        %dma_wait3A_252 = arith.constant 0 : i32
        %dma_wait3A_253 = tpu.memref_slice %arg3[%arg1, %mul3A_21, %dma_wait3A_252] : memref<16x200x256xi32, #tpu.memory_space<hbm>> -> memref<1x8x256xi32, #tpu.memory_space<hbm>>
        %dma_wait3A_254 = tpu.memref_squeeze %dma_wait3A_253 : memref<1x8x256xi32, #tpu.memory_space<hbm>> -> memref<8x256xi32, #tpu.memory_space<hbm>>
        %dma_wait3A_255 = arith.constant 0 : i32
        %dma_wait3A_256 = tpu.memref_slice %arg3[%arg1, %mul3A_21, %dma_wait3A_255] : memref<16x200x256xi32, #tpu.memory_space<hbm>> -> memref<1x8x256xi32, #tpu.memory_space<hbm>>
        %dma_wait3A_257 = tpu.memref_squeeze %dma_wait3A_256 : memref<1x8x256xi32, #tpu.memory_space<hbm>> -> memref<8x256xi32, #tpu.memory_space<hbm>>
        tpu.wait_dma2 semaphore(%run_scoped3A : memref<!tpu.dma_semaphore, #tpu.memory_space<semaphore_mem>>) src(%dma_wait3A_257 : memref<8x256xi32, #tpu.memory_space<hbm>>) dst(%arg7 : memref<8x256xi32, #tpu.memory_space<vmem>>)
        tpu.yield
      }) : () -> ()
      %mul3A_22 = arith.constant 8 : i32
      %mul3A_23 = arith.muli %scan3A_19, %mul3A_22 : i32
      "tpu.region"() ({
        %run_scoped3A = tpu.sem_alloc : memref<!tpu.dma_semaphore, #tpu.memory_space<semaphore_mem>>
        %dma_start3A_246 = arith.constant 0 : i32
        %dma_start3A_247 = tpu.memref_slice %arg4[%arg0, %arg1, %mul3A_23, %dma_start3A_246] : memref<2x16x200x256xi32, #tpu.memory_space<hbm>> -> memref<1x1x8x256xi32, #tpu.memory_space<hbm>>
        %dma_start3A_248 = tpu.memref_squeeze %dma_start3A_247 : memref<1x1x8x256xi32, #tpu.memory_space<hbm>> -> memref<8x256xi32, #tpu.memory_space<hbm>>
        %dma_start3A_249 = arith.constant 0 : i32
        %dma_start3A_250 = tpu.memref_slice %arg4[%arg0, %arg1, %mul3A_23, %dma_start3A_249] : memref<2x16x200x256xi32, #tpu.memory_space<hbm>> -> memref<1x1x8x256xi32, #tpu.memory_space<hbm>>
        %dma_start3A_251 = tpu.memref_squeeze %dma_start3A_250 : memref<1x1x8x256xi32, #tpu.memory_space<hbm>> -> memref<8x256xi32, #tpu.memory_space<hbm>>
        tpu.enqueue_dma source(%dma_start3A_251 : memref<8x256xi32, #tpu.memory_space<hbm>>) target(%arg8 : memref<8x256xi32, #tpu.memory_space<vmem>>) target_semaphore(%run_scoped3A : memref<!tpu.dma_semaphore, #tpu.memory_space<semaphore_mem>>)
        %dma_wait3A_252 = arith.constant 0 : i32
        %dma_wait3A_253 = tpu.memref_slice %arg4[%arg0, %arg1, %mul3A_23, %dma_wait3A_252] : memref<2x16x200x256xi32, #tpu.memory_space<hbm>> -> memref<1x1x8x256xi32, #tpu.memory_space<hbm>>
        %dma_wait3A_254 = tpu.memref_squeeze %dma_wait3A_253 : memref<1x1x8x256xi32, #tpu.memory_space<hbm>> -> memref<8x256xi32, #tpu.memory_space<hbm>>
        %dma_wait3A_255 = arith.constant 0 : i32
        %dma_wait3A_256 = tpu.memref_slice %arg4[%arg0, %arg1, %mul3A_23, %dma_wait3A_255] : memref<2x16x200x256xi32, #tpu.memory_space<hbm>> -> memref<1x1x8x256xi32, #tpu.memory_space<hbm>>
        %dma_wait3A_257 = tpu.memref_squeeze %dma_wait3A_256 : memref<1x1x8x256xi32, #tpu.memory_space<hbm>> -> memref<8x256xi32, #tpu.memory_space<hbm>>
        tpu.wait_dma2 semaphore(%run_scoped3A : memref<!tpu.dma_semaphore, #tpu.memory_space<semaphore_mem>>) src(%dma_wait3A_257 : memref<8x256xi32, #tpu.memory_space<hbm>>) dst(%arg8 : memref<8x256xi32, #tpu.memory_space<vmem>>)
        tpu.yield
      }) : () -> ()
      %dma_start3A = arith.constant 0 : i32
      %dma_start3A_24 = arith.constant 0 : i32
      %dma_start3A_25 = tpu.memref_slice %arg7[%dma_start3A, %dma_start3A_24] : memref<8x256xi32, #tpu.memory_space<vmem>> -> memref<1x256xi32, #tpu.memory_space<vmem>>
      %dma_start3A_26 = tpu.memref_squeeze %dma_start3A_25 : memref<1x256xi32, #tpu.memory_space<vmem>> -> memref<256xi32, #tpu.memory_space<vmem>>
      %dma_start3A_27 = arith.constant 0 : i32
      %dma_start3A_28 = arith.constant 0 : i32
      %dma_start3A_29 = tpu.memref_slice %arg2[%dma_start3A_27, %dma_start3A_28] : memref<53248x8xf32, #tpu.memory_space<hbm>> -> memref<53248x8xf32, #tpu.memory_space<hbm>>
      tpu.enqueue_indirect_dma source(%dma_start3A_29 : memref<53248x8xf32, #tpu.memory_space<hbm>>) target(%arg9 : memref<256x8xf32, #tpu.memory_space<vmem>>) offsets(%dma_start3A_26 : memref<256xi32, #tpu.memory_space<vmem>>) semaphore(%arg16 : memref<!tpu.dma_semaphore, #tpu.memory_space<semaphore_mem>>)
      %dma_start3A_30 = arith.constant 1 : i32
      %dma_start3A_31 = arith.constant 0 : i32
      %dma_start3A_32 = tpu.memref_slice %arg7[%dma_start3A_30, %dma_start3A_31] : memref<8x256xi32, #tpu.memory_space<vmem>> -> memref<1x256xi32, #tpu.memory_space<vmem>>
      %dma_start3A_33 = tpu.memref_squeeze %dma_start3A_32 : memref<1x256xi32, #tpu.memory_space<vmem>> -> memref<256xi32, #tpu.memory_space<vmem>>
      %dma_start3A_34 = arith.constant 0 : i32
      %dma_start3A_35 = arith.constant 0 : i32
      %dma_start3A_36 = tpu.memref_slice %arg2[%dma_start3A_34, %dma_start3A_35] : memref<53248x8xf32, #tpu.memory_space<hbm>> -> memref<53248x8xf32, #tpu.memory_space<hbm>>
      tpu.enqueue_indirect_dma source(%dma_start3A_36 : memref<53248x8xf32, #tpu.memory_space<hbm>>) target(%arg10 : memref<256x8xf32, #tpu.memory_space<vmem>>) offsets(%dma_start3A_33 : memref<256xi32, #tpu.memory_space<vmem>>) semaphore(%arg17 : memref<!tpu.dma_semaphore, #tpu.memory_space<semaphore_mem>>)
      %dma_start3A_37 = arith.constant 2 : i32
      %dma_start3A_38 = arith.constant 0 : i32
      %dma_start3A_39 = tpu.memref_slice %arg7[%dma_start3A_37, %dma_start3A_38] : memref<8x256xi32, #tpu.memory_space<vmem>> -> memref<1x256xi32, #tpu.memory_space<vmem>>
      %dma_start3A_40 = tpu.memref_squeeze %dma_start3A_39 : memref<1x256xi32, #tpu.memory_space<vmem>> -> memref<256xi32, #tpu.memory_space<vmem>>
      %dma_start3A_41 = arith.constant 0 : i32
      %dma_start3A_42 = arith.constant 0 : i32
      %dma_start3A_43 = tpu.memref_slice %arg2[%dma_start3A_41, %dma_start3A_42] : memref<53248x8xf32, #tpu.memory_space<hbm>> -> memref<53248x8xf32, #tpu.memory_space<hbm>>
      tpu.enqueue_indirect_dma source(%dma_start3A_43 : memref<53248x8xf32, #tpu.memory_space<hbm>>) target(%arg11 : memref<256x8xf32, #tpu.memory_space<vmem>>) offsets(%dma_start3A_40 : memref<256xi32, #tpu.memory_space<vmem>>) semaphore(%arg18 : memref<!tpu.dma_semaphore, #tpu.memory_space<semaphore_mem>>)
      %dma_start3A_44 = arith.constant 3 : i32
      %dma_start3A_45 = arith.constant 0 : i32
      %dma_start3A_46 = tpu.memref_slice %arg7[%dma_start3A_44, %dma_start3A_45] : memref<8x256xi32, #tpu.memory_space<vmem>> -> memref<1x256xi32, #tpu.memory_space<vmem>>
      %dma_start3A_47 = tpu.memref_squeeze %dma_start3A_46 : memref<1x256xi32, #tpu.memory_space<vmem>> -> memref<256xi32, #tpu.memory_space<vmem>>
      %dma_start3A_48 = arith.constant 0 : i32
      %dma_start3A_49 = arith.constant 0 : i32
      %dma_start3A_50 = tpu.memref_slice %arg2[%dma_start3A_48, %dma_start3A_49] : memref<53248x8xf32, #tpu.memory_space<hbm>> -> memref<53248x8xf32, #tpu.memory_space<hbm>>
      tpu.enqueue_indirect_dma source(%dma_start3A_50 : memref<53248x8xf32, #tpu.memory_space<hbm>>) target(%arg12 : memref<256x8xf32, #tpu.memory_space<vmem>>) offsets(%dma_start3A_47 : memref<256xi32, #tpu.memory_space<vmem>>) semaphore(%arg19 : memref<!tpu.dma_semaphore, #tpu.memory_space<semaphore_mem>>)
      %dma_wait3A = arith.constant 0 : i32
      %dma_wait3A_51 = arith.constant 0 : i32
      %dma_wait3A_52 = tpu.memref_slice %arg7[%dma_wait3A, %dma_wait3A_51] : memref<8x256xi32, #tpu.memory_space<vmem>> -> memref<1x256xi32, #tpu.memory_space<vmem>>
      %dma_wait3A_53 = tpu.memref_squeeze %dma_wait3A_52 : memref<1x256xi32, #tpu.memory_space<vmem>> -> memref<256xi32, #tpu.memory_space<vmem>>
      %dma_wait3A_54 = arith.constant 0 : i32
      %dma_wait3A_55 = arith.constant 0 : i32
      %dma_wait3A_56 = tpu.memref_slice %arg2[%dma_wait3A_54, %dma_wait3A_55] : memref<53248x8xf32, #tpu.memory_space<hbm>> -> memref<53248x8xf32, #tpu.memory_space<hbm>>
      tpu.wait_indirect_dma semaphore(%arg16 : memref<!tpu.dma_semaphore, #tpu.memory_space<semaphore_mem>>) src(%dma_wait3A_56 : memref<53248x8xf32, #tpu.memory_space<hbm>>) dst(%arg9 : memref<256x8xf32, #tpu.memory_space<vmem>>)
      %dma_start3A_57 = arith.constant 0 : i32
      %dma_start3A_58 = arith.constant 0 : i32
      %dma_start3A_59 = tpu.memref_slice %arg8[%dma_start3A_57, %dma_start3A_58] : memref<8x256xi32, #tpu.memory_space<vmem>> -> memref<1x256xi32, #tpu.memory_space<vmem>>
      %dma_start3A_60 = tpu.memref_squeeze %dma_start3A_59 : memref<1x256xi32, #tpu.memory_space<vmem>> -> memref<256xi32, #tpu.memory_space<vmem>>
      %dma_start3A_61 = arith.constant 0 : i32
      %dma_start3A_62 = arith.constant 0 : i32
      %dma_start3A_63 = tpu.memref_slice %arg15[%dma_start3A_61, %dma_start3A_62] : memref<28672x8xf32, #tpu.memory_space<vmem_shared>> -> memref<28672x8xf32, #tpu.memory_space<vmem_shared>>
      tpu.enqueue_indirect_dma source(%arg9 : memref<256x8xf32, #tpu.memory_space<vmem>>) target(%dma_start3A_63 : memref<28672x8xf32, #tpu.memory_space<vmem_shared>>) offsets(%dma_start3A_60 : memref<256xi32, #tpu.memory_space<vmem>>) semaphore(%arg22 : memref<!tpu.dma_semaphore, #tpu.memory_space<semaphore_mem>>) {add = true}
      %dma_start3A_64 = arith.constant 4 : i32
      %dma_start3A_65 = arith.constant 0 : i32
      %dma_start3A_66 = tpu.memref_slice %arg7[%dma_start3A_64, %dma_start3A_65] : memref<8x256xi32, #tpu.memory_space<vmem>> -> memref<1x256xi32, #tpu.memory_space<vmem>>
      %dma_start3A_67 = tpu.memref_squeeze %dma_start3A_66 : memref<1x256xi32, #tpu.memory_space<vmem>> -> memref<256xi32, #tpu.memory_space<vmem>>
      %dma_start3A_68 = arith.constant 0 : i32
      %dma_start3A_69 = arith.constant 0 : i32
      %dma_start3A_70 = tpu.memref_slice %arg2[%dma_start3A_68, %dma_start3A_69] : memref<53248x8xf32, #tpu.memory_space<hbm>> -> memref<53248x8xf32, #tpu.memory_space<hbm>>
      tpu.enqueue_indirect_dma source(%dma_start3A_70 : memref<53248x8xf32, #tpu.memory_space<hbm>>) target(%arg13 : memref<256x8xf32, #tpu.memory_space<vmem>>) offsets(%dma_start3A_67 : memref<256xi32, #tpu.memory_space<vmem>>) semaphore(%arg20 : memref<!tpu.dma_semaphore, #tpu.memory_space<semaphore_mem>>)
      %dma_wait3A_71 = arith.constant 1 : i32
      %dma_wait3A_72 = arith.constant 0 : i32
      %dma_wait3A_73 = tpu.memref_slice %arg7[%dma_wait3A_71, %dma_wait3A_72] : memref<8x256xi32, #tpu.memory_space<vmem>> -> memref<1x256xi32, #tpu.memory_space<vmem>>
      %dma_wait3A_74 = tpu.memref_squeeze %dma_wait3A_73 : memref<1x256xi32, #tpu.memory_space<vmem>> -> memref<256xi32, #tpu.memory_space<vmem>>
      %dma_wait3A_75 = arith.constant 0 : i32
      %dma_wait3A_76 = arith.constant 0 : i32
      %dma_wait3A_77 = tpu.memref_slice %arg2[%dma_wait3A_75, %dma_wait3A_76] : memref<53248x8xf32, #tpu.memory_space<hbm>> -> memref<53248x8xf32, #tpu.memory_space<hbm>>
      tpu.wait_indirect_dma semaphore(%arg17 : memref<!tpu.dma_semaphore, #tpu.memory_space<semaphore_mem>>) src(%dma_wait3A_77 : memref<53248x8xf32, #tpu.memory_space<hbm>>) dst(%arg10 : memref<256x8xf32, #tpu.memory_space<vmem>>)
      %dma_start3A_78 = arith.constant 1 : i32
      %dma_start3A_79 = arith.constant 0 : i32
      %dma_start3A_80 = tpu.memref_slice %arg8[%dma_start3A_78, %dma_start3A_79] : memref<8x256xi32, #tpu.memory_space<vmem>> -> memref<1x256xi32, #tpu.memory_space<vmem>>
      %dma_start3A_81 = tpu.memref_squeeze %dma_start3A_80 : memref<1x256xi32, #tpu.memory_space<vmem>> -> memref<256xi32, #tpu.memory_space<vmem>>
      %dma_start3A_82 = arith.constant 0 : i32
      %dma_start3A_83 = arith.constant 0 : i32
      %dma_start3A_84 = tpu.memref_slice %arg15[%dma_start3A_82, %dma_start3A_83] : memref<28672x8xf32, #tpu.memory_space<vmem_shared>> -> memref<28672x8xf32, #tpu.memory_space<vmem_shared>>
      tpu.enqueue_indirect_dma source(%arg10 : memref<256x8xf32, #tpu.memory_space<vmem>>) target(%dma_start3A_84 : memref<28672x8xf32, #tpu.memory_space<vmem_shared>>) offsets(%dma_start3A_81 : memref<256xi32, #tpu.memory_space<vmem>>) semaphore(%arg23 : memref<!tpu.dma_semaphore, #tpu.memory_space<semaphore_mem>>) {add = true}
      %dma_start3A_85 = arith.constant 5 : i32
      %dma_start3A_86 = arith.constant 0 : i32
      %dma_start3A_87 = tpu.memref_slice %arg7[%dma_start3A_85, %dma_start3A_86] : memref<8x256xi32, #tpu.memory_space<vmem>> -> memref<1x256xi32, #tpu.memory_space<vmem>>
      %dma_start3A_88 = tpu.memref_squeeze %dma_start3A_87 : memref<1x256xi32, #tpu.memory_space<vmem>> -> memref<256xi32, #tpu.memory_space<vmem>>
      %dma_start3A_89 = arith.constant 0 : i32
      %dma_start3A_90 = arith.constant 0 : i32
      %dma_start3A_91 = tpu.memref_slice %arg2[%dma_start3A_89, %dma_start3A_90] : memref<53248x8xf32, #tpu.memory_space<hbm>> -> memref<53248x8xf32, #tpu.memory_space<hbm>>
      tpu.enqueue_indirect_dma source(%dma_start3A_91 : memref<53248x8xf32, #tpu.memory_space<hbm>>) target(%arg14 : memref<256x8xf32, #tpu.memory_space<vmem>>) offsets(%dma_start3A_88 : memref<256xi32, #tpu.memory_space<vmem>>) semaphore(%arg21 : memref<!tpu.dma_semaphore, #tpu.memory_space<semaphore_mem>>)
      %dma_wait3A_92 = arith.constant 2 : i32
      %dma_wait3A_93 = arith.constant 0 : i32
      %dma_wait3A_94 = tpu.memref_slice %arg7[%dma_wait3A_92, %dma_wait3A_93] : memref<8x256xi32, #tpu.memory_space<vmem>> -> memref<1x256xi32, #tpu.memory_space<vmem>>
      %dma_wait3A_95 = tpu.memref_squeeze %dma_wait3A_94 : memref<1x256xi32, #tpu.memory_space<vmem>> -> memref<256xi32, #tpu.memory_space<vmem>>
      %dma_wait3A_96 = arith.constant 0 : i32
      %dma_wait3A_97 = arith.constant 0 : i32
      %dma_wait3A_98 = tpu.memref_slice %arg2[%dma_wait3A_96, %dma_wait3A_97] : memref<53248x8xf32, #tpu.memory_space<hbm>> -> memref<53248x8xf32, #tpu.memory_space<hbm>>
      tpu.wait_indirect_dma semaphore(%arg18 : memref<!tpu.dma_semaphore, #tpu.memory_space<semaphore_mem>>) src(%dma_wait3A_98 : memref<53248x8xf32, #tpu.memory_space<hbm>>) dst(%arg11 : memref<256x8xf32, #tpu.memory_space<vmem>>)
      %dma_start3A_99 = arith.constant 2 : i32
      %dma_start3A_100 = arith.constant 0 : i32
      %dma_start3A_101 = tpu.memref_slice %arg8[%dma_start3A_99, %dma_start3A_100] : memref<8x256xi32, #tpu.memory_space<vmem>> -> memref<1x256xi32, #tpu.memory_space<vmem>>
      %dma_start3A_102 = tpu.memref_squeeze %dma_start3A_101 : memref<1x256xi32, #tpu.memory_space<vmem>> -> memref<256xi32, #tpu.memory_space<vmem>>
      %dma_start3A_103 = arith.constant 0 : i32
      %dma_start3A_104 = arith.constant 0 : i32
      %dma_start3A_105 = tpu.memref_slice %arg15[%dma_start3A_103, %dma_start3A_104] : memref<28672x8xf32, #tpu.memory_space<vmem_shared>> -> memref<28672x8xf32, #tpu.memory_space<vmem_shared>>
      tpu.enqueue_indirect_dma source(%arg11 : memref<256x8xf32, #tpu.memory_space<vmem>>) target(%dma_start3A_105 : memref<28672x8xf32, #tpu.memory_space<vmem_shared>>) offsets(%dma_start3A_102 : memref<256xi32, #tpu.memory_space<vmem>>) semaphore(%arg24 : memref<!tpu.dma_semaphore, #tpu.memory_space<semaphore_mem>>) {add = true}
      %dma_wait3A_106 = arith.constant 0 : i32
      %dma_wait3A_107 = arith.constant 0 : i32
      %dma_wait3A_108 = tpu.memref_slice %arg8[%dma_wait3A_106, %dma_wait3A_107] : memref<8x256xi32, #tpu.memory_space<vmem>> -> memref<1x256xi32, #tpu.memory_space<vmem>>
      %dma_wait3A_109 = tpu.memref_squeeze %dma_wait3A_108 : memref<1x256xi32, #tpu.memory_space<vmem>> -> memref<256xi32, #tpu.memory_space<vmem>>
      %dma_wait3A_110 = arith.constant 0 : i32
      %dma_wait3A_111 = arith.constant 0 : i32
      %dma_wait3A_112 = tpu.memref_slice %arg15[%dma_wait3A_110, %dma_wait3A_111] : memref<28672x8xf32, #tpu.memory_space<vmem_shared>> -> memref<28672x8xf32, #tpu.memory_space<vmem_shared>>
      tpu.wait_indirect_dma semaphore(%arg22 : memref<!tpu.dma_semaphore, #tpu.memory_space<semaphore_mem>>) src(%arg9 : memref<256x8xf32, #tpu.memory_space<vmem>>) dst(%dma_wait3A_112 : memref<28672x8xf32, #tpu.memory_space<vmem_shared>>)
      %dma_start3A_113 = arith.constant 6 : i32
      %dma_start3A_114 = arith.constant 0 : i32
      %dma_start3A_115 = tpu.memref_slice %arg7[%dma_start3A_113, %dma_start3A_114] : memref<8x256xi32, #tpu.memory_space<vmem>> -> memref<1x256xi32, #tpu.memory_space<vmem>>
      %dma_start3A_116 = tpu.memref_squeeze %dma_start3A_115 : memref<1x256xi32, #tpu.memory_space<vmem>> -> memref<256xi32, #tpu.memory_space<vmem>>
      %dma_start3A_117 = arith.constant 0 : i32
      %dma_start3A_118 = arith.constant 0 : i32
      %dma_start3A_119 = tpu.memref_slice %arg2[%dma_start3A_117, %dma_start3A_118] : memref<53248x8xf32, #tpu.memory_space<hbm>> -> memref<53248x8xf32, #tpu.memory_space<hbm>>
      tpu.enqueue_indirect_dma source(%dma_start3A_119 : memref<53248x8xf32, #tpu.memory_space<hbm>>) target(%arg9 : memref<256x8xf32, #tpu.memory_space<vmem>>) offsets(%dma_start3A_116 : memref<256xi32, #tpu.memory_space<vmem>>) semaphore(%arg16 : memref<!tpu.dma_semaphore, #tpu.memory_space<semaphore_mem>>)
      %dma_wait3A_120 = arith.constant 3 : i32
      %dma_wait3A_121 = arith.constant 0 : i32
      %dma_wait3A_122 = tpu.memref_slice %arg7[%dma_wait3A_120, %dma_wait3A_121] : memref<8x256xi32, #tpu.memory_space<vmem>> -> memref<1x256xi32, #tpu.memory_space<vmem>>
      %dma_wait3A_123 = tpu.memref_squeeze %dma_wait3A_122 : memref<1x256xi32, #tpu.memory_space<vmem>> -> memref<256xi32, #tpu.memory_space<vmem>>
      %dma_wait3A_124 = arith.constant 0 : i32
      %dma_wait3A_125 = arith.constant 0 : i32
      %dma_wait3A_126 = tpu.memref_slice %arg2[%dma_wait3A_124, %dma_wait3A_125] : memref<53248x8xf32, #tpu.memory_space<hbm>> -> memref<53248x8xf32, #tpu.memory_space<hbm>>
      tpu.wait_indirect_dma semaphore(%arg19 : memref<!tpu.dma_semaphore, #tpu.memory_space<semaphore_mem>>) src(%dma_wait3A_126 : memref<53248x8xf32, #tpu.memory_space<hbm>>) dst(%arg12 : memref<256x8xf32, #tpu.memory_space<vmem>>)
      %dma_start3A_127 = arith.constant 3 : i32
      %dma_start3A_128 = arith.constant 0 : i32
      %dma_start3A_129 = tpu.memref_slice %arg8[%dma_start3A_127, %dma_start3A_128] : memref<8x256xi32, #tpu.memory_space<vmem>> -> memref<1x256xi32, #tpu.memory_space<vmem>>
      %dma_start3A_130 = tpu.memref_squeeze %dma_start3A_129 : memref<1x256xi32, #tpu.memory_space<vmem>> -> memref<256xi32, #tpu.memory_space<vmem>>
      %dma_start3A_131 = arith.constant 0 : i32
      %dma_start3A_132 = arith.constant 0 : i32
      %dma_start3A_133 = tpu.memref_slice %arg15[%dma_start3A_131, %dma_start3A_132] : memref<28672x8xf32, #tpu.memory_space<vmem_shared>> -> memref<28672x8xf32, #tpu.memory_space<vmem_shared>>
      tpu.enqueue_indirect_dma source(%arg12 : memref<256x8xf32, #tpu.memory_space<vmem>>) target(%dma_start3A_133 : memref<28672x8xf32, #tpu.memory_space<vmem_shared>>) offsets(%dma_start3A_130 : memref<256xi32, #tpu.memory_space<vmem>>) semaphore(%arg25 : memref<!tpu.dma_semaphore, #tpu.memory_space<semaphore_mem>>) {add = true}
      %dma_wait3A_134 = arith.constant 1 : i32
      %dma_wait3A_135 = arith.constant 0 : i32
      %dma_wait3A_136 = tpu.memref_slice %arg8[%dma_wait3A_134, %dma_wait3A_135] : memref<8x256xi32, #tpu.memory_space<vmem>> -> memref<1x256xi32, #tpu.memory_space<vmem>>
      %dma_wait3A_137 = tpu.memref_squeeze %dma_wait3A_136 : memref<1x256xi32, #tpu.memory_space<vmem>> -> memref<256xi32, #tpu.memory_space<vmem>>
      %dma_wait3A_138 = arith.constant 0 : i32
      %dma_wait3A_139 = arith.constant 0 : i32
      %dma_wait3A_140 = tpu.memref_slice %arg15[%dma_wait3A_138, %dma_wait3A_139] : memref<28672x8xf32, #tpu.memory_space<vmem_shared>> -> memref<28672x8xf32, #tpu.memory_space<vmem_shared>>
      tpu.wait_indirect_dma semaphore(%arg23 : memref<!tpu.dma_semaphore, #tpu.memory_space<semaphore_mem>>) src(%arg10 : memref<256x8xf32, #tpu.memory_space<vmem>>) dst(%dma_wait3A_140 : memref<28672x8xf32, #tpu.memory_space<vmem_shared>>)
      %dma_start3A_141 = arith.constant 7 : i32
      %dma_start3A_142 = arith.constant 0 : i32
      %dma_start3A_143 = tpu.memref_slice %arg7[%dma_start3A_141, %dma_start3A_142] : memref<8x256xi32, #tpu.memory_space<vmem>> -> memref<1x256xi32, #tpu.memory_space<vmem>>
      %dma_start3A_144 = tpu.memref_squeeze %dma_start3A_143 : memref<1x256xi32, #tpu.memory_space<vmem>> -> memref<256xi32, #tpu.memory_space<vmem>>
      %dma_start3A_145 = arith.constant 0 : i32
      %dma_start3A_146 = arith.constant 0 : i32
      %dma_start3A_147 = tpu.memref_slice %arg2[%dma_start3A_145, %dma_start3A_146] : memref<53248x8xf32, #tpu.memory_space<hbm>> -> memref<53248x8xf32, #tpu.memory_space<hbm>>
      tpu.enqueue_indirect_dma source(%dma_start3A_147 : memref<53248x8xf32, #tpu.memory_space<hbm>>) target(%arg10 : memref<256x8xf32, #tpu.memory_space<vmem>>) offsets(%dma_start3A_144 : memref<256xi32, #tpu.memory_space<vmem>>) semaphore(%arg17 : memref<!tpu.dma_semaphore, #tpu.memory_space<semaphore_mem>>)
      %dma_wait3A_148 = arith.constant 4 : i32
      %dma_wait3A_149 = arith.constant 0 : i32
      %dma_wait3A_150 = tpu.memref_slice %arg7[%dma_wait3A_148, %dma_wait3A_149] : memref<8x256xi32, #tpu.memory_space<vmem>> -> memref<1x256xi32, #tpu.memory_space<vmem>>
      %dma_wait3A_151 = tpu.memref_squeeze %dma_wait3A_150 : memref<1x256xi32, #tpu.memory_space<vmem>> -> memref<256xi32, #tpu.memory_space<vmem>>
      %dma_wait3A_152 = arith.constant 0 : i32
      %dma_wait3A_153 = arith.constant 0 : i32
      %dma_wait3A_154 = tpu.memref_slice %arg2[%dma_wait3A_152, %dma_wait3A_153] : memref<53248x8xf32, #tpu.memory_space<hbm>> -> memref<53248x8xf32, #tpu.memory_space<hbm>>
      tpu.wait_indirect_dma semaphore(%arg20 : memref<!tpu.dma_semaphore, #tpu.memory_space<semaphore_mem>>) src(%dma_wait3A_154 : memref<53248x8xf32, #tpu.memory_space<hbm>>) dst(%arg13 : memref<256x8xf32, #tpu.memory_space<vmem>>)
      %dma_start3A_155 = arith.constant 4 : i32
      %dma_start3A_156 = arith.constant 0 : i32
      %dma_start3A_157 = tpu.memref_slice %arg8[%dma_start3A_155, %dma_start3A_156] : memref<8x256xi32, #tpu.memory_space<vmem>> -> memref<1x256xi32, #tpu.memory_space<vmem>>
      %dma_start3A_158 = tpu.memref_squeeze %dma_start3A_157 : memref<1x256xi32, #tpu.memory_space<vmem>> -> memref<256xi32, #tpu.memory_space<vmem>>
      %dma_start3A_159 = arith.constant 0 : i32
      %dma_start3A_160 = arith.constant 0 : i32
      %dma_start3A_161 = tpu.memref_slice %arg15[%dma_start3A_159, %dma_start3A_160] : memref<28672x8xf32, #tpu.memory_space<vmem_shared>> -> memref<28672x8xf32, #tpu.memory_space<vmem_shared>>
      tpu.enqueue_indirect_dma source(%arg13 : memref<256x8xf32, #tpu.memory_space<vmem>>) target(%dma_start3A_161 : memref<28672x8xf32, #tpu.memory_space<vmem_shared>>) offsets(%dma_start3A_158 : memref<256xi32, #tpu.memory_space<vmem>>) semaphore(%arg26 : memref<!tpu.dma_semaphore, #tpu.memory_space<semaphore_mem>>) {add = true}
      %dma_wait3A_162 = arith.constant 5 : i32
      %dma_wait3A_163 = arith.constant 0 : i32
      %dma_wait3A_164 = tpu.memref_slice %arg7[%dma_wait3A_162, %dma_wait3A_163] : memref<8x256xi32, #tpu.memory_space<vmem>> -> memref<1x256xi32, #tpu.memory_space<vmem>>
      %dma_wait3A_165 = tpu.memref_squeeze %dma_wait3A_164 : memref<1x256xi32, #tpu.memory_space<vmem>> -> memref<256xi32, #tpu.memory_space<vmem>>
      %dma_wait3A_166 = arith.constant 0 : i32
      %dma_wait3A_167 = arith.constant 0 : i32
      %dma_wait3A_168 = tpu.memref_slice %arg2[%dma_wait3A_166, %dma_wait3A_167] : memref<53248x8xf32, #tpu.memory_space<hbm>> -> memref<53248x8xf32, #tpu.memory_space<hbm>>
      tpu.wait_indirect_dma semaphore(%arg21 : memref<!tpu.dma_semaphore, #tpu.memory_space<semaphore_mem>>) src(%dma_wait3A_168 : memref<53248x8xf32, #tpu.memory_space<hbm>>) dst(%arg14 : memref<256x8xf32, #tpu.memory_space<vmem>>)
      %dma_start3A_169 = arith.constant 5 : i32
      %dma_start3A_170 = arith.constant 0 : i32
      %dma_start3A_171 = tpu.memref_slice %arg8[%dma_start3A_169, %dma_start3A_170] : memref<8x256xi32, #tpu.memory_space<vmem>> -> memref<1x256xi32, #tpu.memory_space<vmem>>
      %dma_start3A_172 = tpu.memref_squeeze %dma_start3A_171 : memref<1x256xi32, #tpu.memory_space<vmem>> -> memref<256xi32, #tpu.memory_space<vmem>>
      %dma_start3A_173 = arith.constant 0 : i32
      %dma_start3A_174 = arith.constant 0 : i32
      %dma_start3A_175 = tpu.memref_slice %arg15[%dma_start3A_173, %dma_start3A_174] : memref<28672x8xf32, #tpu.memory_space<vmem_shared>> -> memref<28672x8xf32, #tpu.memory_space<vmem_shared>>
      tpu.enqueue_indirect_dma source(%arg14 : memref<256x8xf32, #tpu.memory_space<vmem>>) target(%dma_start3A_175 : memref<28672x8xf32, #tpu.memory_space<vmem_shared>>) offsets(%dma_start3A_172 : memref<256xi32, #tpu.memory_space<vmem>>) semaphore(%arg27 : memref<!tpu.dma_semaphore, #tpu.memory_space<semaphore_mem>>) {add = true}
      %dma_wait3A_176 = arith.constant 6 : i32
      %dma_wait3A_177 = arith.constant 0 : i32
      %dma_wait3A_178 = tpu.memref_slice %arg7[%dma_wait3A_176, %dma_wait3A_177] : memref<8x256xi32, #tpu.memory_space<vmem>> -> memref<1x256xi32, #tpu.memory_space<vmem>>
      %dma_wait3A_179 = tpu.memref_squeeze %dma_wait3A_178 : memref<1x256xi32, #tpu.memory_space<vmem>> -> memref<256xi32, #tpu.memory_space<vmem>>
      %dma_wait3A_180 = arith.constant 0 : i32
      %dma_wait3A_181 = arith.constant 0 : i32
      %dma_wait3A_182 = tpu.memref_slice %arg2[%dma_wait3A_180, %dma_wait3A_181] : memref<53248x8xf32, #tpu.memory_space<hbm>> -> memref<53248x8xf32, #tpu.memory_space<hbm>>
      tpu.wait_indirect_dma semaphore(%arg16 : memref<!tpu.dma_semaphore, #tpu.memory_space<semaphore_mem>>) src(%dma_wait3A_182 : memref<53248x8xf32, #tpu.memory_space<hbm>>) dst(%arg9 : memref<256x8xf32, #tpu.memory_space<vmem>>)
      %dma_start3A_183 = arith.constant 6 : i32
      %dma_start3A_184 = arith.constant 0 : i32
      %dma_start3A_185 = tpu.memref_slice %arg8[%dma_start3A_183, %dma_start3A_184] : memref<8x256xi32, #tpu.memory_space<vmem>> -> memref<1x256xi32, #tpu.memory_space<vmem>>
      %dma_start3A_186 = tpu.memref_squeeze %dma_start3A_185 : memref<1x256xi32, #tpu.memory_space<vmem>> -> memref<256xi32, #tpu.memory_space<vmem>>
      %dma_start3A_187 = arith.constant 0 : i32
      %dma_start3A_188 = arith.constant 0 : i32
      %dma_start3A_189 = tpu.memref_slice %arg15[%dma_start3A_187, %dma_start3A_188] : memref<28672x8xf32, #tpu.memory_space<vmem_shared>> -> memref<28672x8xf32, #tpu.memory_space<vmem_shared>>
      tpu.enqueue_indirect_dma source(%arg9 : memref<256x8xf32, #tpu.memory_space<vmem>>) target(%dma_start3A_189 : memref<28672x8xf32, #tpu.memory_space<vmem_shared>>) offsets(%dma_start3A_186 : memref<256xi32, #tpu.memory_space<vmem>>) semaphore(%arg22 : memref<!tpu.dma_semaphore, #tpu.memory_space<semaphore_mem>>) {add = true}
      %dma_wait3A_190 = arith.constant 7 : i32
      %dma_wait3A_191 = arith.constant 0 : i32
      %dma_wait3A_192 = tpu.memref_slice %arg7[%dma_wait3A_190, %dma_wait3A_191] : memref<8x256xi32, #tpu.memory_space<vmem>> -> memref<1x256xi32, #tpu.memory_space<vmem>>
      %dma_wait3A_193 = tpu.memref_squeeze %dma_wait3A_192 : memref<1x256xi32, #tpu.memory_space<vmem>> -> memref<256xi32, #tpu.memory_space<vmem>>
      %dma_wait3A_194 = arith.constant 0 : i32
      %dma_wait3A_195 = arith.constant 0 : i32
      %dma_wait3A_196 = tpu.memref_slice %arg2[%dma_wait3A_194, %dma_wait3A_195] : memref<53248x8xf32, #tpu.memory_space<hbm>> -> memref<53248x8xf32, #tpu.memory_space<hbm>>
      tpu.wait_indirect_dma semaphore(%arg17 : memref<!tpu.dma_semaphore, #tpu.memory_space<semaphore_mem>>) src(%dma_wait3A_196 : memref<53248x8xf32, #tpu.memory_space<hbm>>) dst(%arg10 : memref<256x8xf32, #tpu.memory_space<vmem>>)
      %dma_start3A_197 = arith.constant 7 : i32
      %dma_start3A_198 = arith.constant 0 : i32
      %dma_start3A_199 = tpu.memref_slice %arg8[%dma_start3A_197, %dma_start3A_198] : memref<8x256xi32, #tpu.memory_space<vmem>> -> memref<1x256xi32, #tpu.memory_space<vmem>>
      %dma_start3A_200 = tpu.memref_squeeze %dma_start3A_199 : memref<1x256xi32, #tpu.memory_space<vmem>> -> memref<256xi32, #tpu.memory_space<vmem>>
      %dma_start3A_201 = arith.constant 0 : i32
      %dma_start3A_202 = arith.constant 0 : i32
      %dma_start3A_203 = tpu.memref_slice %arg15[%dma_start3A_201, %dma_start3A_202] : memref<28672x8xf32, #tpu.memory_space<vmem_shared>> -> memref<28672x8xf32, #tpu.memory_space<vmem_shared>>
      tpu.enqueue_indirect_dma source(%arg10 : memref<256x8xf32, #tpu.memory_space<vmem>>) target(%dma_start3A_203 : memref<28672x8xf32, #tpu.memory_space<vmem_shared>>) offsets(%dma_start3A_200 : memref<256xi32, #tpu.memory_space<vmem>>) semaphore(%arg23 : memref<!tpu.dma_semaphore, #tpu.memory_space<semaphore_mem>>) {add = true}
      %dma_wait3A_204 = arith.constant 2 : i32
      %dma_wait3A_205 = arith.constant 0 : i32
      %dma_wait3A_206 = tpu.memref_slice %arg8[%dma_wait3A_204, %dma_wait3A_205] : memref<8x256xi32, #tpu.memory_space<vmem>> -> memref<1x256xi32, #tpu.memory_space<vmem>>
      %dma_wait3A_207 = tpu.memref_squeeze %dma_wait3A_206 : memref<1x256xi32, #tpu.memory_space<vmem>> -> memref<256xi32, #tpu.memory_space<vmem>>
      %dma_wait3A_208 = arith.constant 0 : i32
      %dma_wait3A_209 = arith.constant 0 : i32
      %dma_wait3A_210 = tpu.memref_slice %arg15[%dma_wait3A_208, %dma_wait3A_209] : memref<28672x8xf32, #tpu.memory_space<vmem_shared>> -> memref<28672x8xf32, #tpu.memory_space<vmem_shared>>
      tpu.wait_indirect_dma semaphore(%arg24 : memref<!tpu.dma_semaphore, #tpu.memory_space<semaphore_mem>>) src(%arg11 : memref<256x8xf32, #tpu.memory_space<vmem>>) dst(%dma_wait3A_210 : memref<28672x8xf32, #tpu.memory_space<vmem_shared>>)
      %dma_wait3A_211 = arith.constant 3 : i32
      %dma_wait3A_212 = arith.constant 0 : i32
      %dma_wait3A_213 = tpu.memref_slice %arg8[%dma_wait3A_211, %dma_wait3A_212] : memref<8x256xi32, #tpu.memory_space<vmem>> -> memref<1x256xi32, #tpu.memory_space<vmem>>
      %dma_wait3A_214 = tpu.memref_squeeze %dma_wait3A_213 : memref<1x256xi32, #tpu.memory_space<vmem>> -> memref<256xi32, #tpu.memory_space<vmem>>
      %dma_wait3A_215 = arith.constant 0 : i32
      %dma_wait3A_216 = arith.constant 0 : i32
      %dma_wait3A_217 = tpu.memref_slice %arg15[%dma_wait3A_215, %dma_wait3A_216] : memref<28672x8xf32, #tpu.memory_space<vmem_shared>> -> memref<28672x8xf32, #tpu.memory_space<vmem_shared>>
      tpu.wait_indirect_dma semaphore(%arg25 : memref<!tpu.dma_semaphore, #tpu.memory_space<semaphore_mem>>) src(%arg12 : memref<256x8xf32, #tpu.memory_space<vmem>>) dst(%dma_wait3A_217 : memref<28672x8xf32, #tpu.memory_space<vmem_shared>>)
      %dma_wait3A_218 = arith.constant 4 : i32
      %dma_wait3A_219 = arith.constant 0 : i32
      %dma_wait3A_220 = tpu.memref_slice %arg8[%dma_wait3A_218, %dma_wait3A_219] : memref<8x256xi32, #tpu.memory_space<vmem>> -> memref<1x256xi32, #tpu.memory_space<vmem>>
      %dma_wait3A_221 = tpu.memref_squeeze %dma_wait3A_220 : memref<1x256xi32, #tpu.memory_space<vmem>> -> memref<256xi32, #tpu.memory_space<vmem>>
      %dma_wait3A_222 = arith.constant 0 : i32
      %dma_wait3A_223 = arith.constant 0 : i32
      %dma_wait3A_224 = tpu.memref_slice %arg15[%dma_wait3A_222, %dma_wait3A_223] : memref<28672x8xf32, #tpu.memory_space<vmem_shared>> -> memref<28672x8xf32, #tpu.memory_space<vmem_shared>>
      tpu.wait_indirect_dma semaphore(%arg26 : memref<!tpu.dma_semaphore, #tpu.memory_space<semaphore_mem>>) src(%arg13 : memref<256x8xf32, #tpu.memory_space<vmem>>) dst(%dma_wait3A_224 : memref<28672x8xf32, #tpu.memory_space<vmem_shared>>)
      %dma_wait3A_225 = arith.constant 5 : i32
      %dma_wait3A_226 = arith.constant 0 : i32
      %dma_wait3A_227 = tpu.memref_slice %arg8[%dma_wait3A_225, %dma_wait3A_226] : memref<8x256xi32, #tpu.memory_space<vmem>> -> memref<1x256xi32, #tpu.memory_space<vmem>>
      %dma_wait3A_228 = tpu.memref_squeeze %dma_wait3A_227 : memref<1x256xi32, #tpu.memory_space<vmem>> -> memref<256xi32, #tpu.memory_space<vmem>>
      %dma_wait3A_229 = arith.constant 0 : i32
      %dma_wait3A_230 = arith.constant 0 : i32
      %dma_wait3A_231 = tpu.memref_slice %arg15[%dma_wait3A_229, %dma_wait3A_230] : memref<28672x8xf32, #tpu.memory_space<vmem_shared>> -> memref<28672x8xf32, #tpu.memory_space<vmem_shared>>
      tpu.wait_indirect_dma semaphore(%arg27 : memref<!tpu.dma_semaphore, #tpu.memory_space<semaphore_mem>>) src(%arg14 : memref<256x8xf32, #tpu.memory_space<vmem>>) dst(%dma_wait3A_231 : memref<28672x8xf32, #tpu.memory_space<vmem_shared>>)
      %dma_wait3A_232 = arith.constant 6 : i32
      %dma_wait3A_233 = arith.constant 0 : i32
      %dma_wait3A_234 = tpu.memref_slice %arg8[%dma_wait3A_232, %dma_wait3A_233] : memref<8x256xi32, #tpu.memory_space<vmem>> -> memref<1x256xi32, #tpu.memory_space<vmem>>
      %dma_wait3A_235 = tpu.memref_squeeze %dma_wait3A_234 : memref<1x256xi32, #tpu.memory_space<vmem>> -> memref<256xi32, #tpu.memory_space<vmem>>
      %dma_wait3A_236 = arith.constant 0 : i32
      %dma_wait3A_237 = arith.constant 0 : i32
      %dma_wait3A_238 = tpu.memref_slice %arg15[%dma_wait3A_236, %dma_wait3A_237] : memref<28672x8xf32, #tpu.memory_space<vmem_shared>> -> memref<28672x8xf32, #tpu.memory_space<vmem_shared>>
      tpu.wait_indirect_dma semaphore(%arg22 : memref<!tpu.dma_semaphore, #tpu.memory_space<semaphore_mem>>) src(%arg9 : memref<256x8xf32, #tpu.memory_space<vmem>>) dst(%dma_wait3A_238 : memref<28672x8xf32, #tpu.memory_space<vmem_shared>>)
      %dma_wait3A_239 = arith.constant 7 : i32
      %dma_wait3A_240 = arith.constant 0 : i32
      %dma_wait3A_241 = tpu.memref_slice %arg8[%dma_wait3A_239, %dma_wait3A_240] : memref<8x256xi32, #tpu.memory_space<vmem>> -> memref<1x256xi32, #tpu.memory_space<vmem>>
      %dma_wait3A_242 = tpu.memref_squeeze %dma_wait3A_241 : memref<1x256xi32, #tpu.memory_space<vmem>> -> memref<256xi32, #tpu.memory_space<vmem>>
      %dma_wait3A_243 = arith.constant 0 : i32
      %dma_wait3A_244 = arith.constant 0 : i32
      %dma_wait3A_245 = tpu.memref_slice %arg15[%dma_wait3A_243, %dma_wait3A_244] : memref<28672x8xf32, #tpu.memory_space<vmem_shared>> -> memref<28672x8xf32, #tpu.memory_space<vmem_shared>>
      tpu.wait_indirect_dma semaphore(%arg23 : memref<!tpu.dma_semaphore, #tpu.memory_space<semaphore_mem>>) src(%arg10 : memref<256x8xf32, #tpu.memory_space<vmem>>) dst(%dma_wait3A_245 : memref<28672x8xf32, #tpu.memory_space<vmem_shared>>)
    }
    %scan3A_11 = arith.constant 25 : i32
    %barrier3A_12 = arith.constant 0 : index
    tpu.barrier barrier_id(%barrier3A_12)
    %mul3A_13 = arith.constant 1664 : i32
    %mul3A_14 = arith.muli %arg1, %mul3A_13 : i32
    %mul3A_15 = arith.constant 26624 : i32
    %mul3A_16 = arith.muli %arg0, %mul3A_15 : i32
    %mul3A_17 = arith.constant 1664 : i32
    %mul3A_18 = arith.muli %arg1, %mul3A_17 : i32
    %add3A = arith.addi %mul3A_16, %mul3A_18 : i32
    "tpu.region"() ({
      %run_scoped3A = tpu.sem_alloc : memref<!tpu.dma_semaphore, #tpu.memory_space<semaphore_mem>>
      %dma_start3A = arith.constant 0 : i32
      %dma_start3A_19 = tpu.memref_slice %arg6[%add3A, %dma_start3A] : memref<53248x8xf32, #tpu.memory_space<hbm>> -> memref<1664x8xf32, #tpu.memory_space<hbm>>
      %dma_start3A_20 = arith.constant 0 : i32
      %dma_start3A_21 = tpu.memref_slice %arg15[%mul3A_14, %dma_start3A_20] : memref<28672x8xf32, #tpu.memory_space<vmem_shared>> -> memref<1664x8xf32, #tpu.memory_space<vmem_shared>>
      tpu.enqueue_dma source(%dma_start3A_21 : memref<1664x8xf32, #tpu.memory_space<vmem_shared>>) target(%dma_start3A_19 : memref<1664x8xf32, #tpu.memory_space<hbm>>) target_semaphore(%run_scoped3A : memref<!tpu.dma_semaphore, #tpu.memory_space<semaphore_mem>>)
      %dma_wait3A = arith.constant 0 : i32
      %dma_wait3A_22 = tpu.memref_slice %arg6[%add3A, %dma_wait3A] : memref<53248x8xf32, #tpu.memory_space<hbm>> -> memref<1664x8xf32, #tpu.memory_space<hbm>>
      %dma_wait3A_23 = arith.constant 0 : i32
      %dma_wait3A_24 = tpu.memref_slice %arg15[%mul3A_14, %dma_wait3A_23] : memref<28672x8xf32, #tpu.memory_space<vmem_shared>> -> memref<1664x8xf32, #tpu.memory_space<vmem_shared>>
      tpu.wait_dma2 semaphore(%run_scoped3A : memref<!tpu.dma_semaphore, #tpu.memory_space<semaphore_mem>>) src(%dma_wait3A_24 : memref<1664x8xf32, #tpu.memory_space<vmem_shared>>) dst(%dma_wait3A_22 : memref<1664x8xf32, #tpu.memory_space<hbm>>)
      tpu.yield
    }) : () -> ()
    return
  }
}

#map = affine_map<(d0, d1) -> (0, 0)>
#map1 = affine_map<(d0, d1) -> (0, 0, 0)>
#map2 = affine_map<(d0, d1) -> (0, 0, 0, 0)>
module attributes {stable_mosaic.version = 14 : i64} {
  func.func @segsum(%arg0: i32, %arg1: i32, %arg2: memref<53248x32xf32, #tpu.memory_space<hbm>>, %arg3: memref<16x200x256xi32, #tpu.memory_space<hbm>>, %arg4: memref<2x16x200x256xi32, #tpu.memory_space<hbm>>, %arg5: memref<256x32xf32, #tpu.memory_space<hbm>>, %arg6: memref<53248x32xf32, #tpu.memory_space<hbm>>, %arg7: memref<8x256xi32, #tpu.memory_space<vmem>>, %arg8: memref<8x256xi32, #tpu.memory_space<vmem>>, %arg9: memref<256x32xf32, #tpu.memory_space<vmem>>, %arg10: memref<256x32xf32, #tpu.memory_space<vmem>>, %arg11: memref<256x32xf32, #tpu.memory_space<vmem>>, %arg12: memref<256x32xf32, #tpu.memory_space<vmem>>, %arg13: memref<256x32xf32, #tpu.memory_space<vmem>>, %arg14: memref<256x32xf32, #tpu.memory_space<vmem>>, %arg15: memref<28672x32xf32, #tpu.memory_space<vmem_shared>>, %arg16: memref<!tpu.dma_semaphore, #tpu.memory_space<semaphore_mem>>, %arg17: memref<!tpu.dma_semaphore, #tpu.memory_space<semaphore_mem>>, %arg18: memref<!tpu.dma_semaphore, #tpu.memory_space<semaphore_mem>>, %arg19: memref<!tpu.dma_semaphore, #tpu.memory_space<semaphore_mem>>, %arg20: memref<!tpu.dma_semaphore, #tpu.memory_space<semaphore_mem>>, %arg21: memref<!tpu.dma_semaphore, #tpu.memory_space<semaphore_mem>>, %arg22: memref<!tpu.dma_semaphore, #tpu.memory_space<semaphore_mem>>, %arg23: memref<!tpu.dma_semaphore, #tpu.memory_space<semaphore_mem>>, %arg24: memref<!tpu.dma_semaphore, #tpu.memory_space<semaphore_mem>>, %arg25: memref<!tpu.dma_semaphore, #tpu.memory_space<semaphore_mem>>, %arg26: memref<!tpu.dma_semaphore, #tpu.memory_space<semaphore_mem>>, %arg27: memref<!tpu.dma_semaphore, #tpu.memory_space<semaphore_mem>>) attributes {dimension_semantics = [#tpu.dimension_semantics<core_parallel>, #tpu.dimension_semantics<subcore_parallel>], iteration_bounds = array<i64: 2, 16>, scalar_prefetch = 0 : i64, scratch_operands = 21 : i64, tpu.core_type = #tpu.core_type<sc_vector_subcore>, window_params = [{transform_indices = #map}, {transform_indices = #map1}, {transform_indices = #map2}, {transform_indices = #map}, {transform_indices = #map}]} {
    %mul3A = arith.constant 1792 : i32
    %mul3A_0 = arith.muli %arg1, %mul3A : i32
    %scan3A = arith.constant 0 : i32
    %scan3A_1 = arith.constant 0 : i32
    %scan3A_2 = arith.constant 7 : i32
    %scan3A_3 = arith.addi %scan3A_1, %scan3A_2 : i32
    %scan3A_4 = arith.constant 1 : i32
    scf.for %scan3A_19 = %scan3A_1 to %scan3A_3 step %scan3A_4  : i32 {
      %mul3A_20 = arith.constant 256 : i32
      %mul3A_21 = arith.muli %scan3A_19, %mul3A_20 : i32
      %add3A_22 = arith.addi %mul3A_0, %mul3A_21 : i32
      "tpu.region"() ({
        %run_scoped3A = tpu.sem_alloc : memref<!tpu.dma_semaphore, #tpu.memory_space<semaphore_mem>>
        %dma_start3A = arith.constant 0 : i32
        %dma_start3A_23 = tpu.memref_slice %arg15[%add3A_22, %dma_start3A] : memref<28672x32xf32, #tpu.memory_space<vmem_shared>> -> memref<256x32xf32, #tpu.memory_space<vmem_shared>>
        tpu.enqueue_dma source(%arg5 : memref<256x32xf32, #tpu.memory_space<hbm>>) target(%dma_start3A_23 : memref<256x32xf32, #tpu.memory_space<vmem_shared>>) target_semaphore(%run_scoped3A : memref<!tpu.dma_semaphore, #tpu.memory_space<semaphore_mem>>)
        %dma_wait3A = arith.constant 0 : i32
        %dma_wait3A_24 = tpu.memref_slice %arg15[%add3A_22, %dma_wait3A] : memref<28672x32xf32, #tpu.memory_space<vmem_shared>> -> memref<256x32xf32, #tpu.memory_space<vmem_shared>>
        tpu.wait_dma2 semaphore(%run_scoped3A : memref<!tpu.dma_semaphore, #tpu.memory_space<semaphore_mem>>) src(%arg5 : memref<256x32xf32, #tpu.memory_space<hbm>>) dst(%dma_wait3A_24 : memref<256x32xf32, #tpu.memory_space<vmem_shared>>)
        tpu.yield
      }) : () -> ()
    }
    %scan3A_5 = arith.constant 7 : i32
    %barrier3A = arith.constant 0 : index
    tpu.barrier barrier_id(%barrier3A)
    %scan3A_6 = arith.constant 0 : i32
    %scan3A_7 = arith.constant 0 : i32
    %scan3A_8 = arith.constant 25 : i32
    %scan3A_9 = arith.addi %scan3A_7, %scan3A_8 : i32
    %scan3A_10 = arith.constant 1 : i32
    scf.for %scan3A_19 = %scan3A_7 to %scan3A_9 step %scan3A_10  : i32 {
      %mul3A_20 = arith.constant 8 : i32
      %mul3A_21 = arith.muli %scan3A_19, %mul3A_20 : i32
      "tpu.region"() ({
        %run_scoped3A = tpu.sem_alloc : memref<!tpu.dma_semaphore, #tpu.memory_space<semaphore_mem>>
        %dma_start3A_246 = arith.constant 0 : i32
        %dma_start3A_247 = tpu.memref_slice %arg3[%arg1, %mul3A_21, %dma_start3A_246] : memref<16x200x256xi32, #tpu.memory_space<hbm>> -> memref<1x8x256xi32, #tpu.memory_space<hbm>>
        %dma_start3A_248 = tpu.memref_squeeze %dma_start3A_247 : memref<1x8x256xi32, #tpu.memory_space<hbm>> -> memref<8x256xi32, #tpu.memory_space<hbm>>
        %dma_start3A_249 = arith.constant 0 : i32
        %dma_start3A_250 = tpu.memref_slice %arg3[%arg1, %mul3A_21, %dma_start3A_249] : memref<16x200x256xi32, #tpu.memory_space<hbm>> -> memref<1x8x256xi32, #tpu.memory_space<hbm>>
        %dma_start3A_251 = tpu.memref_squeeze %dma_start3A_250 : memref<1x8x256xi32, #tpu.memory_space<hbm>> -> memref<8x256xi32, #tpu.memory_space<hbm>>
        tpu.enqueue_dma source(%dma_start3A_251 : memref<8x256xi32, #tpu.memory_space<hbm>>) target(%arg7 : memref<8x256xi32, #tpu.memory_space<vmem>>) target_semaphore(%run_scoped3A : memref<!tpu.dma_semaphore, #tpu.memory_space<semaphore_mem>>)
        %dma_wait3A_252 = arith.constant 0 : i32
        %dma_wait3A_253 = tpu.memref_slice %arg3[%arg1, %mul3A_21, %dma_wait3A_252] : memref<16x200x256xi32, #tpu.memory_space<hbm>> -> memref<1x8x256xi32, #tpu.memory_space<hbm>>
        %dma_wait3A_254 = tpu.memref_squeeze %dma_wait3A_253 : memref<1x8x256xi32, #tpu.memory_space<hbm>> -> memref<8x256xi32, #tpu.memory_space<hbm>>
        %dma_wait3A_255 = arith.constant 0 : i32
        %dma_wait3A_256 = tpu.memref_slice %arg3[%arg1, %mul3A_21, %dma_wait3A_255] : memref<16x200x256xi32, #tpu.memory_space<hbm>> -> memref<1x8x256xi32, #tpu.memory_space<hbm>>
        %dma_wait3A_257 = tpu.memref_squeeze %dma_wait3A_256 : memref<1x8x256xi32, #tpu.memory_space<hbm>> -> memref<8x256xi32, #tpu.memory_space<hbm>>
        tpu.wait_dma2 semaphore(%run_scoped3A : memref<!tpu.dma_semaphore, #tpu.memory_space<semaphore_mem>>) src(%dma_wait3A_257 : memref<8x256xi32, #tpu.memory_space<hbm>>) dst(%arg7 : memref<8x256xi32, #tpu.memory_space<vmem>>)
        tpu.yield
      }) : () -> ()
      %mul3A_22 = arith.constant 8 : i32
      %mul3A_23 = arith.muli %scan3A_19, %mul3A_22 : i32
      "tpu.region"() ({
        %run_scoped3A = tpu.sem_alloc : memref<!tpu.dma_semaphore, #tpu.memory_space<semaphore_mem>>
        %dma_start3A_246 = arith.constant 0 : i32
        %dma_start3A_247 = tpu.memref_slice %arg4[%arg0, %arg1, %mul3A_23, %dma_start3A_246] : memref<2x16x200x256xi32, #tpu.memory_space<hbm>> -> memref<1x1x8x256xi32, #tpu.memory_space<hbm>>
        %dma_start3A_248 = tpu.memref_squeeze %dma_start3A_247 : memref<1x1x8x256xi32, #tpu.memory_space<hbm>> -> memref<8x256xi32, #tpu.memory_space<hbm>>
        %dma_start3A_249 = arith.constant 0 : i32
        %dma_start3A_250 = tpu.memref_slice %arg4[%arg0, %arg1, %mul3A_23, %dma_start3A_249] : memref<2x16x200x256xi32, #tpu.memory_space<hbm>> -> memref<1x1x8x256xi32, #tpu.memory_space<hbm>>
        %dma_start3A_251 = tpu.memref_squeeze %dma_start3A_250 : memref<1x1x8x256xi32, #tpu.memory_space<hbm>> -> memref<8x256xi32, #tpu.memory_space<hbm>>
        tpu.enqueue_dma source(%dma_start3A_251 : memref<8x256xi32, #tpu.memory_space<hbm>>) target(%arg8 : memref<8x256xi32, #tpu.memory_space<vmem>>) target_semaphore(%run_scoped3A : memref<!tpu.dma_semaphore, #tpu.memory_space<semaphore_mem>>)
        %dma_wait3A_252 = arith.constant 0 : i32
        %dma_wait3A_253 = tpu.memref_slice %arg4[%arg0, %arg1, %mul3A_23, %dma_wait3A_252] : memref<2x16x200x256xi32, #tpu.memory_space<hbm>> -> memref<1x1x8x256xi32, #tpu.memory_space<hbm>>
        %dma_wait3A_254 = tpu.memref_squeeze %dma_wait3A_253 : memref<1x1x8x256xi32, #tpu.memory_space<hbm>> -> memref<8x256xi32, #tpu.memory_space<hbm>>
        %dma_wait3A_255 = arith.constant 0 : i32
        %dma_wait3A_256 = tpu.memref_slice %arg4[%arg0, %arg1, %mul3A_23, %dma_wait3A_255] : memref<2x16x200x256xi32, #tpu.memory_space<hbm>> -> memref<1x1x8x256xi32, #tpu.memory_space<hbm>>
        %dma_wait3A_257 = tpu.memref_squeeze %dma_wait3A_256 : memref<1x1x8x256xi32, #tpu.memory_space<hbm>> -> memref<8x256xi32, #tpu.memory_space<hbm>>
        tpu.wait_dma2 semaphore(%run_scoped3A : memref<!tpu.dma_semaphore, #tpu.memory_space<semaphore_mem>>) src(%dma_wait3A_257 : memref<8x256xi32, #tpu.memory_space<hbm>>) dst(%arg8 : memref<8x256xi32, #tpu.memory_space<vmem>>)
        tpu.yield
      }) : () -> ()
      %dma_start3A = arith.constant 0 : i32
      %dma_start3A_24 = arith.constant 0 : i32
      %dma_start3A_25 = tpu.memref_slice %arg7[%dma_start3A, %dma_start3A_24] : memref<8x256xi32, #tpu.memory_space<vmem>> -> memref<1x256xi32, #tpu.memory_space<vmem>>
      %dma_start3A_26 = tpu.memref_squeeze %dma_start3A_25 : memref<1x256xi32, #tpu.memory_space<vmem>> -> memref<256xi32, #tpu.memory_space<vmem>>
      %dma_start3A_27 = arith.constant 0 : i32
      %dma_start3A_28 = arith.constant 0 : i32
      %dma_start3A_29 = tpu.memref_slice %arg2[%dma_start3A_27, %dma_start3A_28] : memref<53248x32xf32, #tpu.memory_space<hbm>> -> memref<53248x32xf32, #tpu.memory_space<hbm>>
      tpu.enqueue_indirect_dma source(%dma_start3A_29 : memref<53248x32xf32, #tpu.memory_space<hbm>>) target(%arg9 : memref<256x32xf32, #tpu.memory_space<vmem>>) offsets(%dma_start3A_26 : memref<256xi32, #tpu.memory_space<vmem>>) semaphore(%arg16 : memref<!tpu.dma_semaphore, #tpu.memory_space<semaphore_mem>>)
      %dma_start3A_30 = arith.constant 1 : i32
      %dma_start3A_31 = arith.constant 0 : i32
      %dma_start3A_32 = tpu.memref_slice %arg7[%dma_start3A_30, %dma_start3A_31] : memref<8x256xi32, #tpu.memory_space<vmem>> -> memref<1x256xi32, #tpu.memory_space<vmem>>
      %dma_start3A_33 = tpu.memref_squeeze %dma_start3A_32 : memref<1x256xi32, #tpu.memory_space<vmem>> -> memref<256xi32, #tpu.memory_space<vmem>>
      %dma_start3A_34 = arith.constant 0 : i32
      %dma_start3A_35 = arith.constant 0 : i32
      %dma_start3A_36 = tpu.memref_slice %arg2[%dma_start3A_34, %dma_start3A_35] : memref<53248x32xf32, #tpu.memory_space<hbm>> -> memref<53248x32xf32, #tpu.memory_space<hbm>>
      tpu.enqueue_indirect_dma source(%dma_start3A_36 : memref<53248x32xf32, #tpu.memory_space<hbm>>) target(%arg10 : memref<256x32xf32, #tpu.memory_space<vmem>>) offsets(%dma_start3A_33 : memref<256xi32, #tpu.memory_space<vmem>>) semaphore(%arg17 : memref<!tpu.dma_semaphore, #tpu.memory_space<semaphore_mem>>)
      %dma_start3A_37 = arith.constant 2 : i32
      %dma_start3A_38 = arith.constant 0 : i32
      %dma_start3A_39 = tpu.memref_slice %arg7[%dma_start3A_37, %dma_start3A_38] : memref<8x256xi32, #tpu.memory_space<vmem>> -> memref<1x256xi32, #tpu.memory_space<vmem>>
      %dma_start3A_40 = tpu.memref_squeeze %dma_start3A_39 : memref<1x256xi32, #tpu.memory_space<vmem>> -> memref<256xi32, #tpu.memory_space<vmem>>
      %dma_start3A_41 = arith.constant 0 : i32
      %dma_start3A_42 = arith.constant 0 : i32
      %dma_start3A_43 = tpu.memref_slice %arg2[%dma_start3A_41, %dma_start3A_42] : memref<53248x32xf32, #tpu.memory_space<hbm>> -> memref<53248x32xf32, #tpu.memory_space<hbm>>
      tpu.enqueue_indirect_dma source(%dma_start3A_43 : memref<53248x32xf32, #tpu.memory_space<hbm>>) target(%arg11 : memref<256x32xf32, #tpu.memory_space<vmem>>) offsets(%dma_start3A_40 : memref<256xi32, #tpu.memory_space<vmem>>) semaphore(%arg18 : memref<!tpu.dma_semaphore, #tpu.memory_space<semaphore_mem>>)
      %dma_start3A_44 = arith.constant 3 : i32
      %dma_start3A_45 = arith.constant 0 : i32
      %dma_start3A_46 = tpu.memref_slice %arg7[%dma_start3A_44, %dma_start3A_45] : memref<8x256xi32, #tpu.memory_space<vmem>> -> memref<1x256xi32, #tpu.memory_space<vmem>>
      %dma_start3A_47 = tpu.memref_squeeze %dma_start3A_46 : memref<1x256xi32, #tpu.memory_space<vmem>> -> memref<256xi32, #tpu.memory_space<vmem>>
      %dma_start3A_48 = arith.constant 0 : i32
      %dma_start3A_49 = arith.constant 0 : i32
      %dma_start3A_50 = tpu.memref_slice %arg2[%dma_start3A_48, %dma_start3A_49] : memref<53248x32xf32, #tpu.memory_space<hbm>> -> memref<53248x32xf32, #tpu.memory_space<hbm>>
      tpu.enqueue_indirect_dma source(%dma_start3A_50 : memref<53248x32xf32, #tpu.memory_space<hbm>>) target(%arg12 : memref<256x32xf32, #tpu.memory_space<vmem>>) offsets(%dma_start3A_47 : memref<256xi32, #tpu.memory_space<vmem>>) semaphore(%arg19 : memref<!tpu.dma_semaphore, #tpu.memory_space<semaphore_mem>>)
      %dma_wait3A = arith.constant 0 : i32
      %dma_wait3A_51 = arith.constant 0 : i32
      %dma_wait3A_52 = tpu.memref_slice %arg7[%dma_wait3A, %dma_wait3A_51] : memref<8x256xi32, #tpu.memory_space<vmem>> -> memref<1x256xi32, #tpu.memory_space<vmem>>
      %dma_wait3A_53 = tpu.memref_squeeze %dma_wait3A_52 : memref<1x256xi32, #tpu.memory_space<vmem>> -> memref<256xi32, #tpu.memory_space<vmem>>
      %dma_wait3A_54 = arith.constant 0 : i32
      %dma_wait3A_55 = arith.constant 0 : i32
      %dma_wait3A_56 = tpu.memref_slice %arg2[%dma_wait3A_54, %dma_wait3A_55] : memref<53248x32xf32, #tpu.memory_space<hbm>> -> memref<53248x32xf32, #tpu.memory_space<hbm>>
      tpu.wait_indirect_dma semaphore(%arg16 : memref<!tpu.dma_semaphore, #tpu.memory_space<semaphore_mem>>) src(%dma_wait3A_56 : memref<53248x32xf32, #tpu.memory_space<hbm>>) dst(%arg9 : memref<256x32xf32, #tpu.memory_space<vmem>>)
      %dma_start3A_57 = arith.constant 0 : i32
      %dma_start3A_58 = arith.constant 0 : i32
      %dma_start3A_59 = tpu.memref_slice %arg8[%dma_start3A_57, %dma_start3A_58] : memref<8x256xi32, #tpu.memory_space<vmem>> -> memref<1x256xi32, #tpu.memory_space<vmem>>
      %dma_start3A_60 = tpu.memref_squeeze %dma_start3A_59 : memref<1x256xi32, #tpu.memory_space<vmem>> -> memref<256xi32, #tpu.memory_space<vmem>>
      %dma_start3A_61 = arith.constant 0 : i32
      %dma_start3A_62 = arith.constant 0 : i32
      %dma_start3A_63 = tpu.memref_slice %arg15[%dma_start3A_61, %dma_start3A_62] : memref<28672x32xf32, #tpu.memory_space<vmem_shared>> -> memref<28672x32xf32, #tpu.memory_space<vmem_shared>>
      tpu.enqueue_indirect_dma source(%arg9 : memref<256x32xf32, #tpu.memory_space<vmem>>) target(%dma_start3A_63 : memref<28672x32xf32, #tpu.memory_space<vmem_shared>>) offsets(%dma_start3A_60 : memref<256xi32, #tpu.memory_space<vmem>>) semaphore(%arg22 : memref<!tpu.dma_semaphore, #tpu.memory_space<semaphore_mem>>) {add = true}
      %dma_start3A_64 = arith.constant 4 : i32
      %dma_start3A_65 = arith.constant 0 : i32
      %dma_start3A_66 = tpu.memref_slice %arg7[%dma_start3A_64, %dma_start3A_65] : memref<8x256xi32, #tpu.memory_space<vmem>> -> memref<1x256xi32, #tpu.memory_space<vmem>>
      %dma_start3A_67 = tpu.memref_squeeze %dma_start3A_66 : memref<1x256xi32, #tpu.memory_space<vmem>> -> memref<256xi32, #tpu.memory_space<vmem>>
      %dma_start3A_68 = arith.constant 0 : i32
      %dma_start3A_69 = arith.constant 0 : i32
      %dma_start3A_70 = tpu.memref_slice %arg2[%dma_start3A_68, %dma_start3A_69] : memref<53248x32xf32, #tpu.memory_space<hbm>> -> memref<53248x32xf32, #tpu.memory_space<hbm>>
      tpu.enqueue_indirect_dma source(%dma_start3A_70 : memref<53248x32xf32, #tpu.memory_space<hbm>>) target(%arg13 : memref<256x32xf32, #tpu.memory_space<vmem>>) offsets(%dma_start3A_67 : memref<256xi32, #tpu.memory_space<vmem>>) semaphore(%arg20 : memref<!tpu.dma_semaphore, #tpu.memory_space<semaphore_mem>>)
      %dma_wait3A_71 = arith.constant 1 : i32
      %dma_wait3A_72 = arith.constant 0 : i32
      %dma_wait3A_73 = tpu.memref_slice %arg7[%dma_wait3A_71, %dma_wait3A_72] : memref<8x256xi32, #tpu.memory_space<vmem>> -> memref<1x256xi32, #tpu.memory_space<vmem>>
      %dma_wait3A_74 = tpu.memref_squeeze %dma_wait3A_73 : memref<1x256xi32, #tpu.memory_space<vmem>> -> memref<256xi32, #tpu.memory_space<vmem>>
      %dma_wait3A_75 = arith.constant 0 : i32
      %dma_wait3A_76 = arith.constant 0 : i32
      %dma_wait3A_77 = tpu.memref_slice %arg2[%dma_wait3A_75, %dma_wait3A_76] : memref<53248x32xf32, #tpu.memory_space<hbm>> -> memref<53248x32xf32, #tpu.memory_space<hbm>>
      tpu.wait_indirect_dma semaphore(%arg17 : memref<!tpu.dma_semaphore, #tpu.memory_space<semaphore_mem>>) src(%dma_wait3A_77 : memref<53248x32xf32, #tpu.memory_space<hbm>>) dst(%arg10 : memref<256x32xf32, #tpu.memory_space<vmem>>)
      %dma_start3A_78 = arith.constant 1 : i32
      %dma_start3A_79 = arith.constant 0 : i32
      %dma_start3A_80 = tpu.memref_slice %arg8[%dma_start3A_78, %dma_start3A_79] : memref<8x256xi32, #tpu.memory_space<vmem>> -> memref<1x256xi32, #tpu.memory_space<vmem>>
      %dma_start3A_81 = tpu.memref_squeeze %dma_start3A_80 : memref<1x256xi32, #tpu.memory_space<vmem>> -> memref<256xi32, #tpu.memory_space<vmem>>
      %dma_start3A_82 = arith.constant 0 : i32
      %dma_start3A_83 = arith.constant 0 : i32
      %dma_start3A_84 = tpu.memref_slice %arg15[%dma_start3A_82, %dma_start3A_83] : memref<28672x32xf32, #tpu.memory_space<vmem_shared>> -> memref<28672x32xf32, #tpu.memory_space<vmem_shared>>
      tpu.enqueue_indirect_dma source(%arg10 : memref<256x32xf32, #tpu.memory_space<vmem>>) target(%dma_start3A_84 : memref<28672x32xf32, #tpu.memory_space<vmem_shared>>) offsets(%dma_start3A_81 : memref<256xi32, #tpu.memory_space<vmem>>) semaphore(%arg23 : memref<!tpu.dma_semaphore, #tpu.memory_space<semaphore_mem>>) {add = true}
      %dma_start3A_85 = arith.constant 5 : i32
      %dma_start3A_86 = arith.constant 0 : i32
      %dma_start3A_87 = tpu.memref_slice %arg7[%dma_start3A_85, %dma_start3A_86] : memref<8x256xi32, #tpu.memory_space<vmem>> -> memref<1x256xi32, #tpu.memory_space<vmem>>
      %dma_start3A_88 = tpu.memref_squeeze %dma_start3A_87 : memref<1x256xi32, #tpu.memory_space<vmem>> -> memref<256xi32, #tpu.memory_space<vmem>>
      %dma_start3A_89 = arith.constant 0 : i32
      %dma_start3A_90 = arith.constant 0 : i32
      %dma_start3A_91 = tpu.memref_slice %arg2[%dma_start3A_89, %dma_start3A_90] : memref<53248x32xf32, #tpu.memory_space<hbm>> -> memref<53248x32xf32, #tpu.memory_space<hbm>>
      tpu.enqueue_indirect_dma source(%dma_start3A_91 : memref<53248x32xf32, #tpu.memory_space<hbm>>) target(%arg14 : memref<256x32xf32, #tpu.memory_space<vmem>>) offsets(%dma_start3A_88 : memref<256xi32, #tpu.memory_space<vmem>>) semaphore(%arg21 : memref<!tpu.dma_semaphore, #tpu.memory_space<semaphore_mem>>)
      %dma_wait3A_92 = arith.constant 2 : i32
      %dma_wait3A_93 = arith.constant 0 : i32
      %dma_wait3A_94 = tpu.memref_slice %arg7[%dma_wait3A_92, %dma_wait3A_93] : memref<8x256xi32, #tpu.memory_space<vmem>> -> memref<1x256xi32, #tpu.memory_space<vmem>>
      %dma_wait3A_95 = tpu.memref_squeeze %dma_wait3A_94 : memref<1x256xi32, #tpu.memory_space<vmem>> -> memref<256xi32, #tpu.memory_space<vmem>>
      %dma_wait3A_96 = arith.constant 0 : i32
      %dma_wait3A_97 = arith.constant 0 : i32
      %dma_wait3A_98 = tpu.memref_slice %arg2[%dma_wait3A_96, %dma_wait3A_97] : memref<53248x32xf32, #tpu.memory_space<hbm>> -> memref<53248x32xf32, #tpu.memory_space<hbm>>
      tpu.wait_indirect_dma semaphore(%arg18 : memref<!tpu.dma_semaphore, #tpu.memory_space<semaphore_mem>>) src(%dma_wait3A_98 : memref<53248x32xf32, #tpu.memory_space<hbm>>) dst(%arg11 : memref<256x32xf32, #tpu.memory_space<vmem>>)
      %dma_start3A_99 = arith.constant 2 : i32
      %dma_start3A_100 = arith.constant 0 : i32
      %dma_start3A_101 = tpu.memref_slice %arg8[%dma_start3A_99, %dma_start3A_100] : memref<8x256xi32, #tpu.memory_space<vmem>> -> memref<1x256xi32, #tpu.memory_space<vmem>>
      %dma_start3A_102 = tpu.memref_squeeze %dma_start3A_101 : memref<1x256xi32, #tpu.memory_space<vmem>> -> memref<256xi32, #tpu.memory_space<vmem>>
      %dma_start3A_103 = arith.constant 0 : i32
      %dma_start3A_104 = arith.constant 0 : i32
      %dma_start3A_105 = tpu.memref_slice %arg15[%dma_start3A_103, %dma_start3A_104] : memref<28672x32xf32, #tpu.memory_space<vmem_shared>> -> memref<28672x32xf32, #tpu.memory_space<vmem_shared>>
      tpu.enqueue_indirect_dma source(%arg11 : memref<256x32xf32, #tpu.memory_space<vmem>>) target(%dma_start3A_105 : memref<28672x32xf32, #tpu.memory_space<vmem_shared>>) offsets(%dma_start3A_102 : memref<256xi32, #tpu.memory_space<vmem>>) semaphore(%arg24 : memref<!tpu.dma_semaphore, #tpu.memory_space<semaphore_mem>>) {add = true}
      %dma_wait3A_106 = arith.constant 0 : i32
      %dma_wait3A_107 = arith.constant 0 : i32
      %dma_wait3A_108 = tpu.memref_slice %arg8[%dma_wait3A_106, %dma_wait3A_107] : memref<8x256xi32, #tpu.memory_space<vmem>> -> memref<1x256xi32, #tpu.memory_space<vmem>>
      %dma_wait3A_109 = tpu.memref_squeeze %dma_wait3A_108 : memref<1x256xi32, #tpu.memory_space<vmem>> -> memref<256xi32, #tpu.memory_space<vmem>>
      %dma_wait3A_110 = arith.constant 0 : i32
      %dma_wait3A_111 = arith.constant 0 : i32
      %dma_wait3A_112 = tpu.memref_slice %arg15[%dma_wait3A_110, %dma_wait3A_111] : memref<28672x32xf32, #tpu.memory_space<vmem_shared>> -> memref<28672x32xf32, #tpu.memory_space<vmem_shared>>
      tpu.wait_indirect_dma semaphore(%arg22 : memref<!tpu.dma_semaphore, #tpu.memory_space<semaphore_mem>>) src(%arg9 : memref<256x32xf32, #tpu.memory_space<vmem>>) dst(%dma_wait3A_112 : memref<28672x32xf32, #tpu.memory_space<vmem_shared>>)
      %dma_start3A_113 = arith.constant 6 : i32
      %dma_start3A_114 = arith.constant 0 : i32
      %dma_start3A_115 = tpu.memref_slice %arg7[%dma_start3A_113, %dma_start3A_114] : memref<8x256xi32, #tpu.memory_space<vmem>> -> memref<1x256xi32, #tpu.memory_space<vmem>>
      %dma_start3A_116 = tpu.memref_squeeze %dma_start3A_115 : memref<1x256xi32, #tpu.memory_space<vmem>> -> memref<256xi32, #tpu.memory_space<vmem>>
      %dma_start3A_117 = arith.constant 0 : i32
      %dma_start3A_118 = arith.constant 0 : i32
      %dma_start3A_119 = tpu.memref_slice %arg2[%dma_start3A_117, %dma_start3A_118] : memref<53248x32xf32, #tpu.memory_space<hbm>> -> memref<53248x32xf32, #tpu.memory_space<hbm>>
      tpu.enqueue_indirect_dma source(%dma_start3A_119 : memref<53248x32xf32, #tpu.memory_space<hbm>>) target(%arg9 : memref<256x32xf32, #tpu.memory_space<vmem>>) offsets(%dma_start3A_116 : memref<256xi32, #tpu.memory_space<vmem>>) semaphore(%arg16 : memref<!tpu.dma_semaphore, #tpu.memory_space<semaphore_mem>>)
      %dma_wait3A_120 = arith.constant 3 : i32
      %dma_wait3A_121 = arith.constant 0 : i32
      %dma_wait3A_122 = tpu.memref_slice %arg7[%dma_wait3A_120, %dma_wait3A_121] : memref<8x256xi32, #tpu.memory_space<vmem>> -> memref<1x256xi32, #tpu.memory_space<vmem>>
      %dma_wait3A_123 = tpu.memref_squeeze %dma_wait3A_122 : memref<1x256xi32, #tpu.memory_space<vmem>> -> memref<256xi32, #tpu.memory_space<vmem>>
      %dma_wait3A_124 = arith.constant 0 : i32
      %dma_wait3A_125 = arith.constant 0 : i32
      %dma_wait3A_126 = tpu.memref_slice %arg2[%dma_wait3A_124, %dma_wait3A_125] : memref<53248x32xf32, #tpu.memory_space<hbm>> -> memref<53248x32xf32, #tpu.memory_space<hbm>>
      tpu.wait_indirect_dma semaphore(%arg19 : memref<!tpu.dma_semaphore, #tpu.memory_space<semaphore_mem>>) src(%dma_wait3A_126 : memref<53248x32xf32, #tpu.memory_space<hbm>>) dst(%arg12 : memref<256x32xf32, #tpu.memory_space<vmem>>)
      %dma_start3A_127 = arith.constant 3 : i32
      %dma_start3A_128 = arith.constant 0 : i32
      %dma_start3A_129 = tpu.memref_slice %arg8[%dma_start3A_127, %dma_start3A_128] : memref<8x256xi32, #tpu.memory_space<vmem>> -> memref<1x256xi32, #tpu.memory_space<vmem>>
      %dma_start3A_130 = tpu.memref_squeeze %dma_start3A_129 : memref<1x256xi32, #tpu.memory_space<vmem>> -> memref<256xi32, #tpu.memory_space<vmem>>
      %dma_start3A_131 = arith.constant 0 : i32
      %dma_start3A_132 = arith.constant 0 : i32
      %dma_start3A_133 = tpu.memref_slice %arg15[%dma_start3A_131, %dma_start3A_132] : memref<28672x32xf32, #tpu.memory_space<vmem_shared>> -> memref<28672x32xf32, #tpu.memory_space<vmem_shared>>
      tpu.enqueue_indirect_dma source(%arg12 : memref<256x32xf32, #tpu.memory_space<vmem>>) target(%dma_start3A_133 : memref<28672x32xf32, #tpu.memory_space<vmem_shared>>) offsets(%dma_start3A_130 : memref<256xi32, #tpu.memory_space<vmem>>) semaphore(%arg25 : memref<!tpu.dma_semaphore, #tpu.memory_space<semaphore_mem>>) {add = true}
      %dma_wait3A_134 = arith.constant 1 : i32
      %dma_wait3A_135 = arith.constant 0 : i32
      %dma_wait3A_136 = tpu.memref_slice %arg8[%dma_wait3A_134, %dma_wait3A_135] : memref<8x256xi32, #tpu.memory_space<vmem>> -> memref<1x256xi32, #tpu.memory_space<vmem>>
      %dma_wait3A_137 = tpu.memref_squeeze %dma_wait3A_136 : memref<1x256xi32, #tpu.memory_space<vmem>> -> memref<256xi32, #tpu.memory_space<vmem>>
      %dma_wait3A_138 = arith.constant 0 : i32
      %dma_wait3A_139 = arith.constant 0 : i32
      %dma_wait3A_140 = tpu.memref_slice %arg15[%dma_wait3A_138, %dma_wait3A_139] : memref<28672x32xf32, #tpu.memory_space<vmem_shared>> -> memref<28672x32xf32, #tpu.memory_space<vmem_shared>>
      tpu.wait_indirect_dma semaphore(%arg23 : memref<!tpu.dma_semaphore, #tpu.memory_space<semaphore_mem>>) src(%arg10 : memref<256x32xf32, #tpu.memory_space<vmem>>) dst(%dma_wait3A_140 : memref<28672x32xf32, #tpu.memory_space<vmem_shared>>)
      %dma_start3A_141 = arith.constant 7 : i32
      %dma_start3A_142 = arith.constant 0 : i32
      %dma_start3A_143 = tpu.memref_slice %arg7[%dma_start3A_141, %dma_start3A_142] : memref<8x256xi32, #tpu.memory_space<vmem>> -> memref<1x256xi32, #tpu.memory_space<vmem>>
      %dma_start3A_144 = tpu.memref_squeeze %dma_start3A_143 : memref<1x256xi32, #tpu.memory_space<vmem>> -> memref<256xi32, #tpu.memory_space<vmem>>
      %dma_start3A_145 = arith.constant 0 : i32
      %dma_start3A_146 = arith.constant 0 : i32
      %dma_start3A_147 = tpu.memref_slice %arg2[%dma_start3A_145, %dma_start3A_146] : memref<53248x32xf32, #tpu.memory_space<hbm>> -> memref<53248x32xf32, #tpu.memory_space<hbm>>
      tpu.enqueue_indirect_dma source(%dma_start3A_147 : memref<53248x32xf32, #tpu.memory_space<hbm>>) target(%arg10 : memref<256x32xf32, #tpu.memory_space<vmem>>) offsets(%dma_start3A_144 : memref<256xi32, #tpu.memory_space<vmem>>) semaphore(%arg17 : memref<!tpu.dma_semaphore, #tpu.memory_space<semaphore_mem>>)
      %dma_wait3A_148 = arith.constant 4 : i32
      %dma_wait3A_149 = arith.constant 0 : i32
      %dma_wait3A_150 = tpu.memref_slice %arg7[%dma_wait3A_148, %dma_wait3A_149] : memref<8x256xi32, #tpu.memory_space<vmem>> -> memref<1x256xi32, #tpu.memory_space<vmem>>
      %dma_wait3A_151 = tpu.memref_squeeze %dma_wait3A_150 : memref<1x256xi32, #tpu.memory_space<vmem>> -> memref<256xi32, #tpu.memory_space<vmem>>
      %dma_wait3A_152 = arith.constant 0 : i32
      %dma_wait3A_153 = arith.constant 0 : i32
      %dma_wait3A_154 = tpu.memref_slice %arg2[%dma_wait3A_152, %dma_wait3A_153] : memref<53248x32xf32, #tpu.memory_space<hbm>> -> memref<53248x32xf32, #tpu.memory_space<hbm>>
      tpu.wait_indirect_dma semaphore(%arg20 : memref<!tpu.dma_semaphore, #tpu.memory_space<semaphore_mem>>) src(%dma_wait3A_154 : memref<53248x32xf32, #tpu.memory_space<hbm>>) dst(%arg13 : memref<256x32xf32, #tpu.memory_space<vmem>>)
      %dma_start3A_155 = arith.constant 4 : i32
      %dma_start3A_156 = arith.constant 0 : i32
      %dma_start3A_157 = tpu.memref_slice %arg8[%dma_start3A_155, %dma_start3A_156] : memref<8x256xi32, #tpu.memory_space<vmem>> -> memref<1x256xi32, #tpu.memory_space<vmem>>
      %dma_start3A_158 = tpu.memref_squeeze %dma_start3A_157 : memref<1x256xi32, #tpu.memory_space<vmem>> -> memref<256xi32, #tpu.memory_space<vmem>>
      %dma_start3A_159 = arith.constant 0 : i32
      %dma_start3A_160 = arith.constant 0 : i32
      %dma_start3A_161 = tpu.memref_slice %arg15[%dma_start3A_159, %dma_start3A_160] : memref<28672x32xf32, #tpu.memory_space<vmem_shared>> -> memref<28672x32xf32, #tpu.memory_space<vmem_shared>>
      tpu.enqueue_indirect_dma source(%arg13 : memref<256x32xf32, #tpu.memory_space<vmem>>) target(%dma_start3A_161 : memref<28672x32xf32, #tpu.memory_space<vmem_shared>>) offsets(%dma_start3A_158 : memref<256xi32, #tpu.memory_space<vmem>>) semaphore(%arg26 : memref<!tpu.dma_semaphore, #tpu.memory_space<semaphore_mem>>) {add = true}
      %dma_wait3A_162 = arith.constant 5 : i32
      %dma_wait3A_163 = arith.constant 0 : i32
      %dma_wait3A_164 = tpu.memref_slice %arg7[%dma_wait3A_162, %dma_wait3A_163] : memref<8x256xi32, #tpu.memory_space<vmem>> -> memref<1x256xi32, #tpu.memory_space<vmem>>
      %dma_wait3A_165 = tpu.memref_squeeze %dma_wait3A_164 : memref<1x256xi32, #tpu.memory_space<vmem>> -> memref<256xi32, #tpu.memory_space<vmem>>
      %dma_wait3A_166 = arith.constant 0 : i32
      %dma_wait3A_167 = arith.constant 0 : i32
      %dma_wait3A_168 = tpu.memref_slice %arg2[%dma_wait3A_166, %dma_wait3A_167] : memref<53248x32xf32, #tpu.memory_space<hbm>> -> memref<53248x32xf32, #tpu.memory_space<hbm>>
      tpu.wait_indirect_dma semaphore(%arg21 : memref<!tpu.dma_semaphore, #tpu.memory_space<semaphore_mem>>) src(%dma_wait3A_168 : memref<53248x32xf32, #tpu.memory_space<hbm>>) dst(%arg14 : memref<256x32xf32, #tpu.memory_space<vmem>>)
      %dma_start3A_169 = arith.constant 5 : i32
      %dma_start3A_170 = arith.constant 0 : i32
      %dma_start3A_171 = tpu.memref_slice %arg8[%dma_start3A_169, %dma_start3A_170] : memref<8x256xi32, #tpu.memory_space<vmem>> -> memref<1x256xi32, #tpu.memory_space<vmem>>
      %dma_start3A_172 = tpu.memref_squeeze %dma_start3A_171 : memref<1x256xi32, #tpu.memory_space<vmem>> -> memref<256xi32, #tpu.memory_space<vmem>>
      %dma_start3A_173 = arith.constant 0 : i32
      %dma_start3A_174 = arith.constant 0 : i32
      %dma_start3A_175 = tpu.memref_slice %arg15[%dma_start3A_173, %dma_start3A_174] : memref<28672x32xf32, #tpu.memory_space<vmem_shared>> -> memref<28672x32xf32, #tpu.memory_space<vmem_shared>>
      tpu.enqueue_indirect_dma source(%arg14 : memref<256x32xf32, #tpu.memory_space<vmem>>) target(%dma_start3A_175 : memref<28672x32xf32, #tpu.memory_space<vmem_shared>>) offsets(%dma_start3A_172 : memref<256xi32, #tpu.memory_space<vmem>>) semaphore(%arg27 : memref<!tpu.dma_semaphore, #tpu.memory_space<semaphore_mem>>) {add = true}
      %dma_wait3A_176 = arith.constant 6 : i32
      %dma_wait3A_177 = arith.constant 0 : i32
      %dma_wait3A_178 = tpu.memref_slice %arg7[%dma_wait3A_176, %dma_wait3A_177] : memref<8x256xi32, #tpu.memory_space<vmem>> -> memref<1x256xi32, #tpu.memory_space<vmem>>
      %dma_wait3A_179 = tpu.memref_squeeze %dma_wait3A_178 : memref<1x256xi32, #tpu.memory_space<vmem>> -> memref<256xi32, #tpu.memory_space<vmem>>
      %dma_wait3A_180 = arith.constant 0 : i32
      %dma_wait3A_181 = arith.constant 0 : i32
      %dma_wait3A_182 = tpu.memref_slice %arg2[%dma_wait3A_180, %dma_wait3A_181] : memref<53248x32xf32, #tpu.memory_space<hbm>> -> memref<53248x32xf32, #tpu.memory_space<hbm>>
      tpu.wait_indirect_dma semaphore(%arg16 : memref<!tpu.dma_semaphore, #tpu.memory_space<semaphore_mem>>) src(%dma_wait3A_182 : memref<53248x32xf32, #tpu.memory_space<hbm>>) dst(%arg9 : memref<256x32xf32, #tpu.memory_space<vmem>>)
      %dma_start3A_183 = arith.constant 6 : i32
      %dma_start3A_184 = arith.constant 0 : i32
      %dma_start3A_185 = tpu.memref_slice %arg8[%dma_start3A_183, %dma_start3A_184] : memref<8x256xi32, #tpu.memory_space<vmem>> -> memref<1x256xi32, #tpu.memory_space<vmem>>
      %dma_start3A_186 = tpu.memref_squeeze %dma_start3A_185 : memref<1x256xi32, #tpu.memory_space<vmem>> -> memref<256xi32, #tpu.memory_space<vmem>>
      %dma_start3A_187 = arith.constant 0 : i32
      %dma_start3A_188 = arith.constant 0 : i32
      %dma_start3A_189 = tpu.memref_slice %arg15[%dma_start3A_187, %dma_start3A_188] : memref<28672x32xf32, #tpu.memory_space<vmem_shared>> -> memref<28672x32xf32, #tpu.memory_space<vmem_shared>>
      tpu.enqueue_indirect_dma source(%arg9 : memref<256x32xf32, #tpu.memory_space<vmem>>) target(%dma_start3A_189 : memref<28672x32xf32, #tpu.memory_space<vmem_shared>>) offsets(%dma_start3A_186 : memref<256xi32, #tpu.memory_space<vmem>>) semaphore(%arg22 : memref<!tpu.dma_semaphore, #tpu.memory_space<semaphore_mem>>) {add = true}
      %dma_wait3A_190 = arith.constant 7 : i32
      %dma_wait3A_191 = arith.constant 0 : i32
      %dma_wait3A_192 = tpu.memref_slice %arg7[%dma_wait3A_190, %dma_wait3A_191] : memref<8x256xi32, #tpu.memory_space<vmem>> -> memref<1x256xi32, #tpu.memory_space<vmem>>
      %dma_wait3A_193 = tpu.memref_squeeze %dma_wait3A_192 : memref<1x256xi32, #tpu.memory_space<vmem>> -> memref<256xi32, #tpu.memory_space<vmem>>
      %dma_wait3A_194 = arith.constant 0 : i32
      %dma_wait3A_195 = arith.constant 0 : i32
      %dma_wait3A_196 = tpu.memref_slice %arg2[%dma_wait3A_194, %dma_wait3A_195] : memref<53248x32xf32, #tpu.memory_space<hbm>> -> memref<53248x32xf32, #tpu.memory_space<hbm>>
      tpu.wait_indirect_dma semaphore(%arg17 : memref<!tpu.dma_semaphore, #tpu.memory_space<semaphore_mem>>) src(%dma_wait3A_196 : memref<53248x32xf32, #tpu.memory_space<hbm>>) dst(%arg10 : memref<256x32xf32, #tpu.memory_space<vmem>>)
      %dma_start3A_197 = arith.constant 7 : i32
      %dma_start3A_198 = arith.constant 0 : i32
      %dma_start3A_199 = tpu.memref_slice %arg8[%dma_start3A_197, %dma_start3A_198] : memref<8x256xi32, #tpu.memory_space<vmem>> -> memref<1x256xi32, #tpu.memory_space<vmem>>
      %dma_start3A_200 = tpu.memref_squeeze %dma_start3A_199 : memref<1x256xi32, #tpu.memory_space<vmem>> -> memref<256xi32, #tpu.memory_space<vmem>>
      %dma_start3A_201 = arith.constant 0 : i32
      %dma_start3A_202 = arith.constant 0 : i32
      %dma_start3A_203 = tpu.memref_slice %arg15[%dma_start3A_201, %dma_start3A_202] : memref<28672x32xf32, #tpu.memory_space<vmem_shared>> -> memref<28672x32xf32, #tpu.memory_space<vmem_shared>>
      tpu.enqueue_indirect_dma source(%arg10 : memref<256x32xf32, #tpu.memory_space<vmem>>) target(%dma_start3A_203 : memref<28672x32xf32, #tpu.memory_space<vmem_shared>>) offsets(%dma_start3A_200 : memref<256xi32, #tpu.memory_space<vmem>>) semaphore(%arg23 : memref<!tpu.dma_semaphore, #tpu.memory_space<semaphore_mem>>) {add = true}
      %dma_wait3A_204 = arith.constant 2 : i32
      %dma_wait3A_205 = arith.constant 0 : i32
      %dma_wait3A_206 = tpu.memref_slice %arg8[%dma_wait3A_204, %dma_wait3A_205] : memref<8x256xi32, #tpu.memory_space<vmem>> -> memref<1x256xi32, #tpu.memory_space<vmem>>
      %dma_wait3A_207 = tpu.memref_squeeze %dma_wait3A_206 : memref<1x256xi32, #tpu.memory_space<vmem>> -> memref<256xi32, #tpu.memory_space<vmem>>
      %dma_wait3A_208 = arith.constant 0 : i32
      %dma_wait3A_209 = arith.constant 0 : i32
      %dma_wait3A_210 = tpu.memref_slice %arg15[%dma_wait3A_208, %dma_wait3A_209] : memref<28672x32xf32, #tpu.memory_space<vmem_shared>> -> memref<28672x32xf32, #tpu.memory_space<vmem_shared>>
      tpu.wait_indirect_dma semaphore(%arg24 : memref<!tpu.dma_semaphore, #tpu.memory_space<semaphore_mem>>) src(%arg11 : memref<256x32xf32, #tpu.memory_space<vmem>>) dst(%dma_wait3A_210 : memref<28672x32xf32, #tpu.memory_space<vmem_shared>>)
      %dma_wait3A_211 = arith.constant 3 : i32
      %dma_wait3A_212 = arith.constant 0 : i32
      %dma_wait3A_213 = tpu.memref_slice %arg8[%dma_wait3A_211, %dma_wait3A_212] : memref<8x256xi32, #tpu.memory_space<vmem>> -> memref<1x256xi32, #tpu.memory_space<vmem>>
      %dma_wait3A_214 = tpu.memref_squeeze %dma_wait3A_213 : memref<1x256xi32, #tpu.memory_space<vmem>> -> memref<256xi32, #tpu.memory_space<vmem>>
      %dma_wait3A_215 = arith.constant 0 : i32
      %dma_wait3A_216 = arith.constant 0 : i32
      %dma_wait3A_217 = tpu.memref_slice %arg15[%dma_wait3A_215, %dma_wait3A_216] : memref<28672x32xf32, #tpu.memory_space<vmem_shared>> -> memref<28672x32xf32, #tpu.memory_space<vmem_shared>>
      tpu.wait_indirect_dma semaphore(%arg25 : memref<!tpu.dma_semaphore, #tpu.memory_space<semaphore_mem>>) src(%arg12 : memref<256x32xf32, #tpu.memory_space<vmem>>) dst(%dma_wait3A_217 : memref<28672x32xf32, #tpu.memory_space<vmem_shared>>)
      %dma_wait3A_218 = arith.constant 4 : i32
      %dma_wait3A_219 = arith.constant 0 : i32
      %dma_wait3A_220 = tpu.memref_slice %arg8[%dma_wait3A_218, %dma_wait3A_219] : memref<8x256xi32, #tpu.memory_space<vmem>> -> memref<1x256xi32, #tpu.memory_space<vmem>>
      %dma_wait3A_221 = tpu.memref_squeeze %dma_wait3A_220 : memref<1x256xi32, #tpu.memory_space<vmem>> -> memref<256xi32, #tpu.memory_space<vmem>>
      %dma_wait3A_222 = arith.constant 0 : i32
      %dma_wait3A_223 = arith.constant 0 : i32
      %dma_wait3A_224 = tpu.memref_slice %arg15[%dma_wait3A_222, %dma_wait3A_223] : memref<28672x32xf32, #tpu.memory_space<vmem_shared>> -> memref<28672x32xf32, #tpu.memory_space<vmem_shared>>
      tpu.wait_indirect_dma semaphore(%arg26 : memref<!tpu.dma_semaphore, #tpu.memory_space<semaphore_mem>>) src(%arg13 : memref<256x32xf32, #tpu.memory_space<vmem>>) dst(%dma_wait3A_224 : memref<28672x32xf32, #tpu.memory_space<vmem_shared>>)
      %dma_wait3A_225 = arith.constant 5 : i32
      %dma_wait3A_226 = arith.constant 0 : i32
      %dma_wait3A_227 = tpu.memref_slice %arg8[%dma_wait3A_225, %dma_wait3A_226] : memref<8x256xi32, #tpu.memory_space<vmem>> -> memref<1x256xi32, #tpu.memory_space<vmem>>
      %dma_wait3A_228 = tpu.memref_squeeze %dma_wait3A_227 : memref<1x256xi32, #tpu.memory_space<vmem>> -> memref<256xi32, #tpu.memory_space<vmem>>
      %dma_wait3A_229 = arith.constant 0 : i32
      %dma_wait3A_230 = arith.constant 0 : i32
      %dma_wait3A_231 = tpu.memref_slice %arg15[%dma_wait3A_229, %dma_wait3A_230] : memref<28672x32xf32, #tpu.memory_space<vmem_shared>> -> memref<28672x32xf32, #tpu.memory_space<vmem_shared>>
      tpu.wait_indirect_dma semaphore(%arg27 : memref<!tpu.dma_semaphore, #tpu.memory_space<semaphore_mem>>) src(%arg14 : memref<256x32xf32, #tpu.memory_space<vmem>>) dst(%dma_wait3A_231 : memref<28672x32xf32, #tpu.memory_space<vmem_shared>>)
      %dma_wait3A_232 = arith.constant 6 : i32
      %dma_wait3A_233 = arith.constant 0 : i32
      %dma_wait3A_234 = tpu.memref_slice %arg8[%dma_wait3A_232, %dma_wait3A_233] : memref<8x256xi32, #tpu.memory_space<vmem>> -> memref<1x256xi32, #tpu.memory_space<vmem>>
      %dma_wait3A_235 = tpu.memref_squeeze %dma_wait3A_234 : memref<1x256xi32, #tpu.memory_space<vmem>> -> memref<256xi32, #tpu.memory_space<vmem>>
      %dma_wait3A_236 = arith.constant 0 : i32
      %dma_wait3A_237 = arith.constant 0 : i32
      %dma_wait3A_238 = tpu.memref_slice %arg15[%dma_wait3A_236, %dma_wait3A_237] : memref<28672x32xf32, #tpu.memory_space<vmem_shared>> -> memref<28672x32xf32, #tpu.memory_space<vmem_shared>>
      tpu.wait_indirect_dma semaphore(%arg22 : memref<!tpu.dma_semaphore, #tpu.memory_space<semaphore_mem>>) src(%arg9 : memref<256x32xf32, #tpu.memory_space<vmem>>) dst(%dma_wait3A_238 : memref<28672x32xf32, #tpu.memory_space<vmem_shared>>)
      %dma_wait3A_239 = arith.constant 7 : i32
      %dma_wait3A_240 = arith.constant 0 : i32
      %dma_wait3A_241 = tpu.memref_slice %arg8[%dma_wait3A_239, %dma_wait3A_240] : memref<8x256xi32, #tpu.memory_space<vmem>> -> memref<1x256xi32, #tpu.memory_space<vmem>>
      %dma_wait3A_242 = tpu.memref_squeeze %dma_wait3A_241 : memref<1x256xi32, #tpu.memory_space<vmem>> -> memref<256xi32, #tpu.memory_space<vmem>>
      %dma_wait3A_243 = arith.constant 0 : i32
      %dma_wait3A_244 = arith.constant 0 : i32
      %dma_wait3A_245 = tpu.memref_slice %arg15[%dma_wait3A_243, %dma_wait3A_244] : memref<28672x32xf32, #tpu.memory_space<vmem_shared>> -> memref<28672x32xf32, #tpu.memory_space<vmem_shared>>
      tpu.wait_indirect_dma semaphore(%arg23 : memref<!tpu.dma_semaphore, #tpu.memory_space<semaphore_mem>>) src(%arg10 : memref<256x32xf32, #tpu.memory_space<vmem>>) dst(%dma_wait3A_245 : memref<28672x32xf32, #tpu.memory_space<vmem_shared>>)
    }
    %scan3A_11 = arith.constant 25 : i32
    %barrier3A_12 = arith.constant 0 : index
    tpu.barrier barrier_id(%barrier3A_12)
    %mul3A_13 = arith.constant 1664 : i32
    %mul3A_14 = arith.muli %arg1, %mul3A_13 : i32
    %mul3A_15 = arith.constant 26624 : i32
    %mul3A_16 = arith.muli %arg0, %mul3A_15 : i32
    %mul3A_17 = arith.constant 1664 : i32
    %mul3A_18 = arith.muli %arg1, %mul3A_17 : i32
    %add3A = arith.addi %mul3A_16, %mul3A_18 : i32
    "tpu.region"() ({
      %run_scoped3A = tpu.sem_alloc : memref<!tpu.dma_semaphore, #tpu.memory_space<semaphore_mem>>
      %dma_start3A = arith.constant 0 : i32
      %dma_start3A_19 = tpu.memref_slice %arg6[%add3A, %dma_start3A] : memref<53248x32xf32, #tpu.memory_space<hbm>> -> memref<1664x32xf32, #tpu.memory_space<hbm>>
      %dma_start3A_20 = arith.constant 0 : i32
      %dma_start3A_21 = tpu.memref_slice %arg15[%mul3A_14, %dma_start3A_20] : memref<28672x32xf32, #tpu.memory_space<vmem_shared>> -> memref<1664x32xf32, #tpu.memory_space<vmem_shared>>
      tpu.enqueue_dma source(%dma_start3A_21 : memref<1664x32xf32, #tpu.memory_space<vmem_shared>>) target(%dma_start3A_19 : memref<1664x32xf32, #tpu.memory_space<hbm>>) target_semaphore(%run_scoped3A : memref<!tpu.dma_semaphore, #tpu.memory_space<semaphore_mem>>)
      %dma_wait3A = arith.constant 0 : i32
      %dma_wait3A_22 = tpu.memref_slice %arg6[%add3A, %dma_wait3A] : memref<53248x32xf32, #tpu.memory_space<hbm>> -> memref<1664x32xf32, #tpu.memory_space<hbm>>
      %dma_wait3A_23 = arith.constant 0 : i32
      %dma_wait3A_24 = tpu.memref_slice %arg15[%mul3A_14, %dma_wait3A_23] : memref<28672x32xf32, #tpu.memory_space<vmem_shared>> -> memref<1664x32xf32, #tpu.memory_space<vmem_shared>>
      tpu.wait_dma2 semaphore(%run_scoped3A : memref<!tpu.dma_semaphore, #tpu.memory_space<semaphore_mem>>) src(%dma_wait3A_24 : memref<1664x32xf32, #tpu.memory_space<vmem_shared>>) dst(%dma_wait3A_22 : memref<1664x32xf32, #tpu.memory_space<hbm>>)
      tpu.yield
    }) : () -> ()
    return
  }
}

module attributes {stable_mosaic.version = 14 : i64} {
  func.func @body(%arg0: i32, %arg1: memref<2048x8xf32, #tpu.memory_space<vmem>>, %arg2: memref<2048x8xf32, #tpu.memory_space<vmem>>, %arg3: memref<8x64xf32, #tpu.memory_space<vmem>>, %arg4: memref<8x64xf32, #tpu.memory_space<vmem>>, %arg5: memref<1x64xf32, #tpu.memory_space<vmem>>, %arg6: memref<72x64xf32, #tpu.memory_space<vmem>>, %arg7: memref<1x64xf32, #tpu.memory_space<vmem>>, %arg8: memref<2048x32xf32, #tpu.memory_space<vmem>>, %arg9: memref<2048x32xf32, #tpu.memory_space<vmem>>) attributes {dimension_semantics = [#tpu.dimension_semantics<arbitrary>], iteration_bounds = array<i64: 26>, scalar_prefetch = 0 : i64, scratch_operands = 0 : i64, tpu.core_type = #tpu.core_type<tc>, window_params = [{transform_indices = @transform_0, window_bounds = array<i64: 2048, 8>}, {transform_indices = @transform_1, window_bounds = array<i64: 2048, 8>}, {pipeline_mode = #tpu.pipeline_mode<synchronous>, transform_indices = @transform_2, window_bounds = array<i64: 8, 64>}, {pipeline_mode = #tpu.pipeline_mode<synchronous>, transform_indices = @transform_3, window_bounds = array<i64: 8, 64>}, {pipeline_mode = #tpu.pipeline_mode<synchronous>, transform_indices = @transform_4, window_bounds = array<i64: 1, 64>}, {pipeline_mode = #tpu.pipeline_mode<synchronous>, transform_indices = @transform_5, window_bounds = array<i64: 72, 64>}, {pipeline_mode = #tpu.pipeline_mode<synchronous>, transform_indices = @transform_6, window_bounds = array<i64: 1, 64>}, {transform_indices = @transform_7, window_bounds = array<i64: 2048, 32>}, {transform_indices = @transform_8, window_bounds = array<i64: 2048, 32>}]} {
    %get3A = arith.constant 0 : index
    %get3A_0 = arith.constant 0 : index
    %get3A_1 = vector.load %arg1[%get3A, %get3A_0] : memref<2048x8xf32, #tpu.memory_space<vmem>>, vector<2048x8xf32>
    %get3A_2 = arith.constant 0 : index
    %get3A_3 = arith.constant 0 : index
    %get3A_4 = vector.load %arg2[%get3A_2, %get3A_3] : memref<2048x8xf32, #tpu.memory_space<vmem>>, vector<2048x8xf32>
    %get3A_5 = arith.constant 0 : index
    %get3A_6 = arith.constant 0 : index
    %get3A_7 = vector.load %arg3[%get3A_5, %get3A_6] : memref<8x64xf32, #tpu.memory_space<vmem>>, vector<8x64xf32>
    %dot_general3A = arith.constant dense<0.000000e+00> : vector<2048x64xf32>
    %dot_general3A_8 = tpu.matmul %get3A_1, %get3A_7, %dot_general3A {dimension_numbers = #tpu.dot_dimension_numbers<[1], [0], [0], [1], [0, 0, 1, 1], [], []>, transpose_lhs_hint = false} : vector<2048x8xf32>, vector<8x64xf32>, vector<2048x64xf32> -> vector<2048x64xf32>
    %get3A_9 = arith.constant 0 : index
    %get3A_10 = arith.constant 0 : index
    %get3A_11 = vector.load %arg5[%get3A_9, %get3A_10] : memref<1x64xf32, #tpu.memory_space<vmem>>, vector<1x64xf32>
    %add3A = vector.broadcast %get3A_11 : vector<1x64xf32> to vector<2048x64xf32>
    %add3A_12 = arith.addf %dot_general3A_8, %add3A : vector<2048x64xf32>
    %get3A_13 = arith.constant 0 : index
    %get3A_14 = arith.constant 0 : index
    %get3A_15 = vector.load %arg4[%get3A_13, %get3A_14] : memref<8x64xf32, #tpu.memory_space<vmem>>, vector<8x64xf32>
    %dot_general3A_16 = arith.constant dense<0.000000e+00> : vector<2048x64xf32>
    %dot_general3A_17 = tpu.matmul %get3A_4, %get3A_15, %dot_general3A_16 {dimension_numbers = #tpu.dot_dimension_numbers<[1], [0], [0], [1], [0, 0, 1, 1], [], []>, precision = #tpu.contract_precision<fp32>, transpose_lhs_hint = false} : vector<2048x8xf32>, vector<8x64xf32>, vector<2048x64xf32> -> vector<2048x64xf32>
    %slice3A = vector.extract_strided_slice %get3A_4 {offsets = [0, 5], sizes = [2048, 1], strides = [1, 1]} : vector<2048x8xf32> to vector<2048x1xf32>
    %mul3A = vector.broadcast %slice3A : vector<2048x1xf32> to vector<2048x64xf32>
    %mul3A_18 = arith.mulf %mul3A, %add3A_12 : vector<2048x64xf32>
    %add3A_19 = arith.addf %mul3A_18, %dot_general3A_17 : vector<2048x64xf32>
    %convert_element_type3A = arith.truncf %add3A_19 : vector<2048x64xf32> to vector<2048x64xbf16>
    %convert_element_type3A_20 = arith.extf %convert_element_type3A : vector<2048x64xbf16> to vector<2048x64xf32>
    %concatenate3A = tpu.concatenate %get3A_1, %convert_element_type3A_20 in 1 : vector<2048x8xf32>, vector<2048x64xf32> -> vector<2048x72xf32>
    %get3A_21 = arith.constant 0 : index
    %get3A_22 = arith.constant 0 : index
    %get3A_23 = vector.load %arg6[%get3A_21, %get3A_22] : memref<72x64xf32, #tpu.memory_space<vmem>>, vector<72x64xf32>
    %dot_general3A_24 = arith.constant dense<0.000000e+00> : vector<2048x64xf32>
    %dot_general3A_25 = tpu.matmul %concatenate3A, %get3A_23, %dot_general3A_24 {dimension_numbers = #tpu.dot_dimension_numbers<[1], [0], [0], [1], [0, 0, 1, 1], [], []>, transpose_lhs_hint = false} : vector<2048x72xf32>, vector<72x64xf32>, vector<2048x64xf32> -> vector<2048x64xf32>
    %get3A_26 = arith.constant 0 : index
    %get3A_27 = arith.constant 0 : index
    %get3A_28 = vector.load %arg7[%get3A_26, %get3A_27] : memref<1x64xf32, #tpu.memory_space<vmem>>, vector<1x64xf32>
    %add3A_29 = vector.broadcast %get3A_28 : vector<1x64xf32> to vector<2048x64xf32>
    %add3A_30 = arith.addf %dot_general3A_25, %add3A_29 : vector<2048x64xf32>
    %max3A = arith.constant 0.000000e+00 : f32
    %max3A_31 = vector.broadcast %max3A : f32 to vector<2048x64xf32>
    %max3A_32 = arith.maximumf %add3A_30, %max3A_31 : vector<2048x64xf32>
    %convert_element_type3A_33 = arith.truncf %max3A_32 : vector<2048x64xf32> to vector<2048x64xbf16>
    %convert_element_type3A_34 = arith.extf %convert_element_type3A_33 : vector<2048x64xbf16> to vector<2048x64xf32>
    %slice3A_35 = vector.extract_strided_slice %convert_element_type3A_34 {offsets = [0, 0], sizes = [2048, 32], strides = [1, 1]} : vector<2048x64xf32> to vector<2048x32xf32>
    %swap3A = arith.constant 0 : index
    %swap3A_36 = arith.constant 0 : index
    %swap3A_37 = vector.load %arg8[%swap3A, %swap3A_36] : memref<2048x32xf32, #tpu.memory_space<vmem>>, vector<2048x32xf32>
    tpu.vector_store %arg8[%swap3A, %swap3A_36], %slice3A_35 {strides = array<i32>} : memref<2048x32xf32, #tpu.memory_space<vmem>>, vector<2048x32xf32>,
    %slice3A_38 = vector.extract_strided_slice %convert_element_type3A_34 {offsets = [0, 32], sizes = [2048, 32], strides = [1, 1]} : vector<2048x64xf32> to vector<2048x32xf32>
    %swap3A_39 = arith.constant 0 : index
    %swap3A_40 = arith.constant 0 : index
    %swap3A_41 = vector.load %arg9[%swap3A_39, %swap3A_40] : memref<2048x32xf32, #tpu.memory_space<vmem>>, vector<2048x32xf32>
    tpu.vector_store %arg9[%swap3A_39, %swap3A_40], %slice3A_38 {strides = array<i32>} : memref<2048x32xf32, #tpu.memory_space<vmem>>, vector<2048x32xf32>,
    return
  }
  func.func @transform_0(%arg0: i32) -> (i32, i32) {
    %c0_i32 = arith.constant 0 : i32
    %c0_i32_0 = arith.constant 0 : i32
    return %arg0, %c0_i32 : i32, i32
  }
  func.func @transform_1(%arg0: i32) -> (i32, i32) {
    %c0_i32 = arith.constant 0 : i32
    %c0_i32_0 = arith.constant 0 : i32
    return %arg0, %c0_i32 : i32, i32
  }
  func.func @transform_2(%arg0: i32) -> (i32, i32) {
    %c0_i32 = arith.constant 0 : i32
    %c0_i32_0 = arith.constant 0 : i32
    %c0_i32_1 = arith.constant 0 : i32
    return %c0_i32, %c0_i32_0 : i32, i32
  }
  func.func @transform_3(%arg0: i32) -> (i32, i32) {
    %c0_i32 = arith.constant 0 : i32
    %c0_i32_0 = arith.constant 0 : i32
    %c0_i32_1 = arith.constant 0 : i32
    return %c0_i32, %c0_i32_0 : i32, i32
  }
  func.func @transform_4(%arg0: i32) -> (i32, i32) {
    %c0_i32 = arith.constant 0 : i32
    %c0_i32_0 = arith.constant 0 : i32
    %c0_i32_1 = arith.constant 0 : i32
    return %c0_i32, %c0_i32_0 : i32, i32
  }
  func.func @transform_5(%arg0: i32) -> (i32, i32) {
    %c0_i32 = arith.constant 0 : i32
    %c0_i32_0 = arith.constant 0 : i32
    %c0_i32_1 = arith.constant 0 : i32
    return %c0_i32, %c0_i32_0 : i32, i32
  }
  func.func @transform_6(%arg0: i32) -> (i32, i32) {
    %c0_i32 = arith.constant 0 : i32
    %c0_i32_0 = arith.constant 0 : i32
    %c0_i32_1 = arith.constant 0 : i32
    return %c0_i32, %c0_i32_0 : i32, i32
  }
  func.func @transform_7(%arg0: i32) -> (i32, i32) {
    %c0_i32 = arith.constant 0 : i32
    %c0_i32_0 = arith.constant 0 : i32
    return %arg0, %c0_i32 : i32, i32
  }
  func.func @transform_8(%arg0: i32) -> (i32, i32) {
    %c0_i32 = arith.constant 0 : i32
    %c0_i32_0 = arith.constant 0 : i32
    return %arg0, %c0_i32 : i32, i32
  }
}

module attributes {stable_mosaic.version = 14 : i64} {
  func.func @body(%arg0: i32, %arg1: memref<2048x32xf32, #tpu.memory_space<vmem>>, %arg2: memref<2048x32xf32, #tpu.memory_space<vmem>>, %arg3: memref<2048x32xf32, #tpu.memory_space<vmem>>, %arg4: memref<2048x32xf32, #tpu.memory_space<vmem>>, %arg5: memref<2048x1xf32, #tpu.memory_space<vmem>>, %arg6: memref<64x64xf32, #tpu.memory_space<vmem>>, %arg7: memref<64x64xf32, #tpu.memory_space<vmem>>, %arg8: memref<1x64xf32, #tpu.memory_space<vmem>>, %arg9: memref<128x64xf32, #tpu.memory_space<vmem>>, %arg10: memref<1x64xf32, #tpu.memory_space<vmem>>, %arg11: memref<64x1xf32, #tpu.memory_space<vmem>>, %arg12: memref<1x1xf32, #tpu.memory_space<vmem>>, %arg13: memref<2048x1xf32, #tpu.memory_space<vmem>>) attributes {dimension_semantics = [#tpu.dimension_semantics<arbitrary>], iteration_bounds = array<i64: 26>, scalar_prefetch = 0 : i64, scratch_operands = 0 : i64, tpu.core_type = #tpu.core_type<tc>, window_params = [{transform_indices = @transform_0, window_bounds = array<i64: 2048, 32>}, {transform_indices = @transform_1, window_bounds = array<i64: 2048, 32>}, {transform_indices = @transform_2, window_bounds = array<i64: 2048, 32>}, {transform_indices = @transform_3, window_bounds = array<i64: 2048, 32>}, {transform_indices = @transform_4, window_bounds = array<i64: 2048, 1>}, {pipeline_mode = #tpu.pipeline_mode<synchronous>, transform_indices = @transform_5, window_bounds = array<i64: 64, 64>}, {pipeline_mode = #tpu.pipeline_mode<synchronous>, transform_indices = @transform_6, window_bounds = array<i64: 64, 64>}, {pipeline_mode = #tpu.pipeline_mode<synchronous>, transform_indices = @transform_7, window_bounds = array<i64: 1, 64>}, {pipeline_mode = #tpu.pipeline_mode<synchronous>, transform_indices = @transform_8, window_bounds = array<i64: 128, 64>}, {pipeline_mode = #tpu.pipeline_mode<synchronous>, transform_indices = @transform_9, window_bounds = array<i64: 1, 64>}, {pipeline_mode = #tpu.pipeline_mode<synchronous>, transform_indices = @transform_10, window_bounds = array<i64: 64, 1>}, {pipeline_mode = #tpu.pipeline_mode<synchronous>, transform_indices = @transform_11, window_bounds = array<i64: 1, 1>}, {transform_indices = @transform_12, window_bounds = array<i64: 2048, 1>}]} {
    %get3A = arith.constant 0 : index
    %get3A_0 = arith.constant 0 : index
    %get3A_1 = vector.load %arg1[%get3A, %get3A_0] : memref<2048x32xf32, #tpu.memory_space<vmem>>, vector<2048x32xf32>
    %get3A_2 = arith.constant 0 : index
    %get3A_3 = arith.constant 0 : index
    %get3A_4 = vector.load %arg2[%get3A_2, %get3A_3] : memref<2048x32xf32, #tpu.memory_space<vmem>>, vector<2048x32xf32>
    %concatenate3A = tpu.concatenate %get3A_1, %get3A_4 in 1 : vector<2048x32xf32>, vector<2048x32xf32> -> vector<2048x64xf32>
    %get3A_5 = arith.constant 0 : index
    %get3A_6 = arith.constant 0 : index
    %get3A_7 = vector.load %arg3[%get3A_5, %get3A_6] : memref<2048x32xf32, #tpu.memory_space<vmem>>, vector<2048x32xf32>
    %get3A_8 = arith.constant 0 : index
    %get3A_9 = arith.constant 0 : index
    %get3A_10 = vector.load %arg4[%get3A_8, %get3A_9] : memref<2048x32xf32, #tpu.memory_space<vmem>>, vector<2048x32xf32>
    %concatenate3A_11 = tpu.concatenate %get3A_7, %get3A_10 in 1 : vector<2048x32xf32>, vector<2048x32xf32> -> vector<2048x64xf32>
    %get3A_12 = arith.constant 0 : index
    %get3A_13 = arith.constant 0 : index
    %get3A_14 = vector.load %arg6[%get3A_12, %get3A_13] : memref<64x64xf32, #tpu.memory_space<vmem>>, vector<64x64xf32>
    %dot_general3A = arith.constant dense<0.000000e+00> : vector<2048x64xf32>
    %dot_general3A_15 = tpu.matmul %concatenate3A, %get3A_14, %dot_general3A {dimension_numbers = #tpu.dot_dimension_numbers<[1], [0], [0], [1], [0, 0, 1, 1], [], []>, transpose_lhs_hint = false} : vector<2048x64xf32>, vector<64x64xf32>, vector<2048x64xf32> -> vector<2048x64xf32>
    %get3A_16 = arith.constant 0 : index
    %get3A_17 = arith.constant 0 : index
    %get3A_18 = vector.load %arg8[%get3A_16, %get3A_17] : memref<1x64xf32, #tpu.memory_space<vmem>>, vector<1x64xf32>
    %add3A = vector.broadcast %get3A_18 : vector<1x64xf32> to vector<2048x64xf32>
    %add3A_19 = arith.addf %dot_general3A_15, %add3A : vector<2048x64xf32>
    %get3A_20 = arith.constant 0 : index
    %get3A_21 = arith.constant 0 : index
    %get3A_22 = vector.load %arg7[%get3A_20, %get3A_21] : memref<64x64xf32, #tpu.memory_space<vmem>>, vector<64x64xf32>
    %dot_general3A_23 = arith.constant dense<0.000000e+00> : vector<2048x64xf32>
    %dot_general3A_24 = tpu.matmul %concatenate3A_11, %get3A_22, %dot_general3A_23 {dimension_numbers = #tpu.dot_dimension_numbers<[1], [0], [0], [1], [0, 0, 1, 1], [], []>, precision = #tpu.contract_precision<fp32>, transpose_lhs_hint = false} : vector<2048x64xf32>, vector<64x64xf32>, vector<2048x64xf32> -> vector<2048x64xf32>
    %get3A_25 = arith.constant 0 : index
    %get3A_26 = arith.constant 0 : index
    %get3A_27 = vector.load %arg5[%get3A_25, %get3A_26] : memref<2048x1xf32, #tpu.memory_space<vmem>>, vector<2048x1xf32>
    %mul3A = vector.broadcast %get3A_27 : vector<2048x1xf32> to vector<2048x64xf32>
    %mul3A_28 = arith.mulf %mul3A, %add3A_19 : vector<2048x64xf32>
    %add3A_29 = arith.addf %mul3A_28, %dot_general3A_24 : vector<2048x64xf32>
    %convert_element_type3A = arith.truncf %add3A_29 : vector<2048x64xf32> to vector<2048x64xbf16>
    %convert_element_type3A_30 = arith.extf %convert_element_type3A : vector<2048x64xbf16> to vector<2048x64xf32>
    %concatenate3A_31 = tpu.concatenate %concatenate3A, %convert_element_type3A_30 in 1 : vector<2048x64xf32>, vector<2048x64xf32> -> vector<2048x128xf32>
    %get3A_32 = arith.constant 0 : index
    %get3A_33 = arith.constant 0 : index
    %get3A_34 = vector.load %arg9[%get3A_32, %get3A_33] : memref<128x64xf32, #tpu.memory_space<vmem>>, vector<128x64xf32>
    %dot_general3A_35 = arith.constant dense<0.000000e+00> : vector<2048x64xf32>
    %dot_general3A_36 = tpu.matmul %concatenate3A_31, %get3A_34, %dot_general3A_35 {dimension_numbers = #tpu.dot_dimension_numbers<[1], [0], [0], [1], [0, 0, 1, 1], [], []>, transpose_lhs_hint = false} : vector<2048x128xf32>, vector<128x64xf32>, vector<2048x64xf32> -> vector<2048x64xf32>
    %get3A_37 = arith.constant 0 : index
    %get3A_38 = arith.constant 0 : index
    %get3A_39 = vector.load %arg10[%get3A_37, %get3A_38] : memref<1x64xf32, #tpu.memory_space<vmem>>, vector<1x64xf32>
    %add3A_40 = vector.broadcast %get3A_39 : vector<1x64xf32> to vector<2048x64xf32>
    %add3A_41 = arith.addf %dot_general3A_36, %add3A_40 : vector<2048x64xf32>
    %max3A = arith.constant 0.000000e+00 : f32
    %max3A_42 = vector.broadcast %max3A : f32 to vector<2048x64xf32>
    %max3A_43 = arith.maximumf %add3A_41, %max3A_42 : vector<2048x64xf32>
    %convert_element_type3A_44 = arith.truncf %max3A_43 : vector<2048x64xf32> to vector<2048x64xbf16>
    %convert_element_type3A_45 = arith.extf %convert_element_type3A_44 : vector<2048x64xbf16> to vector<2048x64xf32>
    %get3A_46 = arith.constant 0 : index
    %get3A_47 = arith.constant 0 : index
    %get3A_48 = vector.load %arg11[%get3A_46, %get3A_47] : memref<64x1xf32, #tpu.memory_space<vmem>>, vector<64x1xf32>
    %dot_general3A_49 = arith.constant dense<0.000000e+00> : vector<2048x1xf32>
    %dot_general3A_50 = tpu.matmul %convert_element_type3A_45, %get3A_48, %dot_general3A_49 {dimension_numbers = #tpu.dot_dimension_numbers<[1], [0], [0], [1], [0, 0, 1, 1], [], []>, transpose_lhs_hint = false} : vector<2048x64xf32>, vector<64x1xf32>, vector<2048x1xf32> -> vector<2048x1xf32>
    %get3A_51 = arith.constant 0 : index
    %get3A_52 = arith.constant 0 : index
    %get3A_53 = vector.load %arg12[%get3A_51, %get3A_52] : memref<1x1xf32, #tpu.memory_space<vmem>>, vector<1x1xf32>
    %add3A_54 = vector.broadcast %get3A_53 : vector<1x1xf32> to vector<2048x1xf32>
    %add3A_55 = arith.addf %dot_general3A_50, %add3A_54 : vector<2048x1xf32>
    %tanh3A = math.tanh %add3A_55 : vector<2048x1xf32>
    %mul3A_56 = arith.constant 1.000000e+00 : f32
    %mul3A_57 = vector.broadcast %mul3A_56 : f32 to vector<2048x1xf32>
    %mul3A_58 = arith.mulf %mul3A_57, %tanh3A : vector<2048x1xf32>
    %swap3A = arith.constant 0 : index
    %swap3A_59 = arith.constant 0 : index
    %swap3A_60 = vector.load %arg13[%swap3A, %swap3A_59] : memref<2048x1xf32, #tpu.memory_space<vmem>>, vector<2048x1xf32>
    tpu.vector_store %arg13[%swap3A, %swap3A_59], %mul3A_58 {strides = array<i32>} : memref<2048x1xf32, #tpu.memory_space<vmem>>, vector<2048x1xf32>,
    return
  }
  func.func @transform_0(%arg0: i32) -> (i32, i32) {
    %c0_i32 = arith.constant 0 : i32
    %c0_i32_0 = arith.constant 0 : i32
    return %arg0, %c0_i32 : i32, i32
  }
  func.func @transform_1(%arg0: i32) -> (i32, i32) {
    %c0_i32 = arith.constant 0 : i32
    %c0_i32_0 = arith.constant 0 : i32
    return %arg0, %c0_i32 : i32, i32
  }
  func.func @transform_2(%arg0: i32) -> (i32, i32) {
    %c0_i32 = arith.constant 0 : i32
    %c0_i32_0 = arith.constant 0 : i32
    return %arg0, %c0_i32 : i32, i32
  }
  func.func @transform_3(%arg0: i32) -> (i32, i32) {
    %c0_i32 = arith.constant 0 : i32
    %c0_i32_0 = arith.constant 0 : i32
    return %arg0, %c0_i32 : i32, i32
  }
  func.func @transform_4(%arg0: i32) -> (i32, i32) {
    %c0_i32 = arith.constant 0 : i32
    %c0_i32_0 = arith.constant 0 : i32
    return %arg0, %c0_i32 : i32, i32
  }
  func.func @transform_5(%arg0: i32) -> (i32, i32) {
    %c0_i32 = arith.constant 0 : i32
    %c0_i32_0 = arith.constant 0 : i32
    %c0_i32_1 = arith.constant 0 : i32
    return %c0_i32, %c0_i32_0 : i32, i32
  }
  func.func @transform_6(%arg0: i32) -> (i32, i32) {
    %c0_i32 = arith.constant 0 : i32
    %c0_i32_0 = arith.constant 0 : i32
    %c0_i32_1 = arith.constant 0 : i32
    return %c0_i32, %c0_i32_0 : i32, i32
  }
  func.func @transform_7(%arg0: i32) -> (i32, i32) {
    %c0_i32 = arith.constant 0 : i32
    %c0_i32_0 = arith.constant 0 : i32
    %c0_i32_1 = arith.constant 0 : i32
    return %c0_i32, %c0_i32_0 : i32, i32
  }
  func.func @transform_8(%arg0: i32) -> (i32, i32) {
    %c0_i32 = arith.constant 0 : i32
    %c0_i32_0 = arith.constant 0 : i32
    %c0_i32_1 = arith.constant 0 : i32
    return %c0_i32, %c0_i32_0 : i32, i32
  }
  func.func @transform_9(%arg0: i32) -> (i32, i32) {
    %c0_i32 = arith.constant 0 : i32
    %c0_i32_0 = arith.constant 0 : i32
    %c0_i32_1 = arith.constant 0 : i32
    return %c0_i32, %c0_i32_0 : i32, i32
  }
  func.func @transform_10(%arg0: i32) -> (i32, i32) {
    %c0_i32 = arith.constant 0 : i32
    %c0_i32_0 = arith.constant 0 : i32
    %c0_i32_1 = arith.constant 0 : i32
    return %c0_i32, %c0_i32_0 : i32, i32
  }
  func.func @transform_11(%arg0: i32) -> (i32, i32) {
    %c0_i32 = arith.constant 0 : i32
    %c0_i32_0 = arith.constant 0 : i32
    %c0_i32_1 = arith.constant 0 : i32
    return %c0_i32, %c0_i32_0 : i32, i32
  }
  func.func @transform_12(%arg0: i32) -> (i32, i32) {
    %c0_i32 = arith.constant 0 : i32
    %c0_i32_0 = arith.constant 0 : i32
    return %arg0, %c0_i32 : i32, i32
  }
}

</mosaic_0001>

<sc_bundles>
// kernel: kernel.10.cloned.1.call-start
scs
__scs_entry_jumppad:
0x0: {  	(pc) =	sbr.rel $0x88, $3  }
0x1: {  	(tag) =	ssettag $0x0;
	lr =	simm.s32 $0x1  }
0x2: {  	[smem:$0x3F94] =	sst lr;
	_ =	strace $0xD0000000  }
0x3: {  	_ = 	snop  }
0x4: {  	_ = 	snop  }
0x5: {  	_ = 	snop  }
0x6: {  	_ = 	snop  }
0x7: {  	_ = 	snop  }
__scs_overlays_trampoline_lowered:
0x8: {  	[smem:$0x3FA3] =	sst s0  }
0x9: {  	[smem:$0x3FA4] =	sst s1  }
0xa: {  	[smem:$0x3FA5] =	sst s2  }
0xb: {  	[smem:$0x3FA6] =	sst s3  }
0xc: {  	[smem:$0x3FA7] =	sst s4  }
0xd: {  	[smem:$0x3FA8] =	sst s5  }
0xe: {  	[smem:$0x3FA9] =	sst s6  }
0xf: {  	[smem:$0x3FAA] =	sst s7  }
0x10: {  	[smem:$0x3FAB] =	sst s8  }
0x11: {  	[smem:$0x3FAC] =	sst s9;
	s0 =	simm.s32 @!p0 $0x0  }
0x12: {  	s1 =	sld [smem:$0x3F92];
	s0 =	simm.s32 @p0 $0x1  }
0x13: {  	[smem:$0x3FAD] =	sst s0;
	s0 =	simm.s32 @!p1 $0x0  }
0x14: {  	s2 =	sld [smem:$0x3F91];
	s0 =	simm.s32 @p1 $0x1  }
0x15: {  	[smem:$0x3FAE] =	sst s0;
	s0 =	simm.s32 @!p2 $0x0  }
0x16: {  	s3 =	sld [smem:$0x3FDB];
	s0 =	simm.s32 @p2 $0x1  }
0x17: {  	s4 =	simm.s32 $0x1BF5;
	[smem:$0x3FB0] =	sst s0  }
0x18: {  	s0 =	sld [smem:$0x3F93];
	_ =	swait.ge [sflag:s4], $0x0  }
0x19: {  	s7 =	sld [smem:$0x3F94]  }
0x1a: {  	s8 =	sadd.s32 $0xFFFFE003, lr  }
0x1b: {  	s9 =	sadd.s32 $0xFFFFFEF7, lr;
	s5 =	simm.s32 $0xFFFFFFFF;
	p2 =	slt.u32 s8, $0xFFFFF086  }
0x1c: {  	p1 =	slt.u32 s9, $0xF7A;
	s5 =	simm.s32 @!p2 $0x0  }
0x1d: {  	s5 =	simm.s32 @p1 $0x1;
	p0 =	seq.s32 s7, s2  }
0x1e: {  	s7 =	smul.u32 @!p0 $0xF7A, s2;
	p2 =	seq.s32 @!p0 s5, $0x0  }
0x1f: {  	s9 =	smul.u32 $0xF7A, s1;
	s8 =	simm.s32 @!p0 $0x1BF5;
	p2 =	por !p2, p0  }
0x20: {  	[sflag:s8] =	ssyncset.s32 @!p0 $0xFFFFF086;
	s6 =	sadd.s32 @!p0 s3, s7;
	s7 =	simm.s32 @!p0 $0x108  }
0x21: {  	s3 =	sadd.s32 s3, s9;
	s6 =	sadd.s32 @!p0 $0x88, s6;
	s7 =	simm.s32 @p2 $0x1082  }
0x22: {  	[simem:s7], [sflag:s8] =	dma.local @!p0 [hbm:s6], $0xF7A  }
0x23: {  	s9 =	sor.u32 $0xD0000000, s2;
	s6 =	simm.s32 $0x108;
	_ =	swait.ge @!p0 [sflag:s8], $0x0  }
0x24: {  	s3 =	sadd.s32 $0x88, s3;
	s6 =	simm.s32 @!p1 $0x1082;
	[sflag:s4] =	ssyncset.s32 $0xFFFFF086  }
0x25: {  	[simem:s6], [sflag:s4] =	dma.local [hbm:s3], $0xF7A  }
0x26: {  	[smem:$0x3F94] =	sst s1;
	(tag) =	ssettag s2;
	_ =	strace s9  }
0x27: {  	s1 =	sld [smem:$0x3FA4]  }
0x28: {  	s2 =	sld [smem:$0x3FA5]  }
0x29: {  	s4 =	sld [smem:$0x3FA7]  }
0x2a: {  	p0 =	seq.s32 s5, $0x0;
	s5 =	sld [smem:$0x3FA8]  }
0x2b: {  	s6 =	sld [smem:$0x3FA9]  }
0x2c: {  	s7 =	sld [smem:$0x3FAA]  }
0x2d: {  	s3 =	simm.s32 $0x108;
	s8 =	sld [smem:$0x3FAB]  }
0x2e: {  	s3 =	simm.s32 @!p0 $0x1082;
	s9 =	sld [smem:$0x3FAC]  }
0x2f: {  	lr =	sadd.s32 s0, s3;
	s0 =	sld [smem:$0x3FA3]  }
0x30: {  	s3 =	sld [smem:$0x3FA6]  }
0x31: {  	[smem:$0x3FAF] =	sst s10  }
0x32: {  	s10 =	sld [smem:$0x3FAD];
	_ =	sdelay $0x3  }
0x33: {  	p0 =	seq.s32 s10, $0x1;
	s10 =	sld [smem:$0x3FAF];
	_ =	sdelay $0x3  }
0x34: {  	[smem:$0x3FAF] =	sst s10  }
0x35: {  	s10 =	sld [smem:$0x3FAE];
	_ =	sdelay $0x3  }
0x36: {  	p1 =	seq.s32 s10, $0x1;
	s10 =	sld [smem:$0x3FAF];
	_ =	sdelay $0x3  }
0x37: {  	[smem:$0x3FAF] =	sst s10  }
0x38: {  	s10 =	sld [smem:$0x3FB0]  }
0x39: {  	_ = 	snop;
	(pc) =	sbr.ind lr, $3  }
0x3a: {  	_ = 	snop  }
0x3b: {  	_ = 	snop  }
0x3c: {  	p2 =	seq.s32 s10, $0x1;
	s10 =	sld [smem:$0x3FAF]  }
0x3d: {  	_ =	shalt  }
0x3e: {  	_ =	shalt  }
0x3f: {  	_ =	shalt  }
0x40: {  	_ =	shalt  }
0x41: {  	_ =	shalt  }
0x42: {  	_ =	shalt  }
0x43: {  	_ =	shalt  }
0x44: {  	_ =	shalt  }
0x45: {  	_ =	shalt  }
0x46: {  	_ =	shalt  }
0x47: {  	_ =	shalt  }
0x48: {  	_ =	shalt  }
0x49: {  	_ =	shalt  }
0x4a: {  	_ =	shalt  }
0x4b: {  	_ =	shalt  }
0x4c: {  	_ =	shalt  }
0x4d: {  	_ =	shalt  }
0x4e: {  	_ =	shalt  }
0x4f: {  	_ =	shalt  }
0x50: {  	_ =	shalt  }
0x51: {  	_ =	shalt  }
0x52: {  	_ =	shalt  }
0x53: {  	_ =	shalt  }
0x54: {  	_ =	shalt  }
0x55: {  	_ =	shalt  }
0x56: {  	_ =	shalt  }
0x57: {  	_ =	shalt  }
0x58: {  	_ =	shalt  }
0x59: {  	_ =	shalt  }
0x5a: {  	_ =	shalt  }
0x5b: {  	_ =	shalt  }
0x5c: {  	_ =	shalt  }
0x5d: {  	_ =	shalt  }
0x5e: {  	_ =	shalt  }
0x5f: {  	_ =	shalt  }
0x60: {  	_ =	shalt  }
0x61: {  	_ =	shalt  }
0x62: {  	_ =	shalt  }
0x63: {  	_ =	shalt  }
0x64: {  	_ =	shalt  }
0x65: {  	_ =	shalt  }
0x66: {  	_ =	shalt  }
0x67: {  	_ =	shalt  }
0x68: {  	_ =	shalt  }
0x69: {  	_ =	shalt  }
0x6a: {  	_ =	shalt  }
0x6b: {  	_ =	shalt  }
0x6c: {  	_ =	shalt  }
0x6d: {  	_ =	shalt  }
0x6e: {  	_ =	shalt  }
0x6f: {  	_ =	shalt  }
0x70: {  	_ =	shalt  }
0x71: {  	_ =	shalt  }
0x72: {  	_ =	shalt  }
0x73: {  	_ =	shalt  }
0x74: {  	_ =	shalt  }
0x75: {  	_ =	shalt  }
0x76: {  	_ =	shalt  }
0x77: {  	_ =	shalt  }
0x78: {  	_ =	shalt  }
0x79: {  	_ =	shalt  }
0x7a: {  	_ =	shalt  }
0x7b: {  	_ =	shalt  }
0x7c: {  	_ =	shalt  }
0x7d: {  	_ =	shalt  }
0x7e: {  	_ =	shalt  }
0x7f: {  	_ =	shalt  }
0x80: {  	_ =	shalt  }
0x81: {  	_ =	shalt  }
0x82: {  	_ =	shalt  }
0x83: {  	_ =	shalt  }
0x84: {  	_ =	shalt  }
0x85: {  	_ =	shalt  }
0x86: {  	_ =	shalt  }
0x87: {  	_ =	shalt  }
.Lfunc_end0:
.L_simem_size_0:
called_computation.1_lowered:
.L_overlay_start_0:
0x88: {  	s2 =	sld [smem:$0x3FD9]  }
0x89: {  	s3 =	sld [smem:$0x3FFE];
	_ =	sdelay $0x1  }
0x8a: {  	s1 =	srdreg.scid  }
0x8b: {  	s0 =	sand.u32 $0x1, s1  }
0x8c: {  	s17 =	sshll.u32 s0, $0xA;
	s2 =	sadd.s32 s3, s2  }
0x8d: {  	s2 =	sadd.s32 s2, s17  }
0x8e: {  	[smem:$0x3FBB] =	sst s2  }
0x8f: {  	_ = 	snop  }
0x90: {  	s2 =	sld [smem:$0x3FD0];
	(tm) =	ssettm $0x1  }
0x91: {  	s18 =	sld [smem:$0x3FFB];
	_ =	sdelay $0x3  }
0x92: {  	_ =	strace s18  }
0x93: {  	s3 =	sld [smem:$0x3FFC];
	_ =	sdelay $0x3  }
0x94: {  	_ =	strace s3  }
0x95: {  	s3 =	sld [smem:$0x3FFD];
	_ =	sdelay $0x3  }
0x96: {  	_ =	strace s3  }
0x97: {  	_ =	strace $0x8FFFFFFF  }
0x98: {  	s19 =	sld [smem:$0x3FDB];
	_ =	sdelay $0x1  }
0x99: {  	s4 =	simm.s32 $_scs_section_size  }
0x9a: {  	s5 =	simm.s32 $_size__tile_overlayer_lowered;
	s6 =	simm.s32 $_tile_overlayer_lowered  }
0x9b: {  	s22 =	simm.s32 $0x1BFF;
	s21 =	sshll.u32 s6, $0x1;
	s3 =	sadd.s32 s4, s19  }
0x9c: {  	s7 =	simm.s32 $0x0;
	s20 =	sshll.u32 s5, $0x1;
	s5 =	sadd.s32 s21, s3  }
0x9d: {  	[timem:s7], [sflag:s22] =	dma.local [hbm:s5], s20  }
0x9e: {  	_ =	swait.ge [sflag:s22], s20  }
0x9f: {  	s4 =	ssub.s32 $0x0, s20;
	[sflag:s22] =	ssyncset.done $0x0  }
0xa0: {  	[sflag:s22] =	ssyncadd.s32 s4;
	_ =	sdelay $0x1  }
0xa1: {  	s23 =	simm.s32 $0x1B8B  }
0xa2: {  	_ =	swait.ge [sflag:s23], $0x1  }
0xa3: {  	[sflag:s23] =	ssyncset.done $0x0  }
0xa4: {  	s25 =	simm.s32 $0x1B8E;
	s24 =	sld [smem:$0x3FFE];
	[sflag:s23] =	ssyncadd.s32 $0xFFFFFFFF  }
0xa5: {  	s26 =	simm.s32 $execute0_lowered;
	[smem:$0x3FD2] =	sst s25  }
0xa6: {  	s5 =	sshll.u32 s26, $0x1;
	_ =	strace $0x80000049;
	[dreg:$0x1] =	wrdreg $0xFFFFFFFF  }
0xa7: {  	s28 =	simm.s32 $_size_execute0_lowered;
	s3 =	sadd.s32 s3, s5;
	[dreg:$0x0] =	wrdreg $0x0  }
0xa8: {  	s5 =	sshll.u32 s28, $0x1;
	[dreg:$0x2] =	wrdreg s3  }
0xa9: {  	[dreg:$0x3] =	wrdreg s5  }
0xaa: {  	[dreg:$0x4] =	wrdreg $0xC0  }
0xab: {  	_ =	task [dreg:s7], $0x5FFFF  }
0xac: {  	[dreg:$0x1] =	wrdreg $0xFFFFFFFF  }
0xad: {  	[dreg:$0x0] =	wrdreg $0x60  }
0xae: {  	[dreg:$0x2] =	wrdreg s24  }
0xaf: {  	[dreg:$0x3] =	wrdreg s2  }
0xb0: {  	[dreg:$0x4] =	wrdreg $0xD0000  }
0xb1: {  	[dreg:$0x5] =	wrdreg $0x9  }
0xb2: {  	_ =	task.clear_ibuf [dreg:s7], $0x6FFFF;
	_ =	strace $0x90000049  }
0xb3: {  	s29 =	simm.s32 $0x9;
	_ =	strace $0x8000004B  }
0xb4: {  	_ =	swait.ge [sflag:s29], $0x1  }
0xb5: {  	[sflag:s29] =	ssyncadd.s32 $0xFFFFFFFF  }
0xb6: {  	_ =	strace $0x9000004B  }
0xb7: {  	_ =	sfence  }
0xb8: {  	s30 =	sld [smem:$0x0];
	_ =	sdelay $0x2  }
0xb9: {  	s31 =	sshll.u32 s1, $0xD;
	s1 =	sshrl.u32 s1, $0x2  }
0xba: {  	s3 =	sand.u32 $0x4000, s31;
	s1 =	sadd.s32 s1, s30  }
0xbb: {  	s0 =	sor.u32 s3, s0;
	s1 =	sshll.u32 s1, $0x11  }
0xbc: {  	s0 =	sor.u32 s1, s0  }
0xbd: {  	s0 =	sadd.s32 $0x8F2B, s0  }
0xbe: {  	[sflag:s0] =	ssyncadd.remote.s32 $0x1  }
0xbf: {  	_ =	sfence.sel $0xFFFF  }
0xc0: {  	[dreg:$0x0] =	wrdreg $0xFFFFFFFF;
	(pc) =	sbr.abs _section_cstart, $3  }
0xc1: {  	[dreg:$0x1] =	wrdreg $0xFFFFFFFF  }
0xc2: {  	_ =	task.clear_ibuf [dreg:s7], $0x2FFFF;
	_ =	strace $0x9FFFFFFF  }
0xc3: {  	(tm) =	ssettm $0x7FFFFFFF  }
tec
execute0_lowered:
.L_overlay_start_1:
0x0: {  	(tag) =	ssettag $0x1  }
0x1: {  	s0 =	rddreg [dreg:$0x0]  }
0x2: {  	s10 =	stileid.u32;
	s1 =	srdreg.scid  }
0x3: {  	s3 =	rddreg [dreg:$0x2];
	s2 =	smul.u32 $0xC800, s10  }
0x4: {  	s4 =	simm.s32 $0x0;
	s14 =	simm.s32 $0x300;
	s6 =	smul.u32 $0x1900, s10  }
0x5: {  	s17 =	simm.s32 $0x400;
	s28 =	simm.s32 $0xB000;
	s8 =	smul.u32 $0x1A00, s10  }
0x6: {  	s29 =	simm.s32 $0x3;
	s30 =	simm.s32 $0x7;
	s18 =	smul.u32 $0x38000, s10  }
0x7: {  	s31 =	simm.s32 $0x4;
	s1 =	sand.u32 $0x1, s1;
	s9 =	smul.u32 $0x34000, s10  }
0x8: {  	[smem:$0x7FF] =	sst s4;
	s21 =	sshll.u32 s10, $0x6;
	s5 =	smul.u32 $0xC8000, s1  }
0x9: {  	s10 =	simm.s32 $0xD;
	s7 =	smul.u32 $0x1A000, s1;
	_ =	strace $0x8000004A  }
0xa: {  	s1 =	ssub.s32 $0x2, s1;
	s16 =	sor.u32 $0x1C0D, s21;
	[dreg:$0x7] =	wrdreg s14  }
0xb: {  	[dreg:$0x8] =	wrdreg s17;
	s21 =	simm.s32 $0x500;
	s17 =	simm.s32 $0x800  }
0xc: {  	s14 =	simm.s32 $0xB;
	s6 =	sadd.s32 s6, s0;
	s19 =	sshrl.u32 s1, $0x1  }
0xd: {  	s20 =	sshrl.u32 s18, $0x2;
	s22 =	sshrl.u32 s9, $0x2;
	[dreg:$0xa] =	wrdreg s21  }
0xe: {  	s21 =	simm.s32 $0x5000;
	[dreg:$0x10] =	wrdreg s16;
	s2 =	sadd.s32 s5, s2  }
0xf: {  	s5 =	sadd.s32 $0x37A00, s0;
	s7 =	sadd.s32 s8, s7;
	s26 =	sadd.s32 $0x114A00, s6  }
0x10: {  	s1 =	ssub.s32 s1, s19;
	s8 =	simm.s32 $0x200;
	[dreg:$0x5] =	wrdreg s26  }
0x11: {  	s19 =	simm.s32 $0x900;
	s2 =	sshrl.u32 s2, $0x3;
	[dreg:$0x6] =	wrdreg s8  }
0x12: {  	s1 =	smax.u32 s1, $0x1;
	[dreg:$0x9] =	wrdreg s19;
	s19 =	simm.s32 $0x1000  }
0x13: {  	s26 =	simm.s32 $0xC00;
	s2 =	sadd.s32 s2, s0;
	[dreg:$0x12] =	wrdreg s1  }
0x14: {  	s0 =	sadd.s32 s7, s0;
	s7 =	sadd.s32 s20, s3;
	[dreg:$0xf] =	wrdreg s26  }
0x15: {  	s0 =	sadd.s32 $0x6BA00, s0;
	s23 =	sadd.s32 $0x2000, s7;
	s24 =	sadd.s32 $0x4000, s7  }
0x16: {  	s25 =	sadd.s32 $0x6000, s7;
	s2 =	sadd.s32 $0x5A00, s2;
	[dreg:$0x11] =	wrdreg s0  }
0x17: {  	s11 =	sadd.s32 $0x8000, s7;
	s6 =	sshrl.u32 s7, $0x3;
	[dreg:$0x4] =	wrdreg s2  }
0x18: {  	s12 =	sadd.s32 $0xA000, s7;
	[dreg:$0x13] =	wrdreg s6;
	s1 =	sshrl.u32 s23, $0x3  }
0x19: {  	s13 =	sadd.s32 $0xC000, s7;
	s7 =	sshrl.u32 s24, $0x3;
	[dreg:$0x14] =	wrdreg s1  }
0x1a: {  	s8 =	simm.s32 $0xD00;
	s9 =	sshrl.u32 s25, $0x3;
	[dreg:$0x15] =	wrdreg s7  }
0x1b: {  	s26 =	simm.s32 $0x2;
	s15 =	sshrl.u32 s11, $0x3;
	[dreg:$0x16] =	wrdreg s9  }
0x1c: {  	s0 =	sadd.s32 s22, s3;
	s18 =	sshrl.u32 s12, $0x3;
	[dreg:$0x17] =	wrdreg s15  }
0x1d: {  	s20 =	sshrl.u32 s13, $0x3;
	s22 =	simm.s32 $0xA00;
	[dreg:$0x18] =	wrdreg s18  }
0x1e: {  	s23 =	simm.s32 $0x600;
	s24 =	simm.s32 $0xB00;
	[dreg:$0x19] =	wrdreg s20  }
0x1f: {  	s25 =	simm.s32 $0x700;
	s11 =	simm.s32 $0xF00;
	[dreg:$0xb] =	wrdreg s22  }
0x20: {  	s12 =	simm.s32 $0x9;
	s13 =	simm.s32 $0xA;
	[dreg:$0xc] =	wrdreg s23  }
0x21: {  	s6 =	simm.s32 $0x0;
	s18 =	simm.s32 $0x100;
	[dreg:$0xd] =	wrdreg s24  }
0x22: {  	s20 =	simm.s32 $0x3000;
	[dreg:$0xe] =	wrdreg s25;
	s22 =	simm.s32 $0x7000  }
0x23: {  	s23 =	simm.s32 $0x1;
	s24 =	simm.s32 $0x9000;
	s0 =	sshrl.u32 s0, $0x3  }
0x24: {  	s1 =	simm.s32 $0x8;
	s7 =	simm.s32 $0x6;
	s9 =	simm.s32 $0xE00  }
0x25: {  	s15 =	simm.s32 $0xC;
	[dreg:$0x1a] =	wrdreg s0;
	s0 =	simm.s32 $0x5  }
.LBB2_1:
0x26: {  	[dreg:$0x1b] =	wrdreg s6  }
0x27: {  	s2 =	rddreg [dreg:$0x1]  }
0x28: {  	s25 =	rddreg [dreg:$0x13]  }
0x29: {  	[spmem:s25], [sflag:s16] =	dma.local [hbm:s2], $0x400  }
0x2a: {  	_ =	swait.ge [sflag:s10], $0x400  }
0x2b: {  	[sflag:s10] =	ssyncset.done $0x0  }
0x2c: {  	s25 =	rddreg [dreg:$0x14];
	[sflag:s10] =	ssyncadd.s32 $0xFFFFFC00  }
0x2d: {  	[spmem:s25], [sflag:s16] =	dma.local [hbm:s2], $0x400  }
0x2e: {  	_ =	swait.ge [sflag:s10], $0x400  }
0x2f: {  	[sflag:s10] =	ssyncset.done $0x0  }
0x30: {  	s25 =	rddreg [dreg:$0x15];
	[sflag:s10] =	ssyncadd.s32 $0xFFFFFC00  }
0x31: {  	[spmem:s25], [sflag:s16] =	dma.local [hbm:s2], $0x400  }
0x32: {  	_ =	swait.ge [sflag:s10], $0x400  }
0x33: {  	[sflag:s10] =	ssyncset.done $0x0  }
0x34: {  	s25 =	rddreg [dreg:$0x16];
	[sflag:s10] =	ssyncadd.s32 $0xFFFFFC00  }
0x35: {  	[spmem:s25], [sflag:s16] =	dma.local [hbm:s2], $0x400  }
0x36: {  	_ =	swait.ge [sflag:s10], $0x400  }
0x37: {  	[sflag:s10] =	ssyncset.done $0x0  }
0x38: {  	s25 =	rddreg [dreg:$0x17];
	[sflag:s10] =	ssyncadd.s32 $0xFFFFFC00  }
0x39: {  	[spmem:s25], [sflag:s16] =	dma.local [hbm:s2], $0x400  }
0x3a: {  	_ =	swait.ge [sflag:s10], $0x400  }
0x3b: {  	[sflag:s10] =	ssyncset.done $0x0  }
0x3c: {  	s25 =	rddreg [dreg:$0x18];
	[sflag:s10] =	ssyncadd.s32 $0xFFFFFC00  }
0x3d: {  	[spmem:s25], [sflag:s16] =	dma.local [hbm:s2], $0x400  }
0x3e: {  	_ =	swait.ge [sflag:s10], $0x400  }
0x3f: {  	[sflag:s10] =	ssyncset.done $0x0  }
0x40: {  	s25 =	rddreg [dreg:$0x19];
	[sflag:s10] =	ssyncadd.s32 $0xFFFFFC00  }
0x41: {  	[spmem:s25], [sflag:s16] =	dma.local [hbm:s2], $0x400  }
0x42: {  	_ =	swait.ge [sflag:s10], $0x400  }
0x43: {  	[sflag:s10] =	ssyncset.done $0x0  }
0x44: {  	[sflag:s10] =	ssyncadd.s32 $0xFFFFFC00  }
0x45: {  	[bflag:$0x0] =	sbarrier.arrive $0xFFFF  }
0x46: {  	s25 =	rddreg [dreg:$0x5]  }
0x47: {  	s2 =	sadd.s32 $0x0, s25  }
0x48: {  	[tilespmem:s4], [sflag:$0xD] =	stream.linear.gather [hbm4b:s2+s4], $0x800, $0x38;
	[tilespmem:$0x1B000] =	vst v63  }
0x49: {  	_ =	swait.ge [sflag:s10], $0x800  }
0x4a: {  	s6 =	rddreg [dreg:$0x4];
	[sflag:s10] =	ssyncset.done $0x0  }
0x4b: {  	[sflag:s10] =	ssyncadd.s32 $0xFFFFF800;
	s2 =	sadd.s32 $0x0, s6  }
0x4c: {  	[tilespmem:s17], [sflag:$0xD] =	stream.linear.gather [hbm4b:s2+s4], $0x800, $0x38;
	[tilespmem:$0x1B000] =	vst v63  }
0x4d: {  	_ =	swait.ge [sflag:s10], $0x800  }
0x4e: {  	[sflag:s10] =	ssyncset.done $0x0  }
0x4f: {  	[sflag:s10] =	ssyncadd.s32 $0xFFFFF800  }
0x50: {  	[tilespmem:s19], [sflag:$0x1] =	stream.indirect.gather [hbm4b:s5+s18], $0x20, s4, s18, $0xb8;
	[tilespmem:$0x1B000] =	vst v63  }
0x51: {  	_ = 	snop  }
0x52: {  	[tilespmem:s20], [sflag:$0x2] =	stream.indirect.gather [hbm4b:s5+s18], $0x20, s18, s18, $0xb8;
	[tilespmem:$0x1B000] =	vst v63  }
0x53: {  	s16 =	rddreg [dreg:$0x6]  }
0x54: {  	[tilespmem:s21], [sflag:$0x3] =	stream.indirect.gather [hbm4b:s5+s18], $0x20, s16, s18, $0xb8;
	[tilespmem:$0x1B000] =	vst v63  }
0x55: {  	s25 =	rddreg [dreg:$0x7]  }
0x56: {  	[tilespmem:s22], [sflag:$0x4] =	stream.indirect.gather [hbm4b:s5+s18], $0x20, s25, s18, $0xb8;
	[tilespmem:$0x1B000] =	vst v63  }
0x57: {  	_ =	swait.ge [sflag:s23], $0x2000  }
0x58: {  	[sflag:s23] =	ssyncset.done $0x0  }
0x59: {  	[sflag:s23] =	ssyncadd.s32 $0xFFFFE000  }
0x5a: {  	[spmem:s3] =	stream.indirect.scatter.add.f32 [tilespmem:s19], [sflag:$0x7], $0x20, s17, s18, $0xb8;
	[tilespmem:$0x1B000] =	vst v63  }
0x5b: {  	s6 =	rddreg [dreg:$0x8]  }
0x5c: {  	[tilespmem:s24], [sflag:$0x5] =	stream.indirect.gather [hbm4b:s5+s18], $0x20, s6, s18, $0xb8;
	[tilespmem:$0x1B000] =	vst v63  }
0x5d: {  	_ =	swait.ge [sflag:s26], $0x2000  }
0x5e: {  	[sflag:s26] =	ssyncset.done $0x0  }
0x5f: {  	s16 =	rddreg [dreg:$0x9];
	[sflag:s26] =	ssyncadd.s32 $0xFFFFE000  }
0x60: {  	[spmem:s3] =	stream.indirect.scatter.add.f32 [tilespmem:s20], [sflag:$0x8], $0x20, s16, s18, $0xb8;
	[tilespmem:$0x1B000] =	vst v63  }
0x61: {  	s25 =	rddreg [dreg:$0xa]  }
0x62: {  	[tilespmem:s28], [sflag:$0x6] =	stream.indirect.gather [hbm4b:s5+s18], $0x20, s25, s18, $0xb8;
	[tilespmem:$0x1B000] =	vst v63  }
0x63: {  	_ =	swait.ge [sflag:s29], $0x2000  }
0x64: {  	[sflag:s29] =	ssyncset.done $0x0  }
0x65: {  	s16 =	rddreg [dreg:$0xb];
	[sflag:s29] =	ssyncadd.s32 $0xFFFFE000  }
0x66: {  	[spmem:s3] =	stream.indirect.scatter.add.f32 [tilespmem:s21], [sflag:$0x9], $0x20, s16, s18, $0xb8;
	[tilespmem:$0x1B000] =	vst v63  }
0x67: {  	_ =	swait.ge [sflag:s30], $0x2000  }
0x68: {  	[sflag:s30] =	ssyncset.done $0x0  }
0x69: {  	s25 =	rddreg [dreg:$0xc];
	[sflag:s30] =	ssyncadd.s32 $0xFFFFE000  }
0x6a: {  	[tilespmem:s19], [sflag:$0x1] =	stream.indirect.gather [hbm4b:s5+s18], $0x20, s25, s18, $0xb8;
	[tilespmem:$0x1B000] =	vst v63  }
0x6b: {  	_ =	swait.ge [sflag:s31], $0x2000  }
0x6c: {  	[sflag:s31] =	ssyncset.done $0x0  }
0x6d: {  	s6 =	rddreg [dreg:$0xd];
	[sflag:s31] =	ssyncadd.s32 $0xFFFFE000  }
0x6e: {  	[spmem:s3] =	stream.indirect.scatter.add.f32 [tilespmem:s22], [sflag:$0xA], $0x20, s6, s18, $0xb8;
	[tilespmem:$0x1B000] =	vst v63  }
0x6f: {  	_ =	swait.ge [sflag:s1], $0x2000  }
0x70: {  	[sflag:s1] =	ssyncset.done $0x0  }
0x71: {  	s16 =	rddreg [dreg:$0xe];
	[sflag:s1] =	ssyncadd.s32 $0xFFFFE000  }
0x72: {  	[tilespmem:s20], [sflag:$0x2] =	stream.indirect.gather [hbm4b:s5+s18], $0x20, s16, s18, $0xb8;
	[tilespmem:$0x1B000] =	vst v63  }
0x73: {  	_ =	swait.ge [sflag:s0], $0x2000  }
0x74: {  	[sflag:s0] =	ssyncset.done $0x0  }
0x75: {  	s25 =	rddreg [dreg:$0xf];
	[sflag:s0] =	ssyncadd.s32 $0xFFFFE000  }
0x76: {  	[spmem:s3] =	stream.indirect.scatter.add.f32 [tilespmem:s24], [sflag:$0xB], $0x20, s25, s18, $0xb8;
	[tilespmem:$0x1B000] =	vst v63  }
0x77: {  	_ =	swait.ge [sflag:s7], $0x2000  }
0x78: {  	[sflag:s7] =	ssyncset.done $0x0  }
0x79: {  	[sflag:s7] =	ssyncadd.s32 $0xFFFFE000  }
0x7a: {  	[spmem:s3] =	stream.indirect.scatter.add.f32 [tilespmem:s28], [sflag:$0xC], $0x20, s8, s18, $0xb8;
	[tilespmem:$0x1B000] =	vst v63  }
0x7b: {  	_ =	swait.ge [sflag:s23], $0x2000  }
0x7c: {  	[sflag:s23] =	ssyncset.done $0x0  }
0x7d: {  	[sflag:s23] =	ssyncadd.s32 $0xFFFFE000  }
0x7e: {  	[spmem:s3] =	stream.indirect.scatter.add.f32 [tilespmem:s19], [sflag:$0x7], $0x20, s9, s18, $0xb8;
	[tilespmem:$0x1B000] =	vst v63  }
0x7f: {  	_ =	swait.ge [sflag:s26], $0x2000  }
0x80: {  	[sflag:s26] =	ssyncset.done $0x0  }
0x81: {  	[sflag:s26] =	ssyncadd.s32 $0xFFFFE000  }
0x82: {  	[spmem:s3] =	stream.indirect.scatter.add.f32 [tilespmem:s20], [sflag:$0x8], $0x20, s11, s18, $0xb8;
	[tilespmem:$0x1B000] =	vst v63  }
0x83: {  	_ =	swait.ge [sflag:s12], $0x2000  }
0x84: {  	[sflag:s12] =	ssyncset.done $0x0  }
0x85: {  	[sflag:s12] =	ssyncadd.s32 $0xFFFFE000  }
0x86: {  	_ =	swait.ge [sflag:s13], $0x2000  }
0x87: {  	[sflag:s13] =	ssyncset.done $0x0  }
0x88: {  	[sflag:s13] =	ssyncadd.s32 $0xFFFFE000  }
0x89: {  	_ =	swait.ge [sflag:s14], $0x2000  }
0x8a: {  	[sflag:s14] =	ssyncset.done $0x0  }
0x8b: {  	[sflag:s14] =	ssyncadd.s32 $0xFFFFE000  }
0x8c: {  	_ =	swait.ge [sflag:s15], $0x2000  }
0x8d: {  	[sflag:s15] =	ssyncset.done $0x0  }
0x8e: {  	[sflag:s15] =	ssyncadd.s32 $0xFFFFE000  }
0x8f: {  	_ =	swait.ge [sflag:s30], $0x2000  }
0x90: {  	[sflag:s30] =	ssyncset.done $0x0  }
0x91: {  	[sflag:s30] =	ssyncadd.s32 $0xFFFFE000  }
0x92: {  	s2 =	simm.s32 $0x200;
	_ =	swait.ge [sflag:s1], $0x2000  }
0x93: {  	s25 =	simm.s32 $0x100;
	s6 =	rddreg [dreg:$0x5];
	[sflag:s1] =	ssyncset.done $0x0  }
.LBB2_2:
0x94: {  	[sflag:s1] =	ssyncadd.s32 $0xFFFFE000;
	s6 =	sadd.s32 s25, s6  }
0x95: {  	[tilespmem:s4], [sflag:$0xD] =	stream.linear.gather [hbm4b:s6+s4], $0x800, $0x38;
	[tilespmem:$0x1B000] =	vst v63  }
0x96: {  	_ =	swait.ge [sflag:s10], $0x800  }
0x97: {  	s6 =	rddreg [dreg:$0x4];
	[sflag:s10] =	ssyncset.done $0x0  }
0x98: {  	[sflag:s10] =	ssyncadd.s32 $0xFFFFF800;
	s6 =	sadd.s32 s25, s6  }
0x99: {  	[tilespmem:s17], [sflag:$0xD] =	stream.linear.gather [hbm4b:s6+s4], $0x800, $0x38;
	[tilespmem:$0x1B000] =	vst v63  }
0x9a: {  	_ =	swait.ge [sflag:s10], $0x800  }
0x9b: {  	[sflag:s10] =	ssyncset.done $0x0  }
0x9c: {  	[sflag:s10] =	ssyncadd.s32 $0xFFFFF800  }
0x9d: {  	[tilespmem:s19], [sflag:$0x1] =	stream.indirect.gather [hbm4b:s5+s18], $0x20, s4, s18, $0xb8;
	[tilespmem:$0x1B000] =	vst v63  }
0x9e: {  	_ = 	snop  }
0x9f: {  	[tilespmem:s20], [sflag:$0x2] =	stream.indirect.gather [hbm4b:s5+s18], $0x20, s18, s18, $0xb8;
	[tilespmem:$0x1B000] =	vst v63  }
0xa0: {  	s16 =	smov.u32 s2;
	s6 =	rddreg [dreg:$0x6]  }
0xa1: {  	[tilespmem:s21], [sflag:$0x3] =	stream.indirect.gather [hbm4b:s5+s18], $0x20, s6, s18, $0xb8;
	[tilespmem:$0x1B000] =	vst v63  }
0xa2: {  	s25 =	smov.u32 s16;
	s16 =	rddreg [dreg:$0x7]  }
0xa3: {  	[tilespmem:s22], [sflag:$0x4] =	stream.indirect.gather [hbm4b:s5+s18], $0x20, s16, s18, $0xb8;
	[tilespmem:$0x1B000] =	vst v63  }
0xa4: {  	_ =	swait.ge [sflag:s23], $0x2000  }
0xa5: {  	[sflag:s23] =	ssyncset.done $0x0  }
0xa6: {  	[sflag:s23] =	ssyncadd.s32 $0xFFFFE000  }
0xa7: {  	[spmem:s3] =	stream.indirect.scatter.add.f32 [tilespmem:s19], [sflag:$0x7], $0x20, s17, s18, $0xb8;
	[tilespmem:$0x1B000] =	vst v63  }
0xa8: {  	s16 =	rddreg [dreg:$0x8]  }
0xa9: {  	[tilespmem:s24], [sflag:$0x5] =	stream.indirect.gather [hbm4b:s5+s18], $0x20, s16, s18, $0xb8;
	[tilespmem:$0x1B000] =	vst v63  }
0xaa: {  	_ =	swait.ge [sflag:s26], $0x2000  }
0xab: {  	[sflag:s26] =	ssyncset.done $0x0  }
0xac: {  	s6 =	rddreg [dreg:$0x9];
	[sflag:s26] =	ssyncadd.s32 $0xFFFFE000  }
0xad: {  	[spmem:s3] =	stream.indirect.scatter.add.f32 [tilespmem:s20], [sflag:$0x8], $0x20, s6, s18, $0xb8;
	[tilespmem:$0x1B000] =	vst v63  }
0xae: {  	s16 =	rddreg [dreg:$0xa]  }
0xaf: {  	[tilespmem:s28], [sflag:$0x6] =	stream.indirect.gather [hbm4b:s5+s18], $0x20, s16, s18, $0xb8;
	[tilespmem:$0x1B000] =	vst v63  }
0xb0: {  	_ =	swait.ge [sflag:s29], $0x2000  }
0xb1: {  	[sflag:s29] =	ssyncset.done $0x0  }
0xb2: {  	s16 =	rddreg [dreg:$0xb];
	[sflag:s29] =	ssyncadd.s32 $0xFFFFE000  }
0xb3: {  	[spmem:s3] =	stream.indirect.scatter.add.f32 [tilespmem:s21], [sflag:$0x9], $0x20, s16, s18, $0xb8;
	[tilespmem:$0x1B000] =	vst v63  }
0xb4: {  	_ =	swait.ge [sflag:s30], $0x2000  }
0xb5: {  	[sflag:s30] =	ssyncset.done $0x0  }
0xb6: {  	s16 =	rddreg [dreg:$0xc];
	[sflag:s30] =	ssyncadd.s32 $0xFFFFE000  }
0xb7: {  	[tilespmem:s19], [sflag:$0x1] =	stream.indirect.gather [hbm4b:s5+s18], $0x20, s16, s18, $0xb8;
	[tilespmem:$0x1B000] =	vst v63  }
0xb8: {  	_ =	swait.ge [sflag:s31], $0x2000  }
0xb9: {  	[sflag:s31] =	ssyncset.done $0x0  }
0xba: {  	s16 =	rddreg [dreg:$0xd];
	[sflag:s31] =	ssyncadd.s32 $0xFFFFE000  }
0xbb: {  	[spmem:s3] =	stream.indirect.scatter.add.f32 [tilespmem:s22], [sflag:$0xA], $0x20, s16, s18, $0xb8;
	[tilespmem:$0x1B000] =	vst v63  }
0xbc: {  	_ =	swait.ge [sflag:s1], $0x2000  }
0xbd: {  	[sflag:s1] =	ssyncset.done $0x0  }
0xbe: {  	s16 =	rddreg [dreg:$0xe];
	[sflag:s1] =	ssyncadd.s32 $0xFFFFE000  }
0xbf: {  	[tilespmem:s20], [sflag:$0x2] =	stream.indirect.gather [hbm4b:s5+s18], $0x20, s16, s18, $0xb8;
	[tilespmem:$0x1B000] =	vst v63  }
0xc0: {  	_ =	swait.ge [sflag:s0], $0x2000  }
0xc1: {  	[sflag:s0] =	ssyncset.done $0x0  }
0xc2: {  	s16 =	rddreg [dreg:$0xf];
	[sflag:s0] =	ssyncadd.s32 $0xFFFFE000  }
0xc3: {  	[spmem:s3] =	stream.indirect.scatter.add.f32 [tilespmem:s24], [sflag:$0xB], $0x20, s16, s18, $0xb8;
	[tilespmem:$0x1B000] =	vst v63  }
0xc4: {  	_ =	swait.ge [sflag:s7], $0x2000  }
0xc5: {  	[sflag:s7] =	ssyncset.done $0x0  }
0xc6: {  	[sflag:s7] =	ssyncadd.s32 $0xFFFFE000  }
0xc7: {  	[spmem:s3] =	stream.indirect.scatter.add.f32 [tilespmem:s28], [sflag:$0xC], $0x20, s8, s18, $0xb8;
	[tilespmem:$0x1B000] =	vst v63  }
0xc8: {  	_ =	swait.ge [sflag:s23], $0x2000  }
0xc9: {  	[sflag:s23] =	ssyncset.done $0x0  }
0xca: {  	[sflag:s23] =	ssyncadd.s32 $0xFFFFE000  }
0xcb: {  	[spmem:s3] =	stream.indirect.scatter.add.f32 [tilespmem:s19], [sflag:$0x7], $0x20, s9, s18, $0xb8;
	[tilespmem:$0x1B000] =	vst v63  }
0xcc: {  	_ =	swait.ge [sflag:s26], $0x2000  }
0xcd: {  	[sflag:s26] =	ssyncset.done $0x0  }
0xce: {  	[sflag:s26] =	ssyncadd.s32 $0xFFFFE000  }
0xcf: {  	[spmem:s3] =	stream.indirect.scatter.add.f32 [tilespmem:s20], [sflag:$0x8], $0x20, s11, s18, $0xb8;
	[tilespmem:$0x1B000] =	vst v63  }
0xd0: {  	_ =	swait.ge [sflag:s12], $0x2000  }
0xd1: {  	[sflag:s12] =	ssyncset.done $0x0  }
0xd2: {  	[sflag:s12] =	ssyncadd.s32 $0xFFFFE000  }
0xd3: {  	_ =	swait.ge [sflag:s13], $0x2000  }
0xd4: {  	[sflag:s13] =	ssyncset.done $0x0  }
0xd5: {  	[sflag:s13] =	ssyncadd.s32 $0xFFFFE000  }
0xd6: {  	_ =	swait.ge [sflag:s14], $0x2000  }
0xd7: {  	[sflag:s14] =	ssyncset.done $0x0  }
0xd8: {  	[sflag:s14] =	ssyncadd.s32 $0xFFFFE000  }
0xd9: {  	_ =	swait.ge [sflag:s15], $0x2000  }
0xda: {  	[sflag:s15] =	ssyncset.done $0x0  }
0xdb: {  	p0 =	sne.s32 s2, $0x1800;
	[sflag:s15] =	ssyncadd.s32 $0xFFFFE000  }
.Ltmp0:
0xdc: {  	_ =	swait.ge [sflag:s30], $0x2000;
	(pc) =	sbr.rel @p0 .LBB2_2-.Ltmp0, $4  }
0xdd: {  	[sflag:s30] =	ssyncset.done $0x0  }
0xde: {  	[sflag:s30] =	ssyncadd.s32 $0xFFFFE000  }
0xdf: {  	_ =	swait.ge [sflag:s1], $0x2000  }
0xe0: {  	s2 =	sadd.s32 $0x100, s2;
	s6 =	rddreg [dreg:$0x5];
	[sflag:s1] =	ssyncset.done $0x0  }
0xe1: {  	[sflag:s1] =	ssyncadd.s32 $0xFFFFE000;
	s2 =	sadd.s32 s25, s6  }
0xe2: {  	[tilespmem:s4], [sflag:$0xD] =	stream.linear.gather [hbm4b:s2+s4], $0x800, $0x38;
	[tilespmem:$0x1B000] =	vst v63  }
0xe3: {  	_ =	swait.ge [sflag:s10], $0x800  }
0xe4: {  	s6 =	rddreg [dreg:$0x4];
	[sflag:s10] =	ssyncset.done $0x0  }
0xe5: {  	[sflag:s10] =	ssyncadd.s32 $0xFFFFF800;
	s2 =	sadd.s32 s25, s6  }
0xe6: {  	[tilespmem:s17], [sflag:$0xD] =	stream.linear.gather [hbm4b:s2+s4], $0x800, $0x38;
	[tilespmem:$0x1B000] =	vst v63  }
0xe7: {  	_ =	swait.ge [sflag:s10], $0x800  }
0xe8: {  	[sflag:s10] =	ssyncset.done $0x0  }
0xe9: {  	[sflag:s10] =	ssyncadd.s32 $0xFFFFF800  }
0xea: {  	[tilespmem:s19], [sflag:$0x1] =	stream.indirect.gather [hbm4b:s5+s18], $0x20, s4, s18, $0xb8;
	[tilespmem:$0x1B000] =	vst v63  }
0xeb: {  	_ = 	snop  }
0xec: {  	[tilespmem:s20], [sflag:$0x2] =	stream.indirect.gather [hbm4b:s5+s18], $0x20, s18, s18, $0xb8;
	[tilespmem:$0x1B000] =	vst v63  }
0xed: {  	s16 =	rddreg [dreg:$0x6]  }
0xee: {  	[tilespmem:s21], [sflag:$0x3] =	stream.indirect.gather [hbm4b:s5+s18], $0x20, s16, s18, $0xb8;
	[tilespmem:$0x1B000] =	vst v63  }
0xef: {  	s25 =	rddreg [dreg:$0x7]  }
0xf0: {  	[tilespmem:s22], [sflag:$0x4] =	stream.indirect.gather [hbm4b:s5+s18], $0x20, s25, s18, $0xb8;
	[tilespmem:$0x1B000] =	vst v63  }
0xf1: {  	_ =	swait.ge [sflag:s23], $0x2000  }
0xf2: {  	[sflag:s23] =	ssyncset.done $0x0  }
0xf3: {  	[sflag:s23] =	ssyncadd.s32 $0xFFFFE000  }
0xf4: {  	[spmem:s3] =	stream.indirect.scatter.add.f32 [tilespmem:s19], [sflag:$0x7], $0x20, s17, s18, $0xb8;
	[tilespmem:$0x1B000] =	vst v63  }
0xf5: {  	s6 =	rddreg [dreg:$0x8]  }
0xf6: {  	[tilespmem:s24], [sflag:$0x5] =	stream.indirect.gather [hbm4b:s5+s18], $0x20, s6, s18, $0xb8;
	[tilespmem:$0x1B000] =	vst v63  }
0xf7: {  	_ =	swait.ge [sflag:s26], $0x2000  }
0xf8: {  	[sflag:s26] =	ssyncset.done $0x0  }
0xf9: {  	s16 =	rddreg [dreg:$0x9];
	[sflag:s26] =	ssyncadd.s32 $0xFFFFE000  }
0xfa: {  	[spmem:s3] =	stream.indirect.scatter.add.f32 [tilespmem:s20], [sflag:$0x8], $0x20, s16, s18, $0xb8;
	[tilespmem:$0x1B000] =	vst v63  }
0xfb: {  	s25 =	rddreg [dreg:$0xa]  }
0xfc: {  	[tilespmem:s28], [sflag:$0x6] =	stream.indirect.gather [hbm4b:s5+s18], $0x20, s25, s18, $0xb8;
	[tilespmem:$0x1B000] =	vst v63  }
0xfd: {  	_ =	swait.ge [sflag:s29], $0x2000  }
0xfe: {  	[sflag:s29] =	ssyncset.done $0x0  }
0xff: {  	s16 =	rddreg [dreg:$0xb];
	[sflag:s29] =	ssyncadd.s32 $0xFFFFE000  }
0x100: {  	[spmem:s3] =	stream.indirect.scatter.add.f32 [tilespmem:s21], [sflag:$0x9], $0x20, s16, s18, $0xb8;
	[tilespmem:$0x1B000] =	vst v63  }
0x101: {  	_ =	swait.ge [sflag:s30], $0x2000  }
0x102: {  	[sflag:s30] =	ssyncset.done $0x0  }
0x103: {  	s25 =	rddreg [dreg:$0xc];
	[sflag:s30] =	ssyncadd.s32 $0xFFFFE000  }
0x104: {  	[tilespmem:s19], [sflag:$0x1] =	stream.indirect.gather [hbm4b:s5+s18], $0x20, s25, s18, $0xb8;
	[tilespmem:$0x1B000] =	vst v63  }
0x105: {  	_ =	swait.ge [sflag:s31], $0x2000  }
0x106: {  	[sflag:s31] =	ssyncset.done $0x0  }
0x107: {  	s6 =	rddreg [dreg:$0xd];
	[sflag:s31] =	ssyncadd.s32 $0xFFFFE000  }
0x108: {  	[spmem:s3] =	stream.indirect.scatter.add.f32 [tilespmem:s22], [sflag:$0xA], $0x20, s6, s18, $0xb8;
	[tilespmem:$0x1B000] =	vst v63  }
0x109: {  	_ =	swait.ge [sflag:s1], $0x2000  }
0x10a: {  	[sflag:s1] =	ssyncset.done $0x0  }
0x10b: {  	s16 =	rddreg [dreg:$0xe];
	[sflag:s1] =	ssyncadd.s32 $0xFFFFE000  }
0x10c: {  	[tilespmem:s20], [sflag:$0x2] =	stream.indirect.gather [hbm4b:s5+s18], $0x20, s16, s18, $0xb8;
	[tilespmem:$0x1B000] =	vst v63  }
0x10d: {  	_ =	swait.ge [sflag:s0], $0x2000  }
0x10e: {  	[sflag:s0] =	ssyncset.done $0x0  }
0x10f: {  	s25 =	rddreg [dreg:$0xf];
	[sflag:s0] =	ssyncadd.s32 $0xFFFFE000  }
0x110: {  	[spmem:s3] =	stream.indirect.scatter.add.f32 [tilespmem:s24], [sflag:$0xB], $0x20, s25, s18, $0xb8;
	[tilespmem:$0x1B000] =	vst v63  }
0x111: {  	_ =	swait.ge [sflag:s7], $0x2000  }
0x112: {  	[sflag:s7] =	ssyncset.done $0x0  }
0x113: {  	[sflag:s7] =	ssyncadd.s32 $0xFFFFE000  }
0x114: {  	[spmem:s3] =	stream.indirect.scatter.add.f32 [tilespmem:s28], [sflag:$0xC], $0x20, s8, s18, $0xb8;
	[tilespmem:$0x1B000] =	vst v63  }
0x115: {  	_ =	swait.ge [sflag:s23], $0x2000  }
0x116: {  	[sflag:s23] =	ssyncset.done $0x0  }
0x117: {  	[sflag:s23] =	ssyncadd.s32 $0xFFFFE000  }
0x118: {  	[spmem:s3] =	stream.indirect.scatter.add.f32 [tilespmem:s19], [sflag:$0x7], $0x20, s9, s18, $0xb8;
	[tilespmem:$0x1B000] =	vst v63  }
0x119: {  	_ =	swait.ge [sflag:s26], $0x2000  }
0x11a: {  	[sflag:s26] =	ssyncset.done $0x0  }
0x11b: {  	[sflag:s26] =	ssyncadd.s32 $0xFFFFE000  }
0x11c: {  	[spmem:s3] =	stream.indirect.scatter.add.f32 [tilespmem:s20], [sflag:$0x8], $0x20, s11, s18, $0xb8;
	[tilespmem:$0x1B000] =	vst v63  }
0x11d: {  	_ =	swait.ge [sflag:s12], $0x2000  }
0x11e: {  	[sflag:s12] =	ssyncset.done $0x0  }
0x11f: {  	[sflag:s12] =	ssyncadd.s32 $0xFFFFE000  }
0x120: {  	_ =	swait.ge [sflag:s13], $0x2000  }
0x121: {  	[sflag:s13] =	ssyncset.done $0x0  }
0x122: {  	[sflag:s13] =	ssyncadd.s32 $0xFFFFE000  }
0x123: {  	_ =	swait.ge [sflag:s14], $0x2000  }
0x124: {  	[sflag:s14] =	ssyncset.done $0x0  }
0x125: {  	[sflag:s14] =	ssyncadd.s32 $0xFFFFE000  }
0x126: {  	_ =	swait.ge [sflag:s15], $0x2000  }
0x127: {  	[sflag:s15] =	ssyncset.done $0x0  }
0x128: {  	[sflag:s15] =	ssyncadd.s32 $0xFFFFE000  }
0x129: {  	_ =	swait.ge [sflag:s30], $0x2000  }
0x12a: {  	[sflag:s30] =	ssyncset.done $0x0  }
0x12b: {  	[sflag:s30] =	ssyncadd.s32 $0xFFFFE000  }
0x12c: {  	_ =	swait.ge [sflag:s1], $0x2000  }
0x12d: {  	[sflag:s1] =	ssyncset.done $0x0  }
0x12e: {  	[sflag:s1] =	ssyncadd.s32 $0xFFFFE000  }
0x12f: {  	[bflag:$0x0] =	sbarrier.arrive $0xFFFF  }
0x130: {  	s16 =	rddreg [dreg:$0x10]  }
0x131: {  	s6 =	rddreg [dreg:$0x11]  }
0x132: {  	s25 =	rddreg [dreg:$0x1a]  }
0x133: {  	[hbm:s6], [sflag:s16] =	dma.local [spmem:s25], $0x1A00  }
0x134: {  	_ =	swait.ge [sflag:s10], $0x1A00  }
0x135: {  	s2 =	rddreg [dreg:$0x1b]  }
0x136: {  	s25 =	rddreg [dreg:$0x12];
	s6 =	sadd.s32 $0x1, s2  }
0x137: {  	p0 =	sne.s32 s6, s25  }
.Ltmp1:
0x138: {  	_ = 	snop;
	(pc) =	sbr.rel @p0 .LBB2_1-.Ltmp1, $3  }
0x139: {  	_ =	sdelay $0x1  }
0x13a: {  	[sflag:s10] =	ssyncset.done $0x0  }
0x13b: {  	[sflag:s10] =	ssyncadd.s32 $0xFFFFE600  }
0x13c: {  	_ =	sfence.sel $0x180000  }
0x13d: {  	[bflag:$0x0] =	sbarrier.arrive $0xFFFF  }
0x13e: {  	_ =	strace $0x9000004A  }
0x13f: {  	s0 =	stileid.u32;
	[bflag:$0x2] =	sbarrier.arrive $0xFFFF  }
0x140: {  	p0 =	sne.s32 s0, $0x0;
	s0 =	rddreg [dreg:$0x3]  }
0x141: {  	s0 =	sadd.s32 @!p0 $0x100000, s0  }
0x142: {  	[sflag:s0] =	ssyncadd.tile.s32 @!p0 $0x1;
	_ =	shalt  }
.Lfunc_end2:
_tile_overlayer_lowered:
.L_overlay_start_2:
0x143: {  	(tag) =	ssettag $0x2  }
0x144: {  	s0 =	rddreg [dreg:$0x0];
	s2 =	stileid.u32  }
0x145: {  	s1 =	rddreg [dreg:$0x1];
	p0 =	sne.s32 s2, $0x0  }
0x146: {  	s3 =	rddreg [dreg:$0x2];
	[bflag:$0x3] =	sbarrier.arrive $0xFFFF;
	s2 =	simm.s32 @!p0 $0x1C0D  }
0x147: {  	[timem:s3], [sflag:s2] =	dma.local @!p0 [hbm:s0], s1  }
0x148: {  	s0 =	simm.s32 @!p0 $0xD  }
0x149: {  	_ =	swait.ge @!p0 [sflag:s0], s1  }
0x14a: {  	s1 =	ssub.s32 @!p0 $0x0, s1;
	[sflag:s0] =	ssyncset.done @!p0 $0x0  }
0x14b: {  	[sflag:s0] =	ssyncadd.s32 @!p0 s1  }
0x14c: {  	[bflag:$0x3] =	sbarrier.arrive $0xFFFF  }
0x14d: {  	_ =	shalt  }

// kernel: kernel.13.cloned.1.call-start
scs
__scs_entry_jumppad:
0x0: {  	(pc) =	sbr.rel $0x88, $3  }
0x1: {  	(tag) =	ssettag $0x0;
	lr =	simm.s32 $0x1  }
0x2: {  	[smem:$0x3F94] =	sst lr;
	_ =	strace $0xD0000000  }
0x3: {  	_ = 	snop  }
0x4: {  	_ = 	snop  }
0x5: {  	_ = 	snop  }
0x6: {  	_ = 	snop  }
0x7: {  	_ = 	snop  }
__scs_overlays_trampoline_lowered:
0x8: {  	[smem:$0x3FA3] =	sst s0  }
0x9: {  	[smem:$0x3FA4] =	sst s1  }
0xa: {  	[smem:$0x3FA5] =	sst s2  }
0xb: {  	[smem:$0x3FA6] =	sst s3  }
0xc: {  	[smem:$0x3FA7] =	sst s4  }
0xd: {  	[smem:$0x3FA8] =	sst s5  }
0xe: {  	[smem:$0x3FA9] =	sst s6  }
0xf: {  	[smem:$0x3FAA] =	sst s7  }
0x10: {  	[smem:$0x3FAB] =	sst s8  }
0x11: {  	[smem:$0x3FAC] =	sst s9;
	s0 =	simm.s32 @!p0 $0x0  }
0x12: {  	s1 =	sld [smem:$0x3F92];
	s0 =	simm.s32 @p0 $0x1  }
0x13: {  	[smem:$0x3FAD] =	sst s0;
	s0 =	simm.s32 @!p1 $0x0  }
0x14: {  	s2 =	sld [smem:$0x3F91];
	s0 =	simm.s32 @p1 $0x1  }
0x15: {  	[smem:$0x3FAE] =	sst s0;
	s0 =	simm.s32 @!p2 $0x0  }
0x16: {  	s3 =	sld [smem:$0x3FDB];
	s0 =	simm.s32 @p2 $0x1  }
0x17: {  	s4 =	simm.s32 $0x1BF5;
	[smem:$0x3FB0] =	sst s0  }
0x18: {  	s0 =	sld [smem:$0x3F93];
	_ =	swait.ge [sflag:s4], $0x0  }
0x19: {  	s7 =	sld [smem:$0x3F94]  }
0x1a: {  	s8 =	sadd.s32 $0xFFFFE003, lr  }
0x1b: {  	s9 =	sadd.s32 $0xFFFFFEF7, lr;
	s5 =	simm.s32 $0xFFFFFFFF;
	p2 =	slt.u32 s8, $0xFFFFF086  }
0x1c: {  	p1 =	slt.u32 s9, $0xF7A;
	s5 =	simm.s32 @!p2 $0x0  }
0x1d: {  	s5 =	simm.s32 @p1 $0x1;
	p0 =	seq.s32 s7, s2  }
0x1e: {  	s7 =	smul.u32 @!p0 $0xF7A, s2;
	p2 =	seq.s32 @!p0 s5, $0x0  }
0x1f: {  	s9 =	smul.u32 $0xF7A, s1;
	s8 =	simm.s32 @!p0 $0x1BF5;
	p2 =	por !p2, p0  }
0x20: {  	[sflag:s8] =	ssyncset.s32 @!p0 $0xFFFFF086;
	s6 =	sadd.s32 @!p0 s3, s7;
	s7 =	simm.s32 @!p0 $0x108  }
0x21: {  	s3 =	sadd.s32 s3, s9;
	s6 =	sadd.s32 @!p0 $0x88, s6;
	s7 =	simm.s32 @p2 $0x1082  }
0x22: {  	[simem:s7], [sflag:s8] =	dma.local @!p0 [hbm:s6], $0xF7A  }
0x23: {  	s9 =	sor.u32 $0xD0000000, s2;
	s6 =	simm.s32 $0x108;
	_ =	swait.ge @!p0 [sflag:s8], $0x0  }
0x24: {  	s3 =	sadd.s32 $0x88, s3;
	s6 =	simm.s32 @!p1 $0x1082;
	[sflag:s4] =	ssyncset.s32 $0xFFFFF086  }
0x25: {  	[simem:s6], [sflag:s4] =	dma.local [hbm:s3], $0xF7A  }
0x26: {  	[smem:$0x3F94] =	sst s1;
	(tag) =	ssettag s2;
	_ =	strace s9  }
0x27: {  	s1 =	sld [smem:$0x3FA4]  }
0x28: {  	s2 =	sld [smem:$0x3FA5]  }
0x29: {  	s4 =	sld [smem:$0x3FA7]  }
0x2a: {  	p0 =	seq.s32 s5, $0x0;
	s5 =	sld [smem:$0x3FA8]  }
0x2b: {  	s6 =	sld [smem:$0x3FA9]  }
0x2c: {  	s7 =	sld [smem:$0x3FAA]  }
0x2d: {  	s3 =	simm.s32 $0x108;
	s8 =	sld [smem:$0x3FAB]  }
0x2e: {  	s3 =	simm.s32 @!p0 $0x1082;
	s9 =	sld [smem:$0x3FAC]  }
0x2f: {  	lr =	sadd.s32 s0, s3;
	s0 =	sld [smem:$0x3FA3]  }
0x30: {  	s3 =	sld [smem:$0x3FA6]  }
0x31: {  	[smem:$0x3FAF] =	sst s10  }
0x32: {  	s10 =	sld [smem:$0x3FAD];
	_ =	sdelay $0x3  }
0x33: {  	p0 =	seq.s32 s10, $0x1;
	s10 =	sld [smem:$0x3FAF];
	_ =	sdelay $0x3  }
0x34: {  	[smem:$0x3FAF] =	sst s10  }
0x35: {  	s10 =	sld [smem:$0x3FAE];
	_ =	sdelay $0x3  }
0x36: {  	p1 =	seq.s32 s10, $0x1;
	s10 =	sld [smem:$0x3FAF];
	_ =	sdelay $0x3  }
0x37: {  	[smem:$0x3FAF] =	sst s10  }
0x38: {  	s10 =	sld [smem:$0x3FB0]  }
0x39: {  	_ = 	snop;
	(pc) =	sbr.ind lr, $3  }
0x3a: {  	_ = 	snop  }
0x3b: {  	_ = 	snop  }
0x3c: {  	p2 =	seq.s32 s10, $0x1;
	s10 =	sld [smem:$0x3FAF]  }
0x3d: {  	_ =	shalt  }
0x3e: {  	_ =	shalt  }
0x3f: {  	_ =	shalt  }
0x40: {  	_ =	shalt  }
0x41: {  	_ =	shalt  }
0x42: {  	_ =	shalt  }
0x43: {  	_ =	shalt  }
0x44: {  	_ =	shalt  }
0x45: {  	_ =	shalt  }
0x46: {  	_ =	shalt  }
0x47: {  	_ =	shalt  }
0x48: {  	_ =	shalt  }
0x49: {  	_ =	shalt  }
0x4a: {  	_ =	shalt  }
0x4b: {  	_ =	shalt  }
0x4c: {  	_ =	shalt  }
0x4d: {  	_ =	shalt  }
0x4e: {  	_ =	shalt  }
0x4f: {  	_ =	shalt  }
0x50: {  	_ =	shalt  }
0x51: {  	_ =	shalt  }
0x52: {  	_ =	shalt  }
0x53: {  	_ =	shalt  }
0x54: {  	_ =	shalt  }
0x55: {  	_ =	shalt  }
0x56: {  	_ =	shalt  }
0x57: {  	_ =	shalt  }
0x58: {  	_ =	shalt  }
0x59: {  	_ =	shalt  }
0x5a: {  	_ =	shalt  }
0x5b: {  	_ =	shalt  }
0x5c: {  	_ =	shalt  }
0x5d: {  	_ =	shalt  }
0x5e: {  	_ =	shalt  }
0x5f: {  	_ =	shalt  }
0x60: {  	_ =	shalt  }
0x61: {  	_ =	shalt  }
0x62: {  	_ =	shalt  }
0x63: {  	_ =	shalt  }
0x64: {  	_ =	shalt  }
0x65: {  	_ =	shalt  }
0x66: {  	_ =	shalt  }
0x67: {  	_ =	shalt  }
0x68: {  	_ =	shalt  }
0x69: {  	_ =	shalt  }
0x6a: {  	_ =	shalt  }
0x6b: {  	_ =	shalt  }
0x6c: {  	_ =	shalt  }
0x6d: {  	_ =	shalt  }
0x6e: {  	_ =	shalt  }
0x6f: {  	_ =	shalt  }
0x70: {  	_ =	shalt  }
0x71: {  	_ =	shalt  }
0x72: {  	_ =	shalt  }
0x73: {  	_ =	shalt  }
0x74: {  	_ =	shalt  }
0x75: {  	_ =	shalt  }
0x76: {  	_ =	shalt  }
0x77: {  	_ =	shalt  }
0x78: {  	_ =	shalt  }
0x79: {  	_ =	shalt  }
0x7a: {  	_ =	shalt  }
0x7b: {  	_ =	shalt  }
0x7c: {  	_ =	shalt  }
0x7d: {  	_ =	shalt  }
0x7e: {  	_ =	shalt  }
0x7f: {  	_ =	shalt  }
0x80: {  	_ =	shalt  }
0x81: {  	_ =	shalt  }
0x82: {  	_ =	shalt  }
0x83: {  	_ =	shalt  }
0x84: {  	_ =	shalt  }
0x85: {  	_ =	shalt  }
0x86: {  	_ =	shalt  }
0x87: {  	_ =	shalt  }
.Lfunc_end0:
.L_simem_size_0:
called_computation.2_lowered:
.L_overlay_start_0:
0x88: {  	s2 =	sld [smem:$0x3FD9]  }
0x89: {  	s3 =	sld [smem:$0x3FFE];
	_ =	sdelay $0x1  }
0x8a: {  	s1 =	srdreg.scid  }
0x8b: {  	s0 =	sand.u32 $0x1, s1  }
0x8c: {  	s17 =	sshll.u32 s0, $0xA;
	s2 =	sadd.s32 s3, s2  }
0x8d: {  	s2 =	sadd.s32 s2, s17  }
0x8e: {  	[smem:$0x3FBB] =	sst s2  }
0x8f: {  	_ = 	snop  }
0x90: {  	s18 =	sld [smem:$0x3FD0];
	(tm) =	ssettm $0x1  }
0x91: {  	s19 =	sld [smem:$0x3FFB];
	_ =	sdelay $0x3  }
0x92: {  	_ =	strace s19  }
0x93: {  	s2 =	sld [smem:$0x3FFC];
	_ =	sdelay $0x3  }
0x94: {  	_ =	strace s2  }
0x95: {  	s2 =	sld [smem:$0x3FFD];
	_ =	sdelay $0x3  }
0x96: {  	_ =	strace s2  }
0x97: {  	_ =	strace $0x8FFFFFFF  }
0x98: {  	s20 =	sld [smem:$0x3FDB];
	_ =	sdelay $0x1  }
0x99: {  	s4 =	simm.s32 $_scs_section_size  }
0x9a: {  	s5 =	simm.s32 $_size__tile_overlayer_lowered;
	s6 =	simm.s32 $_tile_overlayer_lowered  }
0x9b: {  	s7 =	simm.s32 $0x1BFF;
	s21 =	sshll.u32 s6, $0x1;
	s4 =	sadd.s32 s4, s20  }
0x9c: {  	s22 =	simm.s32 $0x0;
	s5 =	sshll.u32 s5, $0x1;
	s6 =	sadd.s32 s21, s4  }
0x9d: {  	[timem:s22], [sflag:s7] =	dma.local [hbm:s6], s5  }
0x9e: {  	_ =	swait.ge [sflag:s7], s5  }
0x9f: {  	s5 =	ssub.s32 $0x0, s5;
	[sflag:s7] =	ssyncset.done $0x0  }
0xa0: {  	[sflag:s7] =	ssyncadd.s32 s5;
	_ =	sdelay $0x1  }
0xa1: {  	s23 =	simm.s32 $0x1B8B  }
0xa2: {  	_ =	swait.ge [sflag:s23], $0x1  }
0xa3: {  	[sflag:s23] =	ssyncset.done $0x0  }
0xa4: {  	[sflag:s23] =	ssyncadd.s32 $0xFFFFFFFF  }
0xa5: {  	s5 =	sld [smem:$0x0]  }
0xa6: {  	s6 =	sand.u32 $0xFFFFFFFE, s1  }
0xa7: {  	p0 =	sne.s32 s1, s6  }
0xa8: {  	s6 =	sshll.u32 @p0 s6, $0xE  }
0xa9: {  	s6 =	sadd.s32 @p0 $0x11B8D, s6;
	s7 =	sshll.u32 @p0 s5, $0x11  }
0xaa: {  	s6 =	sor.u32 @p0 s7, s6  }
0xab: {  	[sflag:s6] =	ssyncadd.remote.s32 @p0 $0x1;
	_ =	sdelay $0x1  }
0xac: {  	s6 =	simm.s32 @p0 $0x1B8D  }
0xad: {  	_ =	swait.eq @p0 [sflag:s6], $0x1  }
0xae: {  	[sflag:s6] =	ssyncadd.s32 @p0 $0xFFFFFFFF  }
0xaf: {  	s7 =	sshll.u32 @!p0 s1, $0xE  }
0xb0: {  	s7 =	sor.u32 @!p0 $0x4000, s7;
	s6 =	simm.s32 @!p0 $0x1B8D  }
0xb1: {  	s5 =	sshll.u32 @!p0 s5, $0x11;
	s7 =	sadd.s32 @!p0 $0x11B8D, s7;
	_ =	swait.eq @!p0 [sflag:s6], $0x1  }
0xb2: {  	s5 =	sor.u32 @!p0 s5, s7;
	[sflag:s6] =	ssyncadd.s32 @!p0 $0xFFFFFFFF  }
0xb3: {  	s25 =	simm.s32 $0x1B8E;
	s24 =	sld [smem:$0x3FFE];
	[sflag:s5] =	ssyncadd.remote.s32 @!p0 $0x1  }
0xb4: {  	s26 =	simm.s32 $execute0_lowered;
	[smem:$0x3FD2] =	sst s25  }
0xb5: {  	s6 =	sshll.u32 s26, $0x1;
	_ =	strace $0x8000004C;
	[dreg:$0x1] =	wrdreg $0xFFFFFFFF  }
0xb6: {  	s28 =	simm.s32 $_size_execute0_lowered;
	s4 =	sadd.s32 s4, s6;
	[dreg:$0x0] =	wrdreg $0x0  }
0xb7: {  	s6 =	sshll.u32 s28, $0x1;
	[dreg:$0x2] =	wrdreg s4  }
0xb8: {  	[dreg:$0x3] =	wrdreg s6  }
0xb9: {  	[dreg:$0x4] =	wrdreg $0xC0  }
0xba: {  	_ =	task [dreg:s22], $0x5FFFF  }
0xbb: {  	[dreg:$0x1] =	wrdreg $0xFFFFFFFF  }
0xbc: {  	[dreg:$0x0] =	wrdreg $0x60  }
0xbd: {  	[dreg:$0x2] =	wrdreg s24  }
0xbe: {  	[dreg:$0x3] =	wrdreg s18  }
0xbf: {  	[dreg:$0x4] =	wrdreg $0xD0000  }
0xc0: {  	[dreg:$0x5] =	wrdreg $0xA  }
0xc1: {  	_ =	task.clear_ibuf [dreg:s22], $0x6FFFF;
	_ =	strace $0x9000004C  }
0xc2: {  	s29 =	simm.s32 $0xA;
	_ =	strace $0x8000004E  }
0xc3: {  	_ =	swait.ge [sflag:s29], $0x1  }
0xc4: {  	[sflag:s29] =	ssyncadd.s32 $0xFFFFFFFF  }
0xc5: {  	_ =	strace $0x9000004E  }
0xc6: {  	_ =	sfence  }
0xc7: {  	s30 =	sld [smem:$0x0];
	_ =	sdelay $0x2  }
0xc8: {  	s31 =	sshll.u32 s1, $0xD;
	s1 =	sshrl.u32 s1, $0x2  }
0xc9: {  	s4 =	sand.u32 $0x4000, s31;
	s1 =	sadd.s32 s1, s30  }
0xca: {  	s0 =	sor.u32 s4, s0;
	s1 =	sshll.u32 s1, $0x11  }
0xcb: {  	s0 =	sor.u32 s1, s0  }
0xcc: {  	s0 =	sadd.s32 $0x8F2B, s0  }
0xcd: {  	[sflag:s0] =	ssyncadd.remote.s32 $0x1  }
0xce: {  	_ =	sfence.sel $0xFFFF  }
0xcf: {  	[dreg:$0x0] =	wrdreg $0xFFFFFFFF;
	(pc) =	sbr.abs _section_cstart, $3  }
0xd0: {  	[dreg:$0x1] =	wrdreg $0xFFFFFFFF  }
0xd1: {  	_ =	task.clear_ibuf [dreg:s22], $0x2FFFF;
	_ =	strace $0x9FFFFFFF  }
0xd2: {  	(tm) =	ssettm $0x7FFFFFFF  }
0xd3: {  	_ =	shalt  }
tec
execute0_lowered:
.L_overlay_start_1:
0x0: {  	(tag) =	ssettag $0x1  }
0x1: {  	s0 =	rddreg [dreg:$0x0]  }
0x2: {  	s10 =	stileid.u32;
	s1 =	srdreg.scid  }
0x3: {  	s3 =	rddreg [dreg:$0x2];
	s2 =	smul.u32 $0xC800, s10  }
0x4: {  	s4 =	simm.s32 $0x0;
	s14 =	simm.s32 $0x300;
	s6 =	smul.u32 $0x1900, s10  }
0x5: {  	s17 =	simm.s32 $0x400;
	s28 =	simm.s32 $0xB000;
	s8 =	smul.u32 $0x1A00, s10  }
0x6: {  	s29 =	simm.s32 $0x3;
	s30 =	simm.s32 $0x7;
	s18 =	smul.u32 $0x38000, s10  }
0x7: {  	s31 =	simm.s32 $0x4;
	s1 =	sand.u32 $0x1, s1;
	s9 =	smul.u32 $0x34000, s10  }
0x8: {  	[smem:$0x7FF] =	sst s4;
	s21 =	sshll.u32 s10, $0x6;
	s5 =	smul.u32 $0xC8000, s1  }
0x9: {  	s10 =	simm.s32 $0xD;
	s7 =	smul.u32 $0x1A000, s1;
	_ =	strace $0x8000004D  }
0xa: {  	s1 =	ssub.s32 $0x2, s1;
	s16 =	sor.u32 $0x1C0D, s21;
	[dreg:$0x7] =	wrdreg s14  }
0xb: {  	[dreg:$0x8] =	wrdreg s17;
	s21 =	simm.s32 $0x500;
	s17 =	simm.s32 $0x800  }
0xc: {  	s14 =	simm.s32 $0xB;
	s6 =	sadd.s32 s6, s0;
	s19 =	sshrl.u32 s1, $0x1  }
0xd: {  	s20 =	sshrl.u32 s18, $0x2;
	s22 =	sshrl.u32 s9, $0x2;
	[dreg:$0xa] =	wrdreg s21  }
0xe: {  	s21 =	simm.s32 $0x5000;
	[dreg:$0x10] =	wrdreg s16;
	s2 =	sadd.s32 s5, s2  }
0xf: {  	s5 =	sadd.s32 $0x9FA00, s0;
	s7 =	sadd.s32 s8, s7;
	s26 =	sadd.s32 $0x114A00, s6  }
0x10: {  	s1 =	ssub.s32 s1, s19;
	s8 =	simm.s32 $0x200;
	[dreg:$0x5] =	wrdreg s26  }
0x11: {  	s19 =	simm.s32 $0x900;
	s2 =	sshrl.u32 s2, $0x3;
	[dreg:$0x6] =	wrdreg s8  }
0x12: {  	s1 =	smax.u32 s1, $0x1;
	[dreg:$0x9] =	wrdreg s19;
	s19 =	simm.s32 $0x1000  }
0x13: {  	s26 =	simm.s32 $0xC00;
	s2 =	sadd.s32 s2, s0;
	[dreg:$0x12] =	wrdreg s1  }
0x14: {  	s0 =	sadd.s32 s7, s0;
	s7 =	sadd.s32 s20, s3;
	[dreg:$0xf] =	wrdreg s26  }
0x15: {  	s0 =	sadd.s32 $0xD3A00, s0;
	s23 =	sadd.s32 $0x2000, s7;
	s24 =	sadd.s32 $0x4000, s7  }
0x16: {  	s25 =	sadd.s32 $0x6000, s7;
	s2 =	sadd.s32 $0x5A00, s2;
	[dreg:$0x11] =	wrdreg s0  }
0x17: {  	s11 =	sadd.s32 $0x8000, s7;
	s6 =	sshrl.u32 s7, $0x3;
	[dreg:$0x4] =	wrdreg s2  }
0x18: {  	s12 =	sadd.s32 $0xA000, s7;
	[dreg:$0x13] =	wrdreg s6;
	s1 =	sshrl.u32 s23, $0x3  }
0x19: {  	s13 =	sadd.s32 $0xC000, s7;
	s7 =	sshrl.u32 s24, $0x3;
	[dreg:$0x14] =	wrdreg s1  }
0x1a: {  	s8 =	simm.s32 $0xD00;
	s9 =	sshrl.u32 s25, $0x3;
	[dreg:$0x15] =	wrdreg s7  }
0x1b: {  	s26 =	simm.s32 $0x2;
	s15 =	sshrl.u32 s11, $0x3;
	[dreg:$0x16] =	wrdreg s9  }
0x1c: {  	s0 =	sadd.s32 s22, s3;
	s18 =	sshrl.u32 s12, $0x3;
	[dreg:$0x17] =	wrdreg s15  }
0x1d: {  	s20 =	sshrl.u32 s13, $0x3;
	s22 =	simm.s32 $0xA00;
	[dreg:$0x18] =	wrdreg s18  }
0x1e: {  	s23 =	simm.s32 $0x600;
	s24 =	simm.s32 $0xB00;
	[dreg:$0x19] =	wrdreg s20  }
0x1f: {  	s25 =	simm.s32 $0x700;
	s11 =	simm.s32 $0xF00;
	[dreg:$0xb] =	wrdreg s22  }
0x20: {  	s12 =	simm.s32 $0x9;
	s13 =	simm.s32 $0xA;
	[dreg:$0xc] =	wrdreg s23  }
0x21: {  	s6 =	simm.s32 $0x0;
	s18 =	simm.s32 $0x100;
	[dreg:$0xd] =	wrdreg s24  }
0x22: {  	s20 =	simm.s32 $0x3000;
	[dreg:$0xe] =	wrdreg s25;
	s22 =	simm.s32 $0x7000  }
0x23: {  	s23 =	simm.s32 $0x1;
	s24 =	simm.s32 $0x9000;
	s0 =	sshrl.u32 s0, $0x3  }
0x24: {  	s1 =	simm.s32 $0x8;
	s7 =	simm.s32 $0x6;
	s9 =	simm.s32 $0xE00  }
0x25: {  	s15 =	simm.s32 $0xC;
	[dreg:$0x1a] =	wrdreg s0;
	s0 =	simm.s32 $0x5  }
.LBB2_1:
0x26: {  	[dreg:$0x1b] =	wrdreg s6  }
0x27: {  	s2 =	rddreg [dreg:$0x1]  }
0x28: {  	s25 =	rddreg [dreg:$0x13]  }
0x29: {  	[spmem:s25], [sflag:s16] =	dma.local [hbm:s2], $0x400  }
0x2a: {  	_ =	swait.ge [sflag:s10], $0x400  }
0x2b: {  	[sflag:s10] =	ssyncset.done $0x0  }
0x2c: {  	s25 =	rddreg [dreg:$0x14];
	[sflag:s10] =	ssyncadd.s32 $0xFFFFFC00  }
0x2d: {  	[spmem:s25], [sflag:s16] =	dma.local [hbm:s2], $0x400  }
0x2e: {  	_ =	swait.ge [sflag:s10], $0x400  }
0x2f: {  	[sflag:s10] =	ssyncset.done $0x0  }
0x30: {  	s25 =	rddreg [dreg:$0x15];
	[sflag:s10] =	ssyncadd.s32 $0xFFFFFC00  }
0x31: {  	[spmem:s25], [sflag:s16] =	dma.local [hbm:s2], $0x400  }
0x32: {  	_ =	swait.ge [sflag:s10], $0x400  }
0x33: {  	[sflag:s10] =	ssyncset.done $0x0  }
0x34: {  	s25 =	rddreg [dreg:$0x16];
	[sflag:s10] =	ssyncadd.s32 $0xFFFFFC00  }
0x35: {  	[spmem:s25], [sflag:s16] =	dma.local [hbm:s2], $0x400  }
0x36: {  	_ =	swait.ge [sflag:s10], $0x400  }
0x37: {  	[sflag:s10] =	ssyncset.done $0x0  }
0x38: {  	s25 =	rddreg [dreg:$0x17];
	[sflag:s10] =	ssyncadd.s32 $0xFFFFFC00  }
0x39: {  	[spmem:s25], [sflag:s16] =	dma.local [hbm:s2], $0x400  }
0x3a: {  	_ =	swait.ge [sflag:s10], $0x400  }
0x3b: {  	[sflag:s10] =	ssyncset.done $0x0  }
0x3c: {  	s25 =	rddreg [dreg:$0x18];
	[sflag:s10] =	ssyncadd.s32 $0xFFFFFC00  }
0x3d: {  	[spmem:s25], [sflag:s16] =	dma.local [hbm:s2], $0x400  }
0x3e: {  	_ =	swait.ge [sflag:s10], $0x400  }
0x3f: {  	[sflag:s10] =	ssyncset.done $0x0  }
0x40: {  	s25 =	rddreg [dreg:$0x19];
	[sflag:s10] =	ssyncadd.s32 $0xFFFFFC00  }
0x41: {  	[spmem:s25], [sflag:s16] =	dma.local [hbm:s2], $0x400  }
0x42: {  	_ =	swait.ge [sflag:s10], $0x400  }
0x43: {  	[sflag:s10] =	ssyncset.done $0x0  }
0x44: {  	[sflag:s10] =	ssyncadd.s32 $0xFFFFFC00  }
0x45: {  	[bflag:$0x0] =	sbarrier.arrive $0xFFFF  }
0x46: {  	s25 =	rddreg [dreg:$0x5]  }
0x47: {  	s2 =	sadd.s32 $0x0, s25  }
0x48: {  	[tilespmem:s4], [sflag:$0xD] =	stream.linear.gather [hbm4b:s2+s4], $0x800, $0x38;
	[tilespmem:$0x1B000] =	vst v63  }
0x49: {  	_ =	swait.ge [sflag:s10], $0x800  }
0x4a: {  	s6 =	rddreg [dreg:$0x4];
	[sflag:s10] =	ssyncset.done $0x0  }
0x4b: {  	[sflag:s10] =	ssyncadd.s32 $0xFFFFF800;
	s2 =	sadd.s32 $0x0, s6  }
0x4c: {  	[tilespmem:s17], [sflag:$0xD] =	stream.linear.gather [hbm4b:s2+s4], $0x800, $0x38;
	[tilespmem:$0x1B000] =	vst v63  }
0x4d: {  	_ =	swait.ge [sflag:s10], $0x800  }
0x4e: {  	[sflag:s10] =	ssyncset.done $0x0  }
0x4f: {  	[sflag:s10] =	ssyncadd.s32 $0xFFFFF800  }
0x50: {  	[tilespmem:s19], [sflag:$0x1] =	stream.indirect.gather [hbm4b:s5+s18], $0x20, s4, s18, $0xb8;
	[tilespmem:$0x1B000] =	vst v63  }
0x51: {  	_ = 	snop  }
0x52: {  	[tilespmem:s20], [sflag:$0x2] =	stream.indirect.gather [hbm4b:s5+s18], $0x20, s18, s18, $0xb8;
	[tilespmem:$0x1B000] =	vst v63  }
0x53: {  	s16 =	rddreg [dreg:$0x6]  }
0x54: {  	[tilespmem:s21], [sflag:$0x3] =	stream.indirect.gather [hbm4b:s5+s18], $0x20, s16, s18, $0xb8;
	[tilespmem:$0x1B000] =	vst v63  }
0x55: {  	s25 =	rddreg [dreg:$0x7]  }
0x56: {  	[tilespmem:s22], [sflag:$0x4] =	stream.indirect.gather [hbm4b:s5+s18], $0x20, s25, s18, $0xb8;
	[tilespmem:$0x1B000] =	vst v63  }
0x57: {  	_ =	swait.ge [sflag:s23], $0x2000  }
0x58: {  	[sflag:s23] =	ssyncset.done $0x0  }
0x59: {  	[sflag:s23] =	ssyncadd.s32 $0xFFFFE000  }
0x5a: {  	[spmem:s3] =	stream.indirect.scatter.add.f32 [tilespmem:s19], [sflag:$0x7], $0x20, s17, s18, $0xb8;
	[tilespmem:$0x1B000] =	vst v63  }
0x5b: {  	s6 =	rddreg [dreg:$0x8]  }
0x5c: {  	[tilespmem:s24], [sflag:$0x5] =	stream.indirect.gather [hbm4b:s5+s18], $0x20, s6, s18, $0xb8;
	[tilespmem:$0x1B000] =	vst v63  }
0x5d: {  	_ =	swait.ge [sflag:s26], $0x2000  }
0x5e: {  	[sflag:s26] =	ssyncset.done $0x0  }
0x5f: {  	s16 =	rddreg [dreg:$0x9];
	[sflag:s26] =	ssyncadd.s32 $0xFFFFE000  }
0x60: {  	[spmem:s3] =	stream.indirect.scatter.add.f32 [tilespmem:s20], [sflag:$0x8], $0x20, s16, s18, $0xb8;
	[tilespmem:$0x1B000] =	vst v63  }
0x61: {  	s25 =	rddreg [dreg:$0xa]  }
0x62: {  	[tilespmem:s28], [sflag:$0x6] =	stream.indirect.gather [hbm4b:s5+s18], $0x20, s25, s18, $0xb8;
	[tilespmem:$0x1B000] =	vst v63  }
0x63: {  	_ =	swait.ge [sflag:s29], $0x2000  }
0x64: {  	[sflag:s29] =	ssyncset.done $0x0  }
0x65: {  	s16 =	rddreg [dreg:$0xb];
	[sflag:s29] =	ssyncadd.s32 $0xFFFFE000  }
0x66: {  	[spmem:s3] =	stream.indirect.scatter.add.f32 [tilespmem:s21], [sflag:$0x9], $0x20, s16, s18, $0xb8;
	[tilespmem:$0x1B000] =	vst v63  }
0x67: {  	_ =	swait.ge [sflag:s30], $0x2000  }
0x68: {  	[sflag:s30] =	ssyncset.done $0x0  }
0x69: {  	s25 =	rddreg [dreg:$0xc];
	[sflag:s30] =	ssyncadd.s32 $0xFFFFE000  }
0x6a: {  	[tilespmem:s19], [sflag:$0x1] =	stream.indirect.gather [hbm4b:s5+s18], $0x20, s25, s18, $0xb8;
	[tilespmem:$0x1B000] =	vst v63  }
0x6b: {  	_ =	swait.ge [sflag:s31], $0x2000  }
0x6c: {  	[sflag:s31] =	ssyncset.done $0x0  }
0x6d: {  	s6 =	rddreg [dreg:$0xd];
	[sflag:s31] =	ssyncadd.s32 $0xFFFFE000  }
0x6e: {  	[spmem:s3] =	stream.indirect.scatter.add.f32 [tilespmem:s22], [sflag:$0xA], $0x20, s6, s18, $0xb8;
	[tilespmem:$0x1B000] =	vst v63  }
0x6f: {  	_ =	swait.ge [sflag:s1], $0x2000  }
0x70: {  	[sflag:s1] =	ssyncset.done $0x0  }
0x71: {  	s16 =	rddreg [dreg:$0xe];
	[sflag:s1] =	ssyncadd.s32 $0xFFFFE000  }
0x72: {  	[tilespmem:s20], [sflag:$0x2] =	stream.indirect.gather [hbm4b:s5+s18], $0x20, s16, s18, $0xb8;
	[tilespmem:$0x1B000] =	vst v63  }
0x73: {  	_ =	swait.ge [sflag:s0], $0x2000  }
0x74: {  	[sflag:s0] =	ssyncset.done $0x0  }
0x75: {  	s25 =	rddreg [dreg:$0xf];
	[sflag:s0] =	ssyncadd.s32 $0xFFFFE000  }
0x76: {  	[spmem:s3] =	stream.indirect.scatter.add.f32 [tilespmem:s24], [sflag:$0xB], $0x20, s25, s18, $0xb8;
	[tilespmem:$0x1B000] =	vst v63  }
0x77: {  	_ =	swait.ge [sflag:s7], $0x2000  }
0x78: {  	[sflag:s7] =	ssyncset.done $0x0  }
0x79: {  	[sflag:s7] =	ssyncadd.s32 $0xFFFFE000  }
0x7a: {  	[spmem:s3] =	stream.indirect.scatter.add.f32 [tilespmem:s28], [sflag:$0xC], $0x20, s8, s18, $0xb8;
	[tilespmem:$0x1B000] =	vst v63  }
0x7b: {  	_ =	swait.ge [sflag:s23], $0x2000  }
0x7c: {  	[sflag:s23] =	ssyncset.done $0x0  }
0x7d: {  	[sflag:s23] =	ssyncadd.s32 $0xFFFFE000  }
0x7e: {  	[spmem:s3] =	stream.indirect.scatter.add.f32 [tilespmem:s19], [sflag:$0x7], $0x20, s9, s18, $0xb8;
	[tilespmem:$0x1B000] =	vst v63  }
0x7f: {  	_ =	swait.ge [sflag:s26], $0x2000  }
0x80: {  	[sflag:s26] =	ssyncset.done $0x0  }
0x81: {  	[sflag:s26] =	ssyncadd.s32 $0xFFFFE000  }
0x82: {  	[spmem:s3] =	stream.indirect.scatter.add.f32 [tilespmem:s20], [sflag:$0x8], $0x20, s11, s18, $0xb8;
	[tilespmem:$0x1B000] =	vst v63  }
0x83: {  	_ =	swait.ge [sflag:s12], $0x2000  }
0x84: {  	[sflag:s12] =	ssyncset.done $0x0  }
0x85: {  	[sflag:s12] =	ssyncadd.s32 $0xFFFFE000  }
0x86: {  	_ =	swait.ge [sflag:s13], $0x2000  }
0x87: {  	[sflag:s13] =	ssyncset.done $0x0  }
0x88: {  	[sflag:s13] =	ssyncadd.s32 $0xFFFFE000  }
0x89: {  	_ =	swait.ge [sflag:s14], $0x2000  }
0x8a: {  	[sflag:s14] =	ssyncset.done $0x0  }
0x8b: {  	[sflag:s14] =	ssyncadd.s32 $0xFFFFE000  }
0x8c: {  	_ =	swait.ge [sflag:s15], $0x2000  }
0x8d: {  	[sflag:s15] =	ssyncset.done $0x0  }
0x8e: {  	[sflag:s15] =	ssyncadd.s32 $0xFFFFE000  }
0x8f: {  	_ =	swait.ge [sflag:s30], $0x2000  }
0x90: {  	[sflag:s30] =	ssyncset.done $0x0  }
0x91: {  	[sflag:s30] =	ssyncadd.s32 $0xFFFFE000  }
0x92: {  	s2 =	simm.s32 $0x200;
	_ =	swait.ge [sflag:s1], $0x2000  }
0x93: {  	s25 =	simm.s32 $0x100;
	s6 =	rddreg [dreg:$0x5];
	[sflag:s1] =	ssyncset.done $0x0  }
.LBB2_2:
0x94: {  	[sflag:s1] =	ssyncadd.s32 $0xFFFFE000;
	s6 =	sadd.s32 s25, s6  }
0x95: {  	[tilespmem:s4], [sflag:$0xD] =	stream.linear.gather [hbm4b:s6+s4], $0x800, $0x38;
	[tilespmem:$0x1B000] =	vst v63  }
0x96: {  	_ =	swait.ge [sflag:s10], $0x800  }
0x97: {  	s6 =	rddreg [dreg:$0x4];
	[sflag:s10] =	ssyncset.done $0x0  }
0x98: {  	[sflag:s10] =	ssyncadd.s32 $0xFFFFF800;
	s6 =	sadd.s32 s25, s6  }
0x99: {  	[tilespmem:s17], [sflag:$0xD] =	stream.linear.gather [hbm4b:s6+s4], $0x800, $0x38;
	[tilespmem:$0x1B000] =	vst v63  }
0x9a: {  	_ =	swait.ge [sflag:s10], $0x800  }
0x9b: {  	[sflag:s10] =	ssyncset.done $0x0  }
0x9c: {  	[sflag:s10] =	ssyncadd.s32 $0xFFFFF800  }
0x9d: {  	[tilespmem:s19], [sflag:$0x1] =	stream.indirect.gather [hbm4b:s5+s18], $0x20, s4, s18, $0xb8;
	[tilespmem:$0x1B000] =	vst v63  }
0x9e: {  	_ = 	snop  }
0x9f: {  	[tilespmem:s20], [sflag:$0x2] =	stream.indirect.gather [hbm4b:s5+s18], $0x20, s18, s18, $0xb8;
	[tilespmem:$0x1B000] =	vst v63  }
0xa0: {  	s16 =	smov.u32 s2;
	s6 =	rddreg [dreg:$0x6]  }
0xa1: {  	[tilespmem:s21], [sflag:$0x3] =	stream.indirect.gather [hbm4b:s5+s18], $0x20, s6, s18, $0xb8;
	[tilespmem:$0x1B000] =	vst v63  }
0xa2: {  	s25 =	smov.u32 s16;
	s16 =	rddreg [dreg:$0x7]  }
0xa3: {  	[tilespmem:s22], [sflag:$0x4] =	stream.indirect.gather [hbm4b:s5+s18], $0x20, s16, s18, $0xb8;
	[tilespmem:$0x1B000] =	vst v63  }
0xa4: {  	_ =	swait.ge [sflag:s23], $0x2000  }
0xa5: {  	[sflag:s23] =	ssyncset.done $0x0  }
0xa6: {  	[sflag:s23] =	ssyncadd.s32 $0xFFFFE000  }
0xa7: {  	[spmem:s3] =	stream.indirect.scatter.add.f32 [tilespmem:s19], [sflag:$0x7], $0x20, s17, s18, $0xb8;
	[tilespmem:$0x1B000] =	vst v63  }
0xa8: {  	s16 =	rddreg [dreg:$0x8]  }
0xa9: {  	[tilespmem:s24], [sflag:$0x5] =	stream.indirect.gather [hbm4b:s5+s18], $0x20, s16, s18, $0xb8;
	[tilespmem:$0x1B000] =	vst v63  }
0xaa: {  	_ =	swait.ge [sflag:s26], $0x2000  }
0xab: {  	[sflag:s26] =	ssyncset.done $0x0  }
0xac: {  	s6 =	rddreg [dreg:$0x9];
	[sflag:s26] =	ssyncadd.s32 $0xFFFFE000  }
0xad: {  	[spmem:s3] =	stream.indirect.scatter.add.f32 [tilespmem:s20], [sflag:$0x8], $0x20, s6, s18, $0xb8;
	[tilespmem:$0x1B000] =	vst v63  }
0xae: {  	s16 =	rddreg [dreg:$0xa]  }
0xaf: {  	[tilespmem:s28], [sflag:$0x6] =	stream.indirect.gather [hbm4b:s5+s18], $0x20, s16, s18, $0xb8;
	[tilespmem:$0x1B000] =	vst v63  }
0xb0: {  	_ =	swait.ge [sflag:s29], $0x2000  }
0xb1: {  	[sflag:s29] =	ssyncset.done $0x0  }
0xb2: {  	s16 =	rddreg [dreg:$0xb];
	[sflag:s29] =	ssyncadd.s32 $0xFFFFE000  }
0xb3: {  	[spmem:s3] =	stream.indirect.scatter.add.f32 [tilespmem:s21], [sflag:$0x9], $0x20, s16, s18, $0xb8;
	[tilespmem:$0x1B000] =	vst v63  }
0xb4: {  	_ =	swait.ge [sflag:s30], $0x2000  }
0xb5: {  	[sflag:s30] =	ssyncset.done $0x0  }
0xb6: {  	s16 =	rddreg [dreg:$0xc];
	[sflag:s30] =	ssyncadd.s32 $0xFFFFE000  }
0xb7: {  	[tilespmem:s19], [sflag:$0x1] =	stream.indirect.gather [hbm4b:s5+s18], $0x20, s16, s18, $0xb8;
	[tilespmem:$0x1B000] =	vst v63  }
0xb8: {  	_ =	swait.ge [sflag:s31], $0x2000  }
0xb9: {  	[sflag:s31] =	ssyncset.done $0x0  }
0xba: {  	s16 =	rddreg [dreg:$0xd];
	[sflag:s31] =	ssyncadd.s32 $0xFFFFE000  }
0xbb: {  	[spmem:s3] =	stream.indirect.scatter.add.f32 [tilespmem:s22], [sflag:$0xA], $0x20, s16, s18, $0xb8;
	[tilespmem:$0x1B000] =	vst v63  }
0xbc: {  	_ =	swait.ge [sflag:s1], $0x2000  }
0xbd: {  	[sflag:s1] =	ssyncset.done $0x0  }
0xbe: {  	s16 =	rddreg [dreg:$0xe];
	[sflag:s1] =	ssyncadd.s32 $0xFFFFE000  }
0xbf: {  	[tilespmem:s20], [sflag:$0x2] =	stream.indirect.gather [hbm4b:s5+s18], $0x20, s16, s18, $0xb8;
	[tilespmem:$0x1B000] =	vst v63  }
0xc0: {  	_ =	swait.ge [sflag:s0], $0x2000  }
0xc1: {  	[sflag:s0] =	ssyncset.done $0x0  }
0xc2: {  	s16 =	rddreg [dreg:$0xf];
	[sflag:s0] =	ssyncadd.s32 $0xFFFFE000  }
0xc3: {  	[spmem:s3] =	stream.indirect.scatter.add.f32 [tilespmem:s24], [sflag:$0xB], $0x20, s16, s18, $0xb8;
	[tilespmem:$0x1B000] =	vst v63  }
0xc4: {  	_ =	swait.ge [sflag:s7], $0x2000  }
0xc5: {  	[sflag:s7] =	ssyncset.done $0x0  }
0xc6: {  	[sflag:s7] =	ssyncadd.s32 $0xFFFFE000  }
0xc7: {  	[spmem:s3] =	stream.indirect.scatter.add.f32 [tilespmem:s28], [sflag:$0xC], $0x20, s8, s18, $0xb8;
	[tilespmem:$0x1B000] =	vst v63  }
0xc8: {  	_ =	swait.ge [sflag:s23], $0x2000  }
0xc9: {  	[sflag:s23] =	ssyncset.done $0x0  }
0xca: {  	[sflag:s23] =	ssyncadd.s32 $0xFFFFE000  }
0xcb: {  	[spmem:s3] =	stream.indirect.scatter.add.f32 [tilespmem:s19], [sflag:$0x7], $0x20, s9, s18, $0xb8;
	[tilespmem:$0x1B000] =	vst v63  }
0xcc: {  	_ =	swait.ge [sflag:s26], $0x2000  }
0xcd: {  	[sflag:s26] =	ssyncset.done $0x0  }
0xce: {  	[sflag:s26] =	ssyncadd.s32 $0xFFFFE000  }
0xcf: {  	[spmem:s3] =	stream.indirect.scatter.add.f32 [tilespmem:s20], [sflag:$0x8], $0x20, s11, s18, $0xb8;
	[tilespmem:$0x1B000] =	vst v63  }
0xd0: {  	_ =	swait.ge [sflag:s12], $0x2000  }
0xd1: {  	[sflag:s12] =	ssyncset.done $0x0  }
0xd2: {  	[sflag:s12] =	ssyncadd.s32 $0xFFFFE000  }
0xd3: {  	_ =	swait.ge [sflag:s13], $0x2000  }
0xd4: {  	[sflag:s13] =	ssyncset.done $0x0  }
0xd5: {  	[sflag:s13] =	ssyncadd.s32 $0xFFFFE000  }
0xd6: {  	_ =	swait.ge [sflag:s14], $0x2000  }
0xd7: {  	[sflag:s14] =	ssyncset.done $0x0  }
0xd8: {  	[sflag:s14] =	ssyncadd.s32 $0xFFFFE000  }
0xd9: {  	_ =	swait.ge [sflag:s15], $0x2000  }
0xda: {  	[sflag:s15] =	ssyncset.done $0x0  }
0xdb: {  	p0 =	sne.s32 s2, $0x1800;
	[sflag:s15] =	ssyncadd.s32 $0xFFFFE000  }
.Ltmp0:
0xdc: {  	_ =	swait.ge [sflag:s30], $0x2000;
	(pc) =	sbr.rel @p0 .LBB2_2-.Ltmp0, $4  }
0xdd: {  	[sflag:s30] =	ssyncset.done $0x0  }
0xde: {  	[sflag:s30] =	ssyncadd.s32 $0xFFFFE000  }
0xdf: {  	_ =	swait.ge [sflag:s1], $0x2000  }
0xe0: {  	s2 =	sadd.s32 $0x100, s2;
	s6 =	rddreg [dreg:$0x5];
	[sflag:s1] =	ssyncset.done $0x0  }
0xe1: {  	[sflag:s1] =	ssyncadd.s32 $0xFFFFE000;
	s2 =	sadd.s32 s25, s6  }
0xe2: {  	[tilespmem:s4], [sflag:$0xD] =	stream.linear.gather [hbm4b:s2+s4], $0x800, $0x38;
	[tilespmem:$0x1B000] =	vst v63  }
0xe3: {  	_ =	swait.ge [sflag:s10], $0x800  }
0xe4: {  	s6 =	rddreg [dreg:$0x4];
	[sflag:s10] =	ssyncset.done $0x0  }
0xe5: {  	[sflag:s10] =	ssyncadd.s32 $0xFFFFF800;
	s2 =	sadd.s32 s25, s6  }
0xe6: {  	[tilespmem:s17], [sflag:$0xD] =	stream.linear.gather [hbm4b:s2+s4], $0x800, $0x38;
	[tilespmem:$0x1B000] =	vst v63  }
0xe7: {  	_ =	swait.ge [sflag:s10], $0x800  }
0xe8: {  	[sflag:s10] =	ssyncset.done $0x0  }
0xe9: {  	[sflag:s10] =	ssyncadd.s32 $0xFFFFF800  }
0xea: {  	[tilespmem:s19], [sflag:$0x1] =	stream.indirect.gather [hbm4b:s5+s18], $0x20, s4, s18, $0xb8;
	[tilespmem:$0x1B000] =	vst v63  }
0xeb: {  	_ = 	snop  }
0xec: {  	[tilespmem:s20], [sflag:$0x2] =	stream.indirect.gather [hbm4b:s5+s18], $0x20, s18, s18, $0xb8;
	[tilespmem:$0x1B000] =	vst v63  }
0xed: {  	s16 =	rddreg [dreg:$0x6]  }
0xee: {  	[tilespmem:s21], [sflag:$0x3] =	stream.indirect.gather [hbm4b:s5+s18], $0x20, s16, s18, $0xb8;
	[tilespmem:$0x1B000] =	vst v63  }
0xef: {  	s25 =	rddreg [dreg:$0x7]  }
0xf0: {  	[tilespmem:s22], [sflag:$0x4] =	stream.indirect.gather [hbm4b:s5+s18], $0x20, s25, s18, $0xb8;
	[tilespmem:$0x1B000] =	vst v63  }
0xf1: {  	_ =	swait.ge [sflag:s23], $0x2000  }
0xf2: {  	[sflag:s23] =	ssyncset.done $0x0  }
0xf3: {  	[sflag:s23] =	ssyncadd.s32 $0xFFFFE000  }
0xf4: {  	[spmem:s3] =	stream.indirect.scatter.add.f32 [tilespmem:s19], [sflag:$0x7], $0x20, s17, s18, $0xb8;
	[tilespmem:$0x1B000] =	vst v63  }
0xf5: {  	s6 =	rddreg [dreg:$0x8]  }
0xf6: {  	[tilespmem:s24], [sflag:$0x5] =	stream.indirect.gather [hbm4b:s5+s18], $0x20, s6, s18, $0xb8;
	[tilespmem:$0x1B000] =	vst v63  }
0xf7: {  	_ =	swait.ge [sflag:s26], $0x2000  }
0xf8: {  	[sflag:s26] =	ssyncset.done $0x0  }
0xf9: {  	s16 =	rddreg [dreg:$0x9];
	[sflag:s26] =	ssyncadd.s32 $0xFFFFE000  }
0xfa: {  	[spmem:s3] =	stream.indirect.scatter.add.f32 [tilespmem:s20], [sflag:$0x8], $0x20, s16, s18, $0xb8;
	[tilespmem:$0x1B000] =	vst v63  }
0xfb: {  	s25 =	rddreg [dreg:$0xa]  }
0xfc: {  	[tilespmem:s28], [sflag:$0x6] =	stream.indirect.gather [hbm4b:s5+s18], $0x20, s25, s18, $0xb8;
	[tilespmem:$0x1B000] =	vst v63  }
0xfd: {  	_ =	swait.ge [sflag:s29], $0x2000  }
0xfe: {  	[sflag:s29] =	ssyncset.done $0x0  }
0xff: {  	s16 =	rddreg [dreg:$0xb];
	[sflag:s29] =	ssyncadd.s32 $0xFFFFE000  }
0x100: {  	[spmem:s3] =	stream.indirect.scatter.add.f32 [tilespmem:s21], [sflag:$0x9], $0x20, s16, s18, $0xb8;
	[tilespmem:$0x1B000] =	vst v63  }
0x101: {  	_ =	swait.ge [sflag:s30], $0x2000  }
0x102: {  	[sflag:s30] =	ssyncset.done $0x0  }
0x103: {  	s25 =	rddreg [dreg:$0xc];
	[sflag:s30] =	ssyncadd.s32 $0xFFFFE000  }
0x104: {  	[tilespmem:s19], [sflag:$0x1] =	stream.indirect.gather [hbm4b:s5+s18], $0x20, s25, s18, $0xb8;
	[tilespmem:$0x1B000] =	vst v63  }
0x105: {  	_ =	swait.ge [sflag:s31], $0x2000  }
0x106: {  	[sflag:s31] =	ssyncset.done $0x0  }
0x107: {  	s6 =	rddreg [dreg:$0xd];
	[sflag:s31] =	ssyncadd.s32 $0xFFFFE000  }
0x108: {  	[spmem:s3] =	stream.indirect.scatter.add.f32 [tilespmem:s22], [sflag:$0xA], $0x20, s6, s18, $0xb8;
	[tilespmem:$0x1B000] =	vst v63  }
0x109: {  	_ =	swait.ge [sflag:s1], $0x2000  }
0x10a: {  	[sflag:s1] =	ssyncset.done $0x0  }
0x10b: {  	s16 =	rddreg [dreg:$0xe];
	[sflag:s1] =	ssyncadd.s32 $0xFFFFE000  }
0x10c: {  	[tilespmem:s20], [sflag:$0x2] =	stream.indirect.gather [hbm4b:s5+s18], $0x20, s16, s18, $0xb8;
	[tilespmem:$0x1B000] =	vst v63  }
0x10d: {  	_ =	swait.ge [sflag:s0], $0x2000  }
0x10e: {  	[sflag:s0] =	ssyncset.done $0x0  }
0x10f: {  	s25 =	rddreg [dreg:$0xf];
	[sflag:s0] =	ssyncadd.s32 $0xFFFFE000  }
0x110: {  	[spmem:s3] =	stream.indirect.scatter.add.f32 [tilespmem:s24], [sflag:$0xB], $0x20, s25, s18, $0xb8;
	[tilespmem:$0x1B000] =	vst v63  }
0x111: {  	_ =	swait.ge [sflag:s7], $0x2000  }
0x112: {  	[sflag:s7] =	ssyncset.done $0x0  }
0x113: {  	[sflag:s7] =	ssyncadd.s32 $0xFFFFE000  }
0x114: {  	[spmem:s3] =	stream.indirect.scatter.add.f32 [tilespmem:s28], [sflag:$0xC], $0x20, s8, s18, $0xb8;
	[tilespmem:$0x1B000] =	vst v63  }
0x115: {  	_ =	swait.ge [sflag:s23], $0x2000  }
0x116: {  	[sflag:s23] =	ssyncset.done $0x0  }
0x117: {  	[sflag:s23] =	ssyncadd.s32 $0xFFFFE000  }
0x118: {  	[spmem:s3] =	stream.indirect.scatter.add.f32 [tilespmem:s19], [sflag:$0x7], $0x20, s9, s18, $0xb8;
	[tilespmem:$0x1B000] =	vst v63  }
0x119: {  	_ =	swait.ge [sflag:s26], $0x2000  }
0x11a: {  	[sflag:s26] =	ssyncset.done $0x0  }
0x11b: {  	[sflag:s26] =	ssyncadd.s32 $0xFFFFE000  }
0x11c: {  	[spmem:s3] =	stream.indirect.scatter.add.f32 [tilespmem:s20], [sflag:$0x8], $0x20, s11, s18, $0xb8;
	[tilespmem:$0x1B000] =	vst v63  }
0x11d: {  	_ =	swait.ge [sflag:s12], $0x2000  }
0x11e: {  	[sflag:s12] =	ssyncset.done $0x0  }
0x11f: {  	[sflag:s12] =	ssyncadd.s32 $0xFFFFE000  }
0x120: {  	_ =	swait.ge [sflag:s13], $0x2000  }
0x121: {  	[sflag:s13] =	ssyncset.done $0x0  }
0x122: {  	[sflag:s13] =	ssyncadd.s32 $0xFFFFE000  }
0x123: {  	_ =	swait.ge [sflag:s14], $0x2000  }
0x124: {  	[sflag:s14] =	ssyncset.done $0x0  }
0x125: {  	[sflag:s14] =	ssyncadd.s32 $0xFFFFE000  }
0x126: {  	_ =	swait.ge [sflag:s15], $0x2000  }
0x127: {  	[sflag:s15] =	ssyncset.done $0x0  }
0x128: {  	[sflag:s15] =	ssyncadd.s32 $0xFFFFE000  }
0x129: {  	_ =	swait.ge [sflag:s30], $0x2000  }
0x12a: {  	[sflag:s30] =	ssyncset.done $0x0  }
0x12b: {  	[sflag:s30] =	ssyncadd.s32 $0xFFFFE000  }
0x12c: {  	_ =	swait.ge [sflag:s1], $0x2000  }
0x12d: {  	[sflag:s1] =	ssyncset.done $0x0  }
0x12e: {  	[sflag:s1] =	ssyncadd.s32 $0xFFFFE000  }
0x12f: {  	[bflag:$0x0] =	sbarrier.arrive $0xFFFF  }
0x130: {  	s16 =	rddreg [dreg:$0x10]  }
0x131: {  	s6 =	rddreg [dreg:$0x11]  }
0x132: {  	s25 =	rddreg [dreg:$0x1a]  }
0x133: {  	[hbm:s6], [sflag:s16] =	dma.local [spmem:s25], $0x1A00  }
0x134: {  	_ =	swait.ge [sflag:s10], $0x1A00  }
0x135: {  	s2 =	rddreg [dreg:$0x1b]  }
0x136: {  	s25 =	rddreg [dreg:$0x12];
	s6 =	sadd.s32 $0x1, s2  }
0x137: {  	p0 =	sne.s32 s6, s25  }
.Ltmp1:
0x138: {  	_ = 	snop;
	(pc) =	sbr.rel @p0 .LBB2_1-.Ltmp1, $3  }
0x139: {  	_ =	sdelay $0x1  }
0x13a: {  	[sflag:s10] =	ssyncset.done $0x0  }
0x13b: {  	[sflag:s10] =	ssyncadd.s32 $0xFFFFE600  }
0x13c: {  	_ =	sfence.sel $0x180000  }
0x13d: {  	[bflag:$0x0] =	sbarrier.arrive $0xFFFF  }
0x13e: {  	_ =	strace $0x9000004D  }
0x13f: {  	s0 =	stileid.u32;
	[bflag:$0x2] =	sbarrier.arrive $0xFFFF  }
0x140: {  	p0 =	sne.s32 s0, $0x0;
	s0 =	rddreg [dreg:$0x3]  }
0x141: {  	s0 =	sadd.s32 @!p0 $0x100000, s0  }
0x142: {  	[sflag:s0] =	ssyncadd.tile.s32 @!p0 $0x1;
	_ =	shalt  }
.Lfunc_end2:
_tile_overlayer_lowered:
.L_overlay_start_2:
0x143: {  	(tag) =	ssettag $0x2  }
0x144: {  	s0 =	rddreg [dreg:$0x0];
	s2 =	stileid.u32  }
0x145: {  	s1 =	rddreg [dreg:$0x1];
	p0 =	sne.s32 s2, $0x0  }
0x146: {  	s3 =	rddreg [dreg:$0x2];
	[bflag:$0x3] =	sbarrier.arrive $0xFFFF;
	s2 =	simm.s32 @!p0 $0x1C0D  }
0x147: {  	[timem:s3], [sflag:s2] =	dma.local @!p0 [hbm:s0], s1  }
0x148: {  	s0 =	simm.s32 @!p0 $0xD  }
0x149: {  	_ =	swait.ge @!p0 [sflag:s0], s1  }
0x14a: {  	s1 =	ssub.s32 @!p0 $0x0, s1;
	[sflag:s0] =	ssyncset.done @!p0 $0x0  }
0x14b: {  	[sflag:s0] =	ssyncadd.s32 @!p0 s1  }
0x14c: {  	[bflag:$0x3] =	sbarrier.arrive $0xFFFF  }
0x14d: {  	_ =	shalt  }

// kernel: kernel.7.cloned.1.call-start
scs
__scs_entry_jumppad:
0x0: {  	(pc) =	sbr.rel $0x88, $3  }
0x1: {  	(tag) =	ssettag $0x0;
	lr =	simm.s32 $0x1  }
0x2: {  	[smem:$0x3F94] =	sst lr;
	_ =	strace $0xD0000000  }
0x3: {  	_ = 	snop  }
0x4: {  	_ = 	snop  }
0x5: {  	_ = 	snop  }
0x6: {  	_ = 	snop  }
0x7: {  	_ = 	snop  }
__scs_overlays_trampoline_lowered:
0x8: {  	[smem:$0x3FA3] =	sst s0  }
0x9: {  	[smem:$0x3FA4] =	sst s1  }
0xa: {  	[smem:$0x3FA5] =	sst s2  }
0xb: {  	[smem:$0x3FA6] =	sst s3  }
0xc: {  	[smem:$0x3FA7] =	sst s4  }
0xd: {  	[smem:$0x3FA8] =	sst s5  }
0xe: {  	[smem:$0x3FA9] =	sst s6  }
0xf: {  	[smem:$0x3FAA] =	sst s7  }
0x10: {  	[smem:$0x3FAB] =	sst s8  }
0x11: {  	[smem:$0x3FAC] =	sst s9;
	s0 =	simm.s32 @!p0 $0x0  }
0x12: {  	s1 =	sld [smem:$0x3F92];
	s0 =	simm.s32 @p0 $0x1  }
0x13: {  	[smem:$0x3FAD] =	sst s0;
	s0 =	simm.s32 @!p1 $0x0  }
0x14: {  	s2 =	sld [smem:$0x3F91];
	s0 =	simm.s32 @p1 $0x1  }
0x15: {  	[smem:$0x3FAE] =	sst s0;
	s0 =	simm.s32 @!p2 $0x0  }
0x16: {  	s3 =	sld [smem:$0x3FDB];
	s0 =	simm.s32 @p2 $0x1  }
0x17: {  	s4 =	simm.s32 $0x1BF5;
	[smem:$0x3FB0] =	sst s0  }
0x18: {  	s0 =	sld [smem:$0x3F93];
	_ =	swait.ge [sflag:s4], $0x0  }
0x19: {  	s7 =	sld [smem:$0x3F94]  }
0x1a: {  	s8 =	sadd.s32 $0xFFFFE003, lr  }
0x1b: {  	s9 =	sadd.s32 $0xFFFFFEF7, lr;
	s5 =	simm.s32 $0xFFFFFFFF;
	p2 =	slt.u32 s8, $0xFFFFF086  }
0x1c: {  	p1 =	slt.u32 s9, $0xF7A;
	s5 =	simm.s32 @!p2 $0x0  }
0x1d: {  	s5 =	simm.s32 @p1 $0x1;
	p0 =	seq.s32 s7, s2  }
0x1e: {  	s7 =	smul.u32 @!p0 $0xF7A, s2;
	p2 =	seq.s32 @!p0 s5, $0x0  }
0x1f: {  	s9 =	smul.u32 $0xF7A, s1;
	s8 =	simm.s32 @!p0 $0x1BF5;
	p2 =	por !p2, p0  }
0x20: {  	[sflag:s8] =	ssyncset.s32 @!p0 $0xFFFFF086;
	s6 =	sadd.s32 @!p0 s3, s7;
	s7 =	simm.s32 @!p0 $0x108  }
0x21: {  	s3 =	sadd.s32 s3, s9;
	s6 =	sadd.s32 @!p0 $0x88, s6;
	s7 =	simm.s32 @p2 $0x1082  }
0x22: {  	[simem:s7], [sflag:s8] =	dma.local @!p0 [hbm:s6], $0xF7A  }
0x23: {  	s9 =	sor.u32 $0xD0000000, s2;
	s6 =	simm.s32 $0x108;
	_ =	swait.ge @!p0 [sflag:s8], $0x0  }
0x24: {  	s3 =	sadd.s32 $0x88, s3;
	s6 =	simm.s32 @!p1 $0x1082;
	[sflag:s4] =	ssyncset.s32 $0xFFFFF086  }
0x25: {  	[simem:s6], [sflag:s4] =	dma.local [hbm:s3], $0xF7A  }
0x26: {  	[smem:$0x3F94] =	sst s1;
	(tag) =	ssettag s2;
	_ =	strace s9  }
0x27: {  	s1 =	sld [smem:$0x3FA4]  }
0x28: {  	s2 =	sld [smem:$0x3FA5]  }
0x29: {  	s4 =	sld [smem:$0x3FA7]  }
0x2a: {  	p0 =	seq.s32 s5, $0x0;
	s5 =	sld [smem:$0x3FA8]  }
0x2b: {  	s6 =	sld [smem:$0x3FA9]  }
0x2c: {  	s7 =	sld [smem:$0x3FAA]  }
0x2d: {  	s3 =	simm.s32 $0x108;
	s8 =	sld [smem:$0x3FAB]  }
0x2e: {  	s3 =	simm.s32 @!p0 $0x1082;
	s9 =	sld [smem:$0x3FAC]  }
0x2f: {  	lr =	sadd.s32 s0, s3;
	s0 =	sld [smem:$0x3FA3]  }
0x30: {  	s3 =	sld [smem:$0x3FA6]  }
0x31: {  	[smem:$0x3FAF] =	sst s10  }
0x32: {  	s10 =	sld [smem:$0x3FAD];
	_ =	sdelay $0x3  }
0x33: {  	p0 =	seq.s32 s10, $0x1;
	s10 =	sld [smem:$0x3FAF];
	_ =	sdelay $0x3  }
0x34: {  	[smem:$0x3FAF] =	sst s10  }
0x35: {  	s10 =	sld [smem:$0x3FAE];
	_ =	sdelay $0x3  }
0x36: {  	p1 =	seq.s32 s10, $0x1;
	s10 =	sld [smem:$0x3FAF];
	_ =	sdelay $0x3  }
0x37: {  	[smem:$0x3FAF] =	sst s10  }
0x38: {  	s10 =	sld [smem:$0x3FB0]  }
0x39: {  	_ = 	snop;
	(pc) =	sbr.ind lr, $3  }
0x3a: {  	_ = 	snop  }
0x3b: {  	_ = 	snop  }
0x3c: {  	p2 =	seq.s32 s10, $0x1;
	s10 =	sld [smem:$0x3FAF]  }
0x3d: {  	_ =	shalt  }
0x3e: {  	_ =	shalt  }
0x3f: {  	_ =	shalt  }
0x40: {  	_ =	shalt  }
0x41: {  	_ =	shalt  }
0x42: {  	_ =	shalt  }
0x43: {  	_ =	shalt  }
0x44: {  	_ =	shalt  }
0x45: {  	_ =	shalt  }
0x46: {  	_ =	shalt  }
0x47: {  	_ =	shalt  }
0x48: {  	_ =	shalt  }
0x49: {  	_ =	shalt  }
0x4a: {  	_ =	shalt  }
0x4b: {  	_ =	shalt  }
0x4c: {  	_ =	shalt  }
0x4d: {  	_ =	shalt  }
0x4e: {  	_ =	shalt  }
0x4f: {  	_ =	shalt  }
0x50: {  	_ =	shalt  }
0x51: {  	_ =	shalt  }
0x52: {  	_ =	shalt  }
0x53: {  	_ =	shalt  }
0x54: {  	_ =	shalt  }
0x55: {  	_ =	shalt  }
0x56: {  	_ =	shalt  }
0x57: {  	_ =	shalt  }
0x58: {  	_ =	shalt  }
0x59: {  	_ =	shalt  }
0x5a: {  	_ =	shalt  }
0x5b: {  	_ =	shalt  }
0x5c: {  	_ =	shalt  }
0x5d: {  	_ =	shalt  }
0x5e: {  	_ =	shalt  }
0x5f: {  	_ =	shalt  }
0x60: {  	_ =	shalt  }
0x61: {  	_ =	shalt  }
0x62: {  	_ =	shalt  }
0x63: {  	_ =	shalt  }
0x64: {  	_ =	shalt  }
0x65: {  	_ =	shalt  }
0x66: {  	_ =	shalt  }
0x67: {  	_ =	shalt  }
0x68: {  	_ =	shalt  }
0x69: {  	_ =	shalt  }
0x6a: {  	_ =	shalt  }
0x6b: {  	_ =	shalt  }
0x6c: {  	_ =	shalt  }
0x6d: {  	_ =	shalt  }
0x6e: {  	_ =	shalt  }
0x6f: {  	_ =	shalt  }
0x70: {  	_ =	shalt  }
0x71: {  	_ =	shalt  }
0x72: {  	_ =	shalt  }
0x73: {  	_ =	shalt  }
0x74: {  	_ =	shalt  }
0x75: {  	_ =	shalt  }
0x76: {  	_ =	shalt  }
0x77: {  	_ =	shalt  }
0x78: {  	_ =	shalt  }
0x79: {  	_ =	shalt  }
0x7a: {  	_ =	shalt  }
0x7b: {  	_ =	shalt  }
0x7c: {  	_ =	shalt  }
0x7d: {  	_ =	shalt  }
0x7e: {  	_ =	shalt  }
0x7f: {  	_ =	shalt  }
0x80: {  	_ =	shalt  }
0x81: {  	_ =	shalt  }
0x82: {  	_ =	shalt  }
0x83: {  	_ =	shalt  }
0x84: {  	_ =	shalt  }
0x85: {  	_ =	shalt  }
0x86: {  	_ =	shalt  }
0x87: {  	_ =	shalt  }
.Lfunc_end0:
.L_simem_size_0:
called_computation_lowered:
.L_overlay_start_0:
0x88: {  	s2 =	sld [smem:$0x3FD9]  }
0x89: {  	s3 =	sld [smem:$0x3FFE];
	_ =	sdelay $0x1  }
0x8a: {  	s1 =	srdreg.scid  }
0x8b: {  	s0 =	sand.u32 $0x1, s1  }
0x8c: {  	s17 =	sshll.u32 s0, $0xA;
	s2 =	sadd.s32 s3, s2  }
0x8d: {  	s2 =	sadd.s32 s2, s17  }
0x8e: {  	[smem:$0x3FBB] =	sst s2  }
0x8f: {  	_ = 	snop  }
0x90: {  	s2 =	sld [smem:$0x3FD0];
	(tm) =	ssettm $0x1  }
0x91: {  	s18 =	sld [smem:$0x3FFB];
	_ =	sdelay $0x3  }
0x92: {  	_ =	strace s18  }
0x93: {  	s3 =	sld [smem:$0x3FFC];
	_ =	sdelay $0x3  }
0x94: {  	_ =	strace s3  }
0x95: {  	s3 =	sld [smem:$0x3FFD];
	_ =	sdelay $0x3  }
0x96: {  	_ =	strace s3  }
0x97: {  	_ =	strace $0x8FFFFFFF  }
0x98: {  	s19 =	sld [smem:$0x3FDB];
	_ =	sdelay $0x1  }
0x99: {  	s4 =	simm.s32 $_scs_section_size  }
0x9a: {  	s5 =	simm.s32 $_size__tile_overlayer_lowered;
	s6 =	simm.s32 $_tile_overlayer_lowered  }
0x9b: {  	s22 =	simm.s32 $0x1BFF;
	s21 =	sshll.u32 s6, $0x1;
	s3 =	sadd.s32 s4, s19  }
0x9c: {  	s7 =	simm.s32 $0x0;
	s20 =	sshll.u32 s5, $0x1;
	s5 =	sadd.s32 s21, s3  }
0x9d: {  	[timem:s7], [sflag:s22] =	dma.local [hbm:s5], s20  }
0x9e: {  	_ =	swait.ge [sflag:s22], s20  }
0x9f: {  	s4 =	ssub.s32 $0x0, s20;
	[sflag:s22] =	ssyncset.done $0x0  }
0xa0: {  	[sflag:s22] =	ssyncadd.s32 s4;
	_ =	sdelay $0x1  }
0xa1: {  	s23 =	simm.s32 $0x1B8B  }
0xa2: {  	_ =	swait.ge [sflag:s23], $0x1  }
0xa3: {  	[sflag:s23] =	ssyncset.done $0x0  }
0xa4: {  	s25 =	simm.s32 $0x1B8E;
	s24 =	sld [smem:$0x3FFE];
	[sflag:s23] =	ssyncadd.s32 $0xFFFFFFFF  }
0xa5: {  	s26 =	simm.s32 $execute0_lowered;
	[smem:$0x3FD2] =	sst s25  }
0xa6: {  	s5 =	sshll.u32 s26, $0x1;
	_ =	strace $0x80000046;
	[dreg:$0x1] =	wrdreg $0xFFFFFFFF  }
0xa7: {  	s28 =	simm.s32 $_size_execute0_lowered;
	s3 =	sadd.s32 s3, s5;
	[dreg:$0x0] =	wrdreg $0x0  }
0xa8: {  	s5 =	sshll.u32 s28, $0x1;
	[dreg:$0x2] =	wrdreg s3  }
0xa9: {  	[dreg:$0x3] =	wrdreg s5  }
0xaa: {  	[dreg:$0x4] =	wrdreg $0xC0  }
0xab: {  	_ =	task [dreg:s7], $0x5FFFF  }
0xac: {  	[dreg:$0x1] =	wrdreg $0xFFFFFFFF  }
0xad: {  	[dreg:$0x0] =	wrdreg $0x60  }
0xae: {  	[dreg:$0x2] =	wrdreg s24  }
0xaf: {  	[dreg:$0x3] =	wrdreg s2  }
0xb0: {  	[dreg:$0x4] =	wrdreg $0x40000  }
0xb1: {  	[dreg:$0x5] =	wrdreg $0x9  }
0xb2: {  	_ =	task.clear_ibuf [dreg:s7], $0x6FFFF;
	_ =	strace $0x90000046  }
0xb3: {  	s29 =	simm.s32 $0x9;
	_ =	strace $0x80000048  }
0xb4: {  	_ =	swait.ge [sflag:s29], $0x1  }
0xb5: {  	[sflag:s29] =	ssyncadd.s32 $0xFFFFFFFF  }
0xb6: {  	_ =	strace $0x90000048  }
0xb7: {  	_ =	sfence  }
0xb8: {  	s30 =	sld [smem:$0x0];
	_ =	sdelay $0x2  }
0xb9: {  	s31 =	sshll.u32 s1, $0xD;
	s1 =	sshrl.u32 s1, $0x2  }
0xba: {  	s3 =	sand.u32 $0x4000, s31;
	s1 =	sadd.s32 s1, s30  }
0xbb: {  	s0 =	sor.u32 s3, s0;
	s1 =	sshll.u32 s1, $0x11  }
0xbc: {  	s0 =	sor.u32 s1, s0  }
0xbd: {  	s0 =	sadd.s32 $0x8F2B, s0  }
0xbe: {  	[sflag:s0] =	ssyncadd.remote.s32 $0x1  }
0xbf: {  	_ =	sfence.sel $0xFFFF  }
0xc0: {  	[dreg:$0x0] =	wrdreg $0xFFFFFFFF;
	(pc) =	sbr.abs _section_cstart, $3  }
0xc1: {  	[dreg:$0x1] =	wrdreg $0xFFFFFFFF  }
0xc2: {  	_ =	task.clear_ibuf [dreg:s7], $0x2FFFF;
	_ =	strace $0x9FFFFFFF  }
0xc3: {  	(tm) =	ssettm $0x7FFFFFFF  }
tec
execute0_lowered:
.L_overlay_start_1:
0x0: {  	(tag) =	ssettag $0x1  }
0x1: {  	s0 =	rddreg [dreg:$0x0];
	s11 =	stileid.u32  }
0x2: {  	s1 =	srdreg.scid;
	s3 =	rddreg [dreg:$0x2];
	s4 =	simm.s32 $0x0  }
0x3: {  	s14 =	simm.s32 $0x300;
	s17 =	simm.s32 $0x400;
	s2 =	smul.u32 $0xC800, s11  }
0x4: {  	s28 =	simm.s32 $0x3800;
	s29 =	simm.s32 $0x3;
	s6 =	smul.u32 $0x1900, s11  }
0x5: {  	s30 =	simm.s32 $0x7;
	s31 =	simm.s32 $0x4;
	s7 =	smul.u32 $0x680, s11  }
0x6: {  	s1 =	sand.u32 $0x1, s1;
	[smem:$0x7FF] =	sst s4;
	s8 =	smul.u32 $0xE000, s11  }
0x7: {  	s10 =	smul.u32 $0xD000, s11;
	s19 =	sshll.u32 s11, $0x6;
	s11 =	simm.s32 $0xF00  }
0x8: {  	s5 =	smul.u32 $0xC8000, s1;
	_ =	strace $0x80000047;
	s18 =	ssub.s32 $0x2, s1  }
0x9: {  	s1 =	smul.u32 $0x6800, s1;
	s16 =	sor.u32 $0x1C0D, s19;
	[dreg:$0x7] =	wrdreg s14  }
0xa: {  	[dreg:$0x8] =	wrdreg s17;
	s19 =	simm.s32 $0x900;
	s17 =	simm.s32 $0x800  }
0xb: {  	s14 =	simm.s32 $0xB;
	s6 =	sadd.s32 s6, s0;
	s9 =	sshrl.u32 s18, $0x1  }
0xc: {  	s8 =	sshrl.u32 s8, $0x2;
	s20 =	sshrl.u32 s10, $0x2;
	[dreg:$0x9] =	wrdreg s19  }
0xd: {  	s10 =	simm.s32 $0xD;
	[dreg:$0x10] =	wrdreg s16;
	s2 =	sadd.s32 s5, s2  }
0xe: {  	s5 =	sadd.s32 $0x107A00, s0;
	s8 =	sadd.s32 s8, s3;
	s26 =	sadd.s32 $0x114A00, s6  }
0xf: {  	s2 =	sshrl.u32 s2, $0x3;
	s22 =	sadd.s32 $0x800, s8;
	s23 =	sadd.s32 $0x1000, s8  }
0x10: {  	s24 =	sadd.s32 $0x1800, s8;
	s25 =	sadd.s32 $0x2000, s8;
	s12 =	sadd.s32 $0x2800, s8  }
0x11: {  	s13 =	sadd.s32 $0x3000, s8;
	[dreg:$0x5] =	wrdreg s26;
	s6 =	sshrl.u32 s8, $0x3  }
0x12: {  	s8 =	simm.s32 $0x200;
	s26 =	simm.s32 $0xC00;
	[dreg:$0x13] =	wrdreg s6  }
0x13: {  	s2 =	sadd.s32 s2, s0;
	s0 =	sadd.s32 s7, s0;
	[dreg:$0x6] =	wrdreg s8  }
0x14: {  	s7 =	ssub.s32 s18, s9;
	s9 =	sshrl.u32 s24, $0x3;
	[dreg:$0xf] =	wrdreg s26  }
0x15: {  	s19 =	simm.s32 $0x1000;
	s15 =	sshrl.u32 s25, $0x3;
	[dreg:$0x16] =	wrdreg s9  }
0x16: {  	s18 =	sshrl.u32 s12, $0x3;
	s24 =	simm.s32 $0xB00;
	[dreg:$0x17] =	wrdreg s15  }
0x17: {  	s25 =	simm.s32 $0x700;
	s26 =	simm.s32 $0x2;
	[dreg:$0x18] =	wrdreg s18  }
0x18: {  	s8 =	simm.s32 $0xD00;
	s12 =	simm.s32 $0x9;
	[dreg:$0xd] =	wrdreg s24  }
0x19: {  	s6 =	simm.s32 $0x0;
	s21 =	smax.u32 s7, $0x1;
	[dreg:$0xe] =	wrdreg s25  }
0x1a: {  	s0 =	sadd.s32 s1, s0;
	s2 =	sadd.s32 $0x5A00, s2;
	[dreg:$0x12] =	wrdreg s21  }
0x1b: {  	s1 =	sshrl.u32 s22, $0x3;
	s7 =	sshrl.u32 s23, $0x3;
	[dreg:$0x4] =	wrdreg s2  }
0x1c: {  	s22 =	simm.s32 $0xA00;
	s18 =	simm.s32 $0x100;
	[dreg:$0x14] =	wrdreg s1  }
0x1d: {  	s23 =	simm.s32 $0x600;
	s24 =	simm.s32 $0x3000;
	[dreg:$0x15] =	wrdreg s7  }
0x1e: {  	s9 =	simm.s32 $0xE00;
	s15 =	simm.s32 $0xC;
	[dreg:$0xb] =	wrdreg s22  }
0x1f: {  	s0 =	sadd.s32 $0x12DA00, s0;
	s21 =	simm.s32 $0x500;
	[dreg:$0xc] =	wrdreg s23  }
0x20: {  	s22 =	simm.s32 $0x2800;
	s23 =	simm.s32 $0x1;
	s1 =	simm.s32 $0x8  }
0x21: {  	s7 =	simm.s32 $0x6;
	[dreg:$0x11] =	wrdreg s0;
	s0 =	sadd.s32 s20, s3  }
0x22: {  	s20 =	sshrl.u32 s13, $0x3;
	[dreg:$0xa] =	wrdreg s21;
	s21 =	simm.s32 $0x2000  }
0x23: {  	s13 =	simm.s32 $0xA;
	[dreg:$0x19] =	wrdreg s20;
	s0 =	sshrl.u32 s0, $0x3  }
0x24: {  	s20 =	simm.s32 $0x1800;
	[dreg:$0x1a] =	wrdreg s0;
	s0 =	simm.s32 $0x5  }
.LBB2_1:
0x25: {  	[dreg:$0x1b] =	wrdreg s6  }
0x26: {  	s2 =	rddreg [dreg:$0x1]  }
0x27: {  	s25 =	rddreg [dreg:$0x13]  }
0x28: {  	[spmem:s25], [sflag:s16] =	dma.local [hbm:s2], $0x100  }
0x29: {  	_ =	swait.ge [sflag:s10], $0x100  }
0x2a: {  	[sflag:s10] =	ssyncset.done $0x0  }
0x2b: {  	s25 =	rddreg [dreg:$0x14];
	[sflag:s10] =	ssyncadd.s32 $0xFFFFFF00  }
0x2c: {  	[spmem:s25], [sflag:s16] =	dma.local [hbm:s2], $0x100  }
0x2d: {  	_ =	swait.ge [sflag:s10], $0x100  }
0x2e: {  	[sflag:s10] =	ssyncset.done $0x0  }
0x2f: {  	s25 =	rddreg [dreg:$0x15];
	[sflag:s10] =	ssyncadd.s32 $0xFFFFFF00  }
0x30: {  	[spmem:s25], [sflag:s16] =	dma.local [hbm:s2], $0x100  }
0x31: {  	_ =	swait.ge [sflag:s10], $0x100  }
0x32: {  	[sflag:s10] =	ssyncset.done $0x0  }
0x33: {  	s25 =	rddreg [dreg:$0x16];
	[sflag:s10] =	ssyncadd.s32 $0xFFFFFF00  }
0x34: {  	[spmem:s25], [sflag:s16] =	dma.local [hbm:s2], $0x100  }
0x35: {  	_ =	swait.ge [sflag:s10], $0x100  }
0x36: {  	[sflag:s10] =	ssyncset.done $0x0  }
0x37: {  	s25 =	rddreg [dreg:$0x17];
	[sflag:s10] =	ssyncadd.s32 $0xFFFFFF00  }
0x38: {  	[spmem:s25], [sflag:s16] =	dma.local [hbm:s2], $0x100  }
0x39: {  	_ =	swait.ge [sflag:s10], $0x100  }
0x3a: {  	[sflag:s10] =	ssyncset.done $0x0  }
0x3b: {  	s25 =	rddreg [dreg:$0x18];
	[sflag:s10] =	ssyncadd.s32 $0xFFFFFF00  }
0x3c: {  	[spmem:s25], [sflag:s16] =	dma.local [hbm:s2], $0x100  }
0x3d: {  	_ =	swait.ge [sflag:s10], $0x100  }
0x3e: {  	[sflag:s10] =	ssyncset.done $0x0  }
0x3f: {  	s25 =	rddreg [dreg:$0x19];
	[sflag:s10] =	ssyncadd.s32 $0xFFFFFF00  }
0x40: {  	[spmem:s25], [sflag:s16] =	dma.local [hbm:s2], $0x100  }
0x41: {  	_ =	swait.ge [sflag:s10], $0x100  }
0x42: {  	[sflag:s10] =	ssyncset.done $0x0  }
0x43: {  	[sflag:s10] =	ssyncadd.s32 $0xFFFFFF00  }
0x44: {  	[bflag:$0x0] =	sbarrier.arrive $0xFFFF  }
0x45: {  	s25 =	rddreg [dreg:$0x5]  }
0x46: {  	s2 =	sadd.s32 $0x0, s25  }
0x47: {  	[tilespmem:s4], [sflag:$0xD] =	stream.linear.gather [hbm4b:s2+s4], $0x800, $0x38;
	[tilespmem:$0x7800] =	vst v63  }
0x48: {  	_ =	swait.ge [sflag:s10], $0x800  }
0x49: {  	s6 =	rddreg [dreg:$0x4];
	[sflag:s10] =	ssyncset.done $0x0  }
0x4a: {  	[sflag:s10] =	ssyncadd.s32 $0xFFFFF800;
	s2 =	sadd.s32 $0x0, s6  }
0x4b: {  	[tilespmem:s17], [sflag:$0xD] =	stream.linear.gather [hbm4b:s2+s4], $0x800, $0x38;
	[tilespmem:$0x7800] =	vst v63  }
0x4c: {  	_ =	swait.ge [sflag:s10], $0x800  }
0x4d: {  	[sflag:s10] =	ssyncset.done $0x0  }
0x4e: {  	[sflag:s10] =	ssyncadd.s32 $0xFFFFF800  }
0x4f: {  	[tilespmem:s19], [sflag:$0x1] =	stream.indirect.gather [hbm4b:s5+s18], $0x8, s4, s18, $0xb8;
	[tilespmem:$0x7800] =	vst v63  }
0x50: {  	_ = 	snop  }
0x51: {  	[tilespmem:s20], [sflag:$0x2] =	stream.indirect.gather [hbm4b:s5+s18], $0x8, s18, s18, $0xb8;
	[tilespmem:$0x7800] =	vst v63  }
0x52: {  	s16 =	rddreg [dreg:$0x6]  }
0x53: {  	[tilespmem:s21], [sflag:$0x3] =	stream.indirect.gather [hbm4b:s5+s18], $0x8, s16, s18, $0xb8;
	[tilespmem:$0x7800] =	vst v63  }
0x54: {  	s25 =	rddreg [dreg:$0x7]  }
0x55: {  	[tilespmem:s22], [sflag:$0x4] =	stream.indirect.gather [hbm4b:s5+s18], $0x8, s25, s18, $0xb8;
	[tilespmem:$0x7800] =	vst v63  }
0x56: {  	_ =	swait.ge [sflag:s23], $0x800  }
0x57: {  	[sflag:s23] =	ssyncset.done $0x0  }
0x58: {  	[sflag:s23] =	ssyncadd.s32 $0xFFFFF800  }
0x59: {  	[spmem:s3] =	stream.indirect.scatter.add.f32 [tilespmem:s19], [sflag:$0x7], $0x8, s17, s18, $0xb8;
	[tilespmem:$0x7800] =	vst v63  }
0x5a: {  	s6 =	rddreg [dreg:$0x8]  }
0x5b: {  	[tilespmem:s24], [sflag:$0x5] =	stream.indirect.gather [hbm4b:s5+s18], $0x8, s6, s18, $0xb8;
	[tilespmem:$0x7800] =	vst v63  }
0x5c: {  	_ =	swait.ge [sflag:s26], $0x800  }
0x5d: {  	[sflag:s26] =	ssyncset.done $0x0  }
0x5e: {  	s16 =	rddreg [dreg:$0x9];
	[sflag:s26] =	ssyncadd.s32 $0xFFFFF800  }
0x5f: {  	[spmem:s3] =	stream.indirect.scatter.add.f32 [tilespmem:s20], [sflag:$0x8], $0x8, s16, s18, $0xb8;
	[tilespmem:$0x7800] =	vst v63  }
0x60: {  	s25 =	rddreg [dreg:$0xa]  }
0x61: {  	[tilespmem:s28], [sflag:$0x6] =	stream.indirect.gather [hbm4b:s5+s18], $0x8, s25, s18, $0xb8;
	[tilespmem:$0x7800] =	vst v63  }
0x62: {  	_ =	swait.ge [sflag:s29], $0x800  }
0x63: {  	[sflag:s29] =	ssyncset.done $0x0  }
0x64: {  	s16 =	rddreg [dreg:$0xb];
	[sflag:s29] =	ssyncadd.s32 $0xFFFFF800  }
0x65: {  	[spmem:s3] =	stream.indirect.scatter.add.f32 [tilespmem:s21], [sflag:$0x9], $0x8, s16, s18, $0xb8;
	[tilespmem:$0x7800] =	vst v63  }
0x66: {  	_ =	swait.ge [sflag:s30], $0x800  }
0x67: {  	[sflag:s30] =	ssyncset.done $0x0  }
0x68: {  	s25 =	rddreg [dreg:$0xc];
	[sflag:s30] =	ssyncadd.s32 $0xFFFFF800  }
0x69: {  	[tilespmem:s19], [sflag:$0x1] =	stream.indirect.gather [hbm4b:s5+s18], $0x8, s25, s18, $0xb8;
	[tilespmem:$0x7800] =	vst v63  }
0x6a: {  	_ =	swait.ge [sflag:s31], $0x800  }
0x6b: {  	[sflag:s31] =	ssyncset.done $0x0  }
0x6c: {  	s6 =	rddreg [dreg:$0xd];
	[sflag:s31] =	ssyncadd.s32 $0xFFFFF800  }
0x6d: {  	[spmem:s3] =	stream.indirect.scatter.add.f32 [tilespmem:s22], [sflag:$0xA], $0x8, s6, s18, $0xb8;
	[tilespmem:$0x7800] =	vst v63  }
0x6e: {  	_ =	swait.ge [sflag:s1], $0x800  }
0x6f: {  	[sflag:s1] =	ssyncset.done $0x0  }
0x70: {  	s16 =	rddreg [dreg:$0xe];
	[sflag:s1] =	ssyncadd.s32 $0xFFFFF800  }
0x71: {  	[tilespmem:s20], [sflag:$0x2] =	stream.indirect.gather [hbm4b:s5+s18], $0x8, s16, s18, $0xb8;
	[tilespmem:$0x7800] =	vst v63  }
0x72: {  	_ =	swait.ge [sflag:s0], $0x800  }
0x73: {  	[sflag:s0] =	ssyncset.done $0x0  }
0x74: {  	s25 =	rddreg [dreg:$0xf];
	[sflag:s0] =	ssyncadd.s32 $0xFFFFF800  }
0x75: {  	[spmem:s3] =	stream.indirect.scatter.add.f32 [tilespmem:s24], [sflag:$0xB], $0x8, s25, s18, $0xb8;
	[tilespmem:$0x7800] =	vst v63  }
0x76: {  	_ =	swait.ge [sflag:s7], $0x800  }
0x77: {  	[sflag:s7] =	ssyncset.done $0x0  }
0x78: {  	[sflag:s7] =	ssyncadd.s32 $0xFFFFF800  }
0x79: {  	[spmem:s3] =	stream.indirect.scatter.add.f32 [tilespmem:s28], [sflag:$0xC], $0x8, s8, s18, $0xb8;
	[tilespmem:$0x7800] =	vst v63  }
0x7a: {  	_ =	swait.ge [sflag:s23], $0x800  }
0x7b: {  	[sflag:s23] =	ssyncset.done $0x0  }
0x7c: {  	[sflag:s23] =	ssyncadd.s32 $0xFFFFF800  }
0x7d: {  	[spmem:s3] =	stream.indirect.scatter.add.f32 [tilespmem:s19], [sflag:$0x7], $0x8, s9, s18, $0xb8;
	[tilespmem:$0x7800] =	vst v63  }
0x7e: {  	_ =	swait.ge [sflag:s26], $0x800  }
0x7f: {  	[sflag:s26] =	ssyncset.done $0x0  }
0x80: {  	[sflag:s26] =	ssyncadd.s32 $0xFFFFF800  }
0x81: {  	[spmem:s3] =	stream.indirect.scatter.add.f32 [tilespmem:s20], [sflag:$0x8], $0x8, s11, s18, $0xb8;
	[tilespmem:$0x7800] =	vst v63  }
0x82: {  	_ =	swait.ge [sflag:s12], $0x800  }
0x83: {  	[sflag:s12] =	ssyncset.done $0x0  }
0x84: {  	[sflag:s12] =	ssyncadd.s32 $0xFFFFF800  }
0x85: {  	_ =	swait.ge [sflag:s13], $0x800  }
0x86: {  	[sflag:s13] =	ssyncset.done $0x0  }
0x87: {  	[sflag:s13] =	ssyncadd.s32 $0xFFFFF800  }
0x88: {  	_ =	swait.ge [sflag:s14], $0x800  }
0x89: {  	[sflag:s14] =	ssyncset.done $0x0  }
0x8a: {  	[sflag:s14] =	ssyncadd.s32 $0xFFFFF800  }
0x8b: {  	_ =	swait.ge [sflag:s15], $0x800  }
0x8c: {  	[sflag:s15] =	ssyncset.done $0x0  }
0x8d: {  	[sflag:s15] =	ssyncadd.s32 $0xFFFFF800  }
0x8e: {  	_ =	swait.ge [sflag:s30], $0x800  }
0x8f: {  	[sflag:s30] =	ssyncset.done $0x0  }
0x90: {  	[sflag:s30] =	ssyncadd.s32 $0xFFFFF800  }
0x91: {  	s2 =	simm.s32 $0x200;
	_ =	swait.ge [sflag:s1], $0x800  }
0x92: {  	s25 =	simm.s32 $0x100;
	s6 =	rddreg [dreg:$0x5];
	[sflag:s1] =	ssyncset.done $0x0  }
.LBB2_2:
0x93: {  	[sflag:s1] =	ssyncadd.s32 $0xFFFFF800;
	s6 =	sadd.s32 s25, s6  }
0x94: {  	[tilespmem:s4], [sflag:$0xD] =	stream.linear.gather [hbm4b:s6+s4], $0x800, $0x38;
	[tilespmem:$0x7800] =	vst v63  }
0x95: {  	_ =	swait.ge [sflag:s10], $0x800  }
0x96: {  	s6 =	rddreg [dreg:$0x4];
	[sflag:s10] =	ssyncset.done $0x0  }
0x97: {  	[sflag:s10] =	ssyncadd.s32 $0xFFFFF800;
	s6 =	sadd.s32 s25, s6  }
0x98: {  	[tilespmem:s17], [sflag:$0xD] =	stream.linear.gather [hbm4b:s6+s4], $0x800, $0x38;
	[tilespmem:$0x7800] =	vst v63  }
0x99: {  	_ =	swait.ge [sflag:s10], $0x800  }
0x9a: {  	[sflag:s10] =	ssyncset.done $0x0  }
0x9b: {  	[sflag:s10] =	ssyncadd.s32 $0xFFFFF800  }
0x9c: {  	[tilespmem:s19], [sflag:$0x1] =	stream.indirect.gather [hbm4b:s5+s18], $0x8, s4, s18, $0xb8;
	[tilespmem:$0x7800] =	vst v63  }
0x9d: {  	_ = 	snop  }
0x9e: {  	[tilespmem:s20], [sflag:$0x2] =	stream.indirect.gather [hbm4b:s5+s18], $0x8, s18, s18, $0xb8;
	[tilespmem:$0x7800] =	vst v63  }
0x9f: {  	s16 =	smov.u32 s2;
	s6 =	rddreg [dreg:$0x6]  }
0xa0: {  	[tilespmem:s21], [sflag:$0x3] =	stream.indirect.gather [hbm4b:s5+s18], $0x8, s6, s18, $0xb8;
	[tilespmem:$0x7800] =	vst v63  }
0xa1: {  	s25 =	smov.u32 s16;
	s16 =	rddreg [dreg:$0x7]  }
0xa2: {  	[tilespmem:s22], [sflag:$0x4] =	stream.indirect.gather [hbm4b:s5+s18], $0x8, s16, s18, $0xb8;
	[tilespmem:$0x7800] =	vst v63  }
0xa3: {  	_ =	swait.ge [sflag:s23], $0x800  }
0xa4: {  	[sflag:s23] =	ssyncset.done $0x0  }
0xa5: {  	[sflag:s23] =	ssyncadd.s32 $0xFFFFF800  }
0xa6: {  	[spmem:s3] =	stream.indirect.scatter.add.f32 [tilespmem:s19], [sflag:$0x7], $0x8, s17, s18, $0xb8;
	[tilespmem:$0x7800] =	vst v63  }
0xa7: {  	s16 =	rddreg [dreg:$0x8]  }
0xa8: {  	[tilespmem:s24], [sflag:$0x5] =	stream.indirect.gather [hbm4b:s5+s18], $0x8, s16, s18, $0xb8;
	[tilespmem:$0x7800] =	vst v63  }
0xa9: {  	_ =	swait.ge [sflag:s26], $0x800  }
0xaa: {  	[sflag:s26] =	ssyncset.done $0x0  }
0xab: {  	s6 =	rddreg [dreg:$0x9];
	[sflag:s26] =	ssyncadd.s32 $0xFFFFF800  }
0xac: {  	[spmem:s3] =	stream.indirect.scatter.add.f32 [tilespmem:s20], [sflag:$0x8], $0x8, s6, s18, $0xb8;
	[tilespmem:$0x7800] =	vst v63  }
0xad: {  	s16 =	rddreg [dreg:$0xa]  }
0xae: {  	[tilespmem:s28], [sflag:$0x6] =	stream.indirect.gather [hbm4b:s5+s18], $0x8, s16, s18, $0xb8;
	[tilespmem:$0x7800] =	vst v63  }
0xaf: {  	_ =	swait.ge [sflag:s29], $0x800  }
0xb0: {  	[sflag:s29] =	ssyncset.done $0x0  }
0xb1: {  	s16 =	rddreg [dreg:$0xb];
	[sflag:s29] =	ssyncadd.s32 $0xFFFFF800  }
0xb2: {  	[spmem:s3] =	stream.indirect.scatter.add.f32 [tilespmem:s21], [sflag:$0x9], $0x8, s16, s18, $0xb8;
	[tilespmem:$0x7800] =	vst v63  }
0xb3: {  	_ =	swait.ge [sflag:s30], $0x800  }
0xb4: {  	[sflag:s30] =	ssyncset.done $0x0  }
0xb5: {  	s16 =	rddreg [dreg:$0xc];
	[sflag:s30] =	ssyncadd.s32 $0xFFFFF800  }
0xb6: {  	[tilespmem:s19], [sflag:$0x1] =	stream.indirect.gather [hbm4b:s5+s18], $0x8, s16, s18, $0xb8;
	[tilespmem:$0x7800] =	vst v63  }
0xb7: {  	_ =	swait.ge [sflag:s31], $0x800  }
0xb8: {  	[sflag:s31] =	ssyncset.done $0x0  }
0xb9: {  	s16 =	rddreg [dreg:$0xd];
	[sflag:s31] =	ssyncadd.s32 $0xFFFFF800  }
0xba: {  	[spmem:s3] =	stream.indirect.scatter.add.f32 [tilespmem:s22], [sflag:$0xA], $0x8, s16, s18, $0xb8;
	[tilespmem:$0x7800] =	vst v63  }
0xbb: {  	_ =	swait.ge [sflag:s1], $0x800  }
0xbc: {  	[sflag:s1] =	ssyncset.done $0x0  }
0xbd: {  	s16 =	rddreg [dreg:$0xe];
	[sflag:s1] =	ssyncadd.s32 $0xFFFFF800  }
0xbe: {  	[tilespmem:s20], [sflag:$0x2] =	stream.indirect.gather [hbm4b:s5+s18], $0x8, s16, s18, $0xb8;
	[tilespmem:$0x7800] =	vst v63  }
0xbf: {  	_ =	swait.ge [sflag:s0], $0x800  }
0xc0: {  	[sflag:s0] =	ssyncset.done $0x0  }
0xc1: {  	s16 =	rddreg [dreg:$0xf];
	[sflag:s0] =	ssyncadd.s32 $0xFFFFF800  }
0xc2: {  	[spmem:s3] =	stream.indirect.scatter.add.f32 [tilespmem:s24], [sflag:$0xB], $0x8, s16, s18, $0xb8;
	[tilespmem:$0x7800] =	vst v63  }
0xc3: {  	_ =	swait.ge [sflag:s7], $0x800  }
0xc4: {  	[sflag:s7] =	ssyncset.done $0x0  }
0xc5: {  	[sflag:s7] =	ssyncadd.s32 $0xFFFFF800  }
0xc6: {  	[spmem:s3] =	stream.indirect.scatter.add.f32 [tilespmem:s28], [sflag:$0xC], $0x8, s8, s18, $0xb8;
	[tilespmem:$0x7800] =	vst v63  }
0xc7: {  	_ =	swait.ge [sflag:s23], $0x800  }
0xc8: {  	[sflag:s23] =	ssyncset.done $0x0  }
0xc9: {  	[sflag:s23] =	ssyncadd.s32 $0xFFFFF800  }
0xca: {  	[spmem:s3] =	stream.indirect.scatter.add.f32 [tilespmem:s19], [sflag:$0x7], $0x8, s9, s18, $0xb8;
	[tilespmem:$0x7800] =	vst v63  }
0xcb: {  	_ =	swait.ge [sflag:s26], $0x800  }
0xcc: {  	[sflag:s26] =	ssyncset.done $0x0  }
0xcd: {  	[sflag:s26] =	ssyncadd.s32 $0xFFFFF800  }
0xce: {  	[spmem:s3] =	stream.indirect.scatter.add.f32 [tilespmem:s20], [sflag:$0x8], $0x8, s11, s18, $0xb8;
	[tilespmem:$0x7800] =	vst v63  }
0xcf: {  	_ =	swait.ge [sflag:s12], $0x800  }
0xd0: {  	[sflag:s12] =	ssyncset.done $0x0  }
0xd1: {  	[sflag:s12] =	ssyncadd.s32 $0xFFFFF800  }
0xd2: {  	_ =	swait.ge [sflag:s13], $0x800  }
0xd3: {  	[sflag:s13] =	ssyncset.done $0x0  }
0xd4: {  	[sflag:s13] =	ssyncadd.s32 $0xFFFFF800  }
0xd5: {  	_ =	swait.ge [sflag:s14], $0x800  }
0xd6: {  	[sflag:s14] =	ssyncset.done $0x0  }
0xd7: {  	[sflag:s14] =	ssyncadd.s32 $0xFFFFF800  }
0xd8: {  	_ =	swait.ge [sflag:s15], $0x800  }
0xd9: {  	[sflag:s15] =	ssyncset.done $0x0  }
0xda: {  	p0 =	sne.s32 s2, $0x1800;
	[sflag:s15] =	ssyncadd.s32 $0xFFFFF800  }
.Ltmp0:
0xdb: {  	_ =	swait.ge [sflag:s30], $0x800;
	(pc) =	sbr.rel @p0 .LBB2_2-.Ltmp0, $4  }
0xdc: {  	[sflag:s30] =	ssyncset.done $0x0  }
0xdd: {  	[sflag:s30] =	ssyncadd.s32 $0xFFFFF800  }
0xde: {  	_ =	swait.ge [sflag:s1], $0x800  }
0xdf: {  	s2 =	sadd.s32 $0x100, s2;
	s6 =	rddreg [dreg:$0x5];
	[sflag:s1] =	ssyncset.done $0x0  }
0xe0: {  	[sflag:s1] =	ssyncadd.s32 $0xFFFFF800;
	s2 =	sadd.s32 s25, s6  }
0xe1: {  	[tilespmem:s4], [sflag:$0xD] =	stream.linear.gather [hbm4b:s2+s4], $0x800, $0x38;
	[tilespmem:$0x7800] =	vst v63  }
0xe2: {  	_ =	swait.ge [sflag:s10], $0x800  }
0xe3: {  	s6 =	rddreg [dreg:$0x4];
	[sflag:s10] =	ssyncset.done $0x0  }
0xe4: {  	[sflag:s10] =	ssyncadd.s32 $0xFFFFF800;
	s2 =	sadd.s32 s25, s6  }
0xe5: {  	[tilespmem:s17], [sflag:$0xD] =	stream.linear.gather [hbm4b:s2+s4], $0x800, $0x38;
	[tilespmem:$0x7800] =	vst v63  }
0xe6: {  	_ =	swait.ge [sflag:s10], $0x800  }
0xe7: {  	[sflag:s10] =	ssyncset.done $0x0  }
0xe8: {  	[sflag:s10] =	ssyncadd.s32 $0xFFFFF800  }
0xe9: {  	[tilespmem:s19], [sflag:$0x1] =	stream.indirect.gather [hbm4b:s5+s18], $0x8, s4, s18, $0xb8;
	[tilespmem:$0x7800] =	vst v63  }
0xea: {  	_ = 	snop  }
0xeb: {  	[tilespmem:s20], [sflag:$0x2] =	stream.indirect.gather [hbm4b:s5+s18], $0x8, s18, s18, $0xb8;
	[tilespmem:$0x7800] =	vst v63  }
0xec: {  	s16 =	rddreg [dreg:$0x6]  }
0xed: {  	[tilespmem:s21], [sflag:$0x3] =	stream.indirect.gather [hbm4b:s5+s18], $0x8, s16, s18, $0xb8;
	[tilespmem:$0x7800] =	vst v63  }
0xee: {  	s25 =	rddreg [dreg:$0x7]  }
0xef: {  	[tilespmem:s22], [sflag:$0x4] =	stream.indirect.gather [hbm4b:s5+s18], $0x8, s25, s18, $0xb8;
	[tilespmem:$0x7800] =	vst v63  }
0xf0: {  	_ =	swait.ge [sflag:s23], $0x800  }
0xf1: {  	[sflag:s23] =	ssyncset.done $0x0  }
0xf2: {  	[sflag:s23] =	ssyncadd.s32 $0xFFFFF800  }
0xf3: {  	[spmem:s3] =	stream.indirect.scatter.add.f32 [tilespmem:s19], [sflag:$0x7], $0x8, s17, s18, $0xb8;
	[tilespmem:$0x7800] =	vst v63  }
0xf4: {  	s6 =	rddreg [dreg:$0x8]  }
0xf5: {  	[tilespmem:s24], [sflag:$0x5] =	stream.indirect.gather [hbm4b:s5+s18], $0x8, s6, s18, $0xb8;
	[tilespmem:$0x7800] =	vst v63  }
0xf6: {  	_ =	swait.ge [sflag:s26], $0x800  }
0xf7: {  	[sflag:s26] =	ssyncset.done $0x0  }
0xf8: {  	s16 =	rddreg [dreg:$0x9];
	[sflag:s26] =	ssyncadd.s32 $0xFFFFF800  }
0xf9: {  	[spmem:s3] =	stream.indirect.scatter.add.f32 [tilespmem:s20], [sflag:$0x8], $0x8, s16, s18, $0xb8;
	[tilespmem:$0x7800] =	vst v63  }
0xfa: {  	s25 =	rddreg [dreg:$0xa]  }
0xfb: {  	[tilespmem:s28], [sflag:$0x6] =	stream.indirect.gather [hbm4b:s5+s18], $0x8, s25, s18, $0xb8;
	[tilespmem:$0x7800] =	vst v63  }
0xfc: {  	_ =	swait.ge [sflag:s29], $0x800  }
0xfd: {  	[sflag:s29] =	ssyncset.done $0x0  }
0xfe: {  	s16 =	rddreg [dreg:$0xb];
	[sflag:s29] =	ssyncadd.s32 $0xFFFFF800  }
0xff: {  	[spmem:s3] =	stream.indirect.scatter.add.f32 [tilespmem:s21], [sflag:$0x9], $0x8, s16, s18, $0xb8;
	[tilespmem:$0x7800] =	vst v63  }
0x100: {  	_ =	swait.ge [sflag:s30], $0x800  }
0x101: {  	[sflag:s30] =	ssyncset.done $0x0  }
0x102: {  	s25 =	rddreg [dreg:$0xc];
	[sflag:s30] =	ssyncadd.s32 $0xFFFFF800  }
0x103: {  	[tilespmem:s19], [sflag:$0x1] =	stream.indirect.gather [hbm4b:s5+s18], $0x8, s25, s18, $0xb8;
	[tilespmem:$0x7800] =	vst v63  }
0x104: {  	_ =	swait.ge [sflag:s31], $0x800  }
0x105: {  	[sflag:s31] =	ssyncset.done $0x0  }
0x106: {  	s6 =	rddreg [dreg:$0xd];
	[sflag:s31] =	ssyncadd.s32 $0xFFFFF800  }
0x107: {  	[spmem:s3] =	stream.indirect.scatter.add.f32 [tilespmem:s22], [sflag:$0xA], $0x8, s6, s18, $0xb8;
	[tilespmem:$0x7800] =	vst v63  }
0x108: {  	_ =	swait.ge [sflag:s1], $0x800  }
0x109: {  	[sflag:s1] =	ssyncset.done $0x0  }
0x10a: {  	s16 =	rddreg [dreg:$0xe];
	[sflag:s1] =	ssyncadd.s32 $0xFFFFF800  }
0x10b: {  	[tilespmem:s20], [sflag:$0x2] =	stream.indirect.gather [hbm4b:s5+s18], $0x8, s16, s18, $0xb8;
	[tilespmem:$0x7800] =	vst v63  }
0x10c: {  	_ =	swait.ge [sflag:s0], $0x800  }
0x10d: {  	[sflag:s0] =	ssyncset.done $0x0  }
0x10e: {  	s25 =	rddreg [dreg:$0xf];
	[sflag:s0] =	ssyncadd.s32 $0xFFFFF800  }
0x10f: {  	[spmem:s3] =	stream.indirect.scatter.add.f32 [tilespmem:s24], [sflag:$0xB], $0x8, s25, s18, $0xb8;
	[tilespmem:$0x7800] =	vst v63  }
0x110: {  	_ =	swait.ge [sflag:s7], $0x800  }
0x111: {  	[sflag:s7] =	ssyncset.done $0x0  }
0x112: {  	[sflag:s7] =	ssyncadd.s32 $0xFFFFF800  }
0x113: {  	[spmem:s3] =	stream.indirect.scatter.add.f32 [tilespmem:s28], [sflag:$0xC], $0x8, s8, s18, $0xb8;
	[tilespmem:$0x7800] =	vst v63  }
0x114: {  	_ =	swait.ge [sflag:s23], $0x800  }
0x115: {  	[sflag:s23] =	ssyncset.done $0x0  }
0x116: {  	[sflag:s23] =	ssyncadd.s32 $0xFFFFF800  }
0x117: {  	[spmem:s3] =	stream.indirect.scatter.add.f32 [tilespmem:s19], [sflag:$0x7], $0x8, s9, s18, $0xb8;
	[tilespmem:$0x7800] =	vst v63  }
0x118: {  	_ =	swait.ge [sflag:s26], $0x800  }
0x119: {  	[sflag:s26] =	ssyncset.done $0x0  }
0x11a: {  	[sflag:s26] =	ssyncadd.s32 $0xFFFFF800  }
0x11b: {  	[spmem:s3] =	stream.indirect.scatter.add.f32 [tilespmem:s20], [sflag:$0x8], $0x8, s11, s18, $0xb8;
	[tilespmem:$0x7800] =	vst v63  }
0x11c: {  	_ =	swait.ge [sflag:s12], $0x800  }
0x11d: {  	[sflag:s12] =	ssyncset.done $0x0  }
0x11e: {  	[sflag:s12] =	ssyncadd.s32 $0xFFFFF800  }
0x11f: {  	_ =	swait.ge [sflag:s13], $0x800  }
0x120: {  	[sflag:s13] =	ssyncset.done $0x0  }
0x121: {  	[sflag:s13] =	ssyncadd.s32 $0xFFFFF800  }
0x122: {  	_ =	swait.ge [sflag:s14], $0x800  }
0x123: {  	[sflag:s14] =	ssyncset.done $0x0  }
0x124: {  	[sflag:s14] =	ssyncadd.s32 $0xFFFFF800  }
0x125: {  	_ =	swait.ge [sflag:s15], $0x800  }
0x126: {  	[sflag:s15] =	ssyncset.done $0x0  }
0x127: {  	[sflag:s15] =	ssyncadd.s32 $0xFFFFF800  }
0x128: {  	_ =	swait.ge [sflag:s30], $0x800  }
0x129: {  	[sflag:s30] =	ssyncset.done $0x0  }
0x12a: {  	[sflag:s30] =	ssyncadd.s32 $0xFFFFF800  }
0x12b: {  	_ =	swait.ge [sflag:s1], $0x800  }
0x12c: {  	[sflag:s1] =	ssyncset.done $0x0  }
0x12d: {  	[sflag:s1] =	ssyncadd.s32 $0xFFFFF800  }
0x12e: {  	[bflag:$0x0] =	sbarrier.arrive $0xFFFF  }
0x12f: {  	s16 =	rddreg [dreg:$0x10]  }
0x130: {  	s6 =	rddreg [dreg:$0x11]  }
0x131: {  	s25 =	rddreg [dreg:$0x1a]  }
0x132: {  	[hbm:s6], [sflag:s16] =	dma.local [spmem:s25], $0x680  }
0x133: {  	_ =	swait.ge [sflag:s10], $0x680  }
0x134: {  	s2 =	rddreg [dreg:$0x1b]  }
0x135: {  	s25 =	rddreg [dreg:$0x12];
	s6 =	sadd.s32 $0x1, s2  }
0x136: {  	p0 =	sne.s32 s6, s25  }
.Ltmp1:
0x137: {  	_ = 	snop;
	(pc) =	sbr.rel @p0 .LBB2_1-.Ltmp1, $3  }
0x138: {  	_ =	sdelay $0x1  }
0x139: {  	[sflag:s10] =	ssyncset.done $0x0  }
0x13a: {  	[sflag:s10] =	ssyncadd.s32 $0xFFFFF980  }
0x13b: {  	_ =	sfence.sel $0x180000  }
0x13c: {  	[bflag:$0x0] =	sbarrier.arrive $0xFFFF  }
0x13d: {  	_ =	strace $0x90000047  }
0x13e: {  	s0 =	stileid.u32;
	[bflag:$0x2] =	sbarrier.arrive $0xFFFF  }
0x13f: {  	p0 =	sne.s32 s0, $0x0;
	s0 =	rddreg [dreg:$0x3]  }
0x140: {  	s0 =	sadd.s32 @!p0 $0x100000, s0  }
0x141: {  	[sflag:s0] =	ssyncadd.tile.s32 @!p0 $0x1;
	_ =	shalt  }
.Lfunc_end2:
_tile_overlayer_lowered:
.L_overlay_start_2:
0x142: {  	(tag) =	ssettag $0x2  }
0x143: {  	s0 =	rddreg [dreg:$0x0];
	s2 =	stileid.u32  }
0x144: {  	s1 =	rddreg [dreg:$0x1];
	p0 =	sne.s32 s2, $0x0  }
0x145: {  	s3 =	rddreg [dreg:$0x2];
	[bflag:$0x3] =	sbarrier.arrive $0xFFFF;
	s2 =	simm.s32 @!p0 $0x1C0D  }
0x146: {  	[timem:s3], [sflag:s2] =	dma.local @!p0 [hbm:s0], s1  }
0x147: {  	s0 =	simm.s32 @!p0 $0xD  }
0x148: {  	_ =	swait.ge @!p0 [sflag:s0], s1  }
0x149: {  	s1 =	ssub.s32 @!p0 $0x0, s1;
	[sflag:s0] =	ssyncset.done @!p0 $0x0  }
0x14a: {  	[sflag:s0] =	ssyncadd.s32 @!p0 s1  }
0x14b: {  	[bflag:$0x3] =	sbarrier.arrive $0xFFFF  }
0x14c: {  	_ =	shalt  }

</sc_bundles>
